<compile_context>
chip_gen: v7x
topology: tpu7x:2x2x1
jax: 0.10.2.dev20260603
libtpu: 0.0.44.dev20260713+nightly
codegen_flags: <defaults>
</compile_context>

<pallas_src>
import functools

import jax
import jax.numpy as jnp
from jax import lax
from jax.experimental import pallas as pl
from jax.experimental.pallas import tpu as pltpu
from jax.experimental.pallas import tpu_sc as plsc


_PREC = lax.Precision.DEFAULT

_NC = 2
_NS = 16
_NW = _NC * _NS
_LANES = 16


def _mm(a, b):
    return jnp.dot(a, b, precision=_PREC, preferred_element_type=jnp.float32)



def _selector(x, af, im, sel_W1, sel_b1, sW2p, sb2p, tb=512):
    n, h = x.shape
    hq = sel_W1.shape[1]
    nb = n // tb

    def body(x_ref, af_ref, im_ref, sW1_ref, sb1_ref, sW2_ref, sb2_ref,
             sel_ref, rank_ref, cnt_ref, acc_ref):
        i = pl.program_id(0)

        @pl.when(i == 0)
        def _():
            acc_ref[...] = jnp.zeros_like(acc_ref)

        x_blk = x_ref[...]
        half = x_blk.shape[1] // 2
        comb_a = x_blk[:, :half] * af_ref[...]
        comb_b = x_blk[:, half:] * im_ref[...]
        hsel = _mm(comb_a, sW1_ref[:half, :]) + _mm(comb_b, sW1_ref[half:, :])
        hsel = jnp.maximum(hsel + sb1_ref[...], 0.0)
        logits = _mm(hsel, sW2_ref[...]) + sb2_ref[...]
        l0 = logits[:, 0:1]
        l1 = logits[:, 1:2]
        l2 = logits[:, 2:3]
        sel1 = l1 > l0
        sel2 = l2 > jnp.maximum(l0, l1)
        e = jnp.where(sel2, 2, jnp.where(sel1, 1, 0)).astype(jnp.int32)
        sel_ref[...] = e

        lane = lax.broadcasted_iota(jnp.int32, (tb, 128), 1)
        onehot = (lane == e).astype(jnp.float32)
        row_i = lax.broadcasted_iota(jnp.int32, (tb, tb), 0)
        col_i = lax.broadcasted_iota(jnp.int32, (tb, tb), 1)
        tri = (col_i <= row_i).astype(jnp.float32)
        pref = _mm(tri, onehot)
        acc = acc_ref[...]
        rank = jnp.sum((pref + acc) * onehot, axis=1, keepdims=True)
        rank_ref[...] = rank.astype(jnp.int32)
        acc_new = acc + pref[tb - 1:tb, :]
        acc_ref[...] = acc_new
        cnt_ref[...] = acc_new

    return pl.pallas_call(
        body,
        grid=(nb,),
        in_specs=[
            pl.BlockSpec((tb, h), lambda i: (i, 0)),
            pl.BlockSpec((tb, 1), lambda i: (i, 0)),
            pl.BlockSpec((tb, 1), lambda i: (i, 0)),
            pl.BlockSpec((h, hq), lambda i: (0, 0)),
            pl.BlockSpec((hq,), lambda i: (0,)),
            pl.BlockSpec((hq, 128), lambda i: (0, 0)),
            pl.BlockSpec((128,), lambda i: (0,)),
        ],
        out_specs=[
            pl.BlockSpec((tb, 1), lambda i: (i, 0)),
            pl.BlockSpec((tb, 1), lambda i: (i, 0)),
            pl.BlockSpec((1, 128), lambda i: (0, 0)),
        ],
        out_shape=[
            jax.ShapeDtypeStruct((n, 1), jnp.int32),
            jax.ShapeDtypeStruct((n, 1), jnp.int32),
            jax.ShapeDtypeStruct((1, 128), jnp.float32),
        ],
        scratch_shapes=[pltpu.VMEM((1, 128), jnp.float32)],
    )(x, af, im, sel_W1, sel_b1, sW2p, sb2p)



def _permute_fwd(x, sel, rank, o1v, o2v, ch=16):
    n, h = x.shape
    rows_per_tile = n // _NW
    nchunk = rows_per_tile // ch
    mesh = plsc.VectorSubcoreMesh(core_axis_name="c", subcore_axis_name="s")

    idx_scratch = [pltpu.VMEM((_LANES,), jnp.int32) for _ in range(nchunk)]

    @functools.partial(
        pl.kernel,
        out_type=jax.ShapeDtypeStruct((n, h), jnp.float32),
        mesh=mesh,
        scratch_types=[pltpu.VMEM((rows_per_tile,), jnp.int32),
                       pltpu.VMEM((rows_per_tile,), jnp.int32),
                       pltpu.VMEM((_LANES,), jnp.int32),
                       pltpu.VMEM((_LANES,), jnp.int32)]
                      + idx_scratch
                      + [pltpu.VMEM((ch, h), jnp.float32),
                         pltpu.VMEM((ch, h), jnp.float32),
                         pltpu.SemaphoreType.DMA,
                         pltpu.SemaphoreType.DMA],
    )
    def k(x_hbm, sel_hbm, rank_hbm, o1_hbm, o2_hbm, xp_hbm,
          sel_all, rank_all, o1_s, o2_s, *rest):
        idxs = rest[:nchunk]
        rows0, rows1, s0, s1 = rest[nchunk:]
        wid = lax.axis_index("s") * _NC + lax.axis_index("c")
        base = wid * rows_per_tile
        pltpu.sync_copy(sel_hbm.at[pl.ds(base, rows_per_tile)], sel_all)
        pltpu.sync_copy(rank_hbm.at[pl.ds(base, rows_per_tile)], rank_all)
        pltpu.sync_copy(o1_hbm, o1_s)
        pltpu.sync_copy(o2_hbm, o2_s)
        o1 = o1_s[...]
        o2 = o2_s[...]
        for c in range(nchunk):
            v = sel_all[pl.ds(c * ch, ch)]
            r = rank_all[pl.ds(c * ch, ch)]
            idxs[c][...] = r - 1 + (v & 1) * o1 + (v >> 1) * o2
        rows = (rows0, rows1)
        sems = (s0, s1)
        wb = [None, None]
        for c in range(nchunk):
            sl = c % 2
            if wb[sl] is not None:
                wb[sl].wait()
            off = base + c * ch
            pltpu.sync_copy(x_hbm.at[pl.ds(off, ch)], rows[sl])
            wb[sl] = pltpu.async_copy(rows[sl], xp_hbm.at[idxs[c]], sems[sl])
        for hnd in wb:
            if hnd is not None:
                hnd.wait()

    return k(x, sel, rank, o1v, o2v)


def _permute_inv(yp, sel, rank, o1v, o2v, ch=16):
    n, h = yp.shape
    rows_per_tile = n // _NW
    nchunk = rows_per_tile // ch
    mesh = plsc.VectorSubcoreMesh(core_axis_name="c", subcore_axis_name="s")

    idx_scratch = [pltpu.VMEM((_LANES,), jnp.int32) for _ in range(nchunk)]

    @functools.partial(
        pl.kernel,
        out_type=jax.ShapeDtypeStruct((n, h), jnp.float32),
        mesh=mesh,
        scratch_types=[pltpu.VMEM((rows_per_tile,), jnp.int32),
                       pltpu.VMEM((rows_per_tile,), jnp.int32),
                       pltpu.VMEM((_LANES,), jnp.int32),
                       pltpu.VMEM((_LANES,), jnp.int32)]
                      + idx_scratch
                      + [pltpu.VMEM((ch, h), jnp.float32),
                         pltpu.VMEM((ch, h), jnp.float32),
                         pltpu.SemaphoreType.DMA,
                         pltpu.SemaphoreType.DMA,
                         pltpu.SemaphoreType.DMA,
                         pltpu.SemaphoreType.DMA],
    )
    def k(yp_hbm, sel_hbm, rank_hbm, o1_hbm, o2_hbm, out_hbm,
          sel_all, rank_all, o1_s, o2_s, *rest):
        idxs = rest[:nchunk]
        rows0, rows1, g0, g1, w0, w1 = rest[nchunk:]
        wid = lax.axis_index("s") * _NC + lax.axis_index("c")
        base = wid * rows_per_tile
        pltpu.sync_copy(sel_hbm.at[pl.ds(base, rows_per_tile)], sel_all)
        pltpu.sync_copy(rank_hbm.at[pl.ds(base, rows_per_tile)], rank_all)
        pltpu.sync_copy(o1_hbm, o1_s)
        pltpu.sync_copy(o2_hbm, o2_s)
        o1 = o1_s[...]
        o2 = o2_s[...]
        for c in range(nchunk):
            v = sel_all[pl.ds(c * ch, ch)]
            r = rank_all[pl.ds(c * ch, ch)]
            idxs[c][...] = r - 1 + (v & 1) * o1 + (v >> 1) * o2
        rows = (rows0, rows1)
        gsem = (g0, g1)
        wsem = (w0, w1)
        gh = [None, None]
        wb = [None, None]
        for c in range(nchunk):
            sl = c % 2
            if wb[sl] is not None:
                wb[sl].wait()
            gh[sl] = pltpu.async_copy(yp_hbm.at[idxs[c]], rows[sl], gsem[sl])
            gh[sl].wait()
            off = base + c * ch
            wb[sl] = pltpu.async_copy(rows[sl], out_hbm.at[pl.ds(off, ch)],
                                      wsem[sl])
        for hnd in wb:
            if hnd is not None:
                hnd.wait()

    return k(yp, sel, rank, o1v, o2v)



def _experts(xp, offs,
             comp_W1, comp_b1, adapt_W1, adapt_b1, decomp_W1, decomp_b1,
             comp_W2, comp_b2, adapt_W2, adapt_b2, decomp_W2, decomp_b2,
             tb=256):
    n, h = xp.shape
    nb = n // tb

    def body(offs_ref, xp_ref,
             cW1_ref, cb1_ref, aW1_ref, ab1_ref, dW1_ref, db1_ref,
             cW2_ref, cb2_ref, aW2_ref, ab2_ref, dW2_ref, db2_ref,
             out_ref):
        o1 = offs_ref[0]
        o2 = offs_ref[1]
        r0 = pl.program_id(0) * tb
        x_blk = xp_ref[...]
        out_ref[...] = x_blk
        ridx = lax.broadcasted_iota(jnp.int32, (tb, 1), 0) + r0

        @pl.when((r0 + tb > o1) & (r0 < o2))
        def _():
            d1 = _mm(_mm(_mm(x_blk, cW1_ref[...]) + cb1_ref[...],
                         aW1_ref[...]) + ab1_ref[...],
                     dW1_ref[...]) + db1_ref[...]
            m = (ridx >= o1) & (ridx < o2)
            out_ref[...] = jnp.where(m, d1, out_ref[...])

        @pl.when(r0 + tb > o2)
        def _():
            d2 = _mm(_mm(_mm(x_blk, cW2_ref[...]) + cb2_ref[...],
                         aW2_ref[...]) + ab2_ref[...],
                     dW2_ref[...]) + db2_ref[...]
            out_ref[...] = jnp.where(ridx >= o2, d2, out_ref[...])

    grid_spec = pltpu.PrefetchScalarGridSpec(
        num_scalar_prefetch=1,
        grid=(nb,),
        in_specs=[
            pl.BlockSpec((tb, h), lambda i, offs: (i, 0)),
            pl.BlockSpec((h, h // 2), lambda i, offs: (0, 0)),
            pl.BlockSpec((h // 2,), lambda i, offs: (0,)),
            pl.BlockSpec((h // 2, h // 2), lambda i, offs: (0, 0)),
            pl.BlockSpec((h // 2,), lambda i, offs: (0,)),
            pl.BlockSpec((h // 2, h), lambda i, offs: (0, 0)),
            pl.BlockSpec((h,), lambda i, offs: (0,)),
            pl.BlockSpec((h, h // 4), lambda i, offs: (0, 0)),
            pl.BlockSpec((h // 4,), lambda i, offs: (0,)),
            pl.BlockSpec((h // 4, h // 4), lambda i, offs: (0, 0)),
            pl.BlockSpec((h // 4,), lambda i, offs: (0,)),
            pl.BlockSpec((h // 4, h), lambda i, offs: (0, 0)),
            pl.BlockSpec((h,), lambda i, offs: (0,)),
        ],
        out_specs=pl.BlockSpec((tb, h), lambda i, offs: (i, 0)),
    )

    return pl.pallas_call(
        body,
        grid_spec=grid_spec,
        out_shape=jax.ShapeDtypeStruct((n, h), jnp.float32),
    )(offs, xp,
      comp_W1, comp_b1, adapt_W1, adapt_b1, decomp_W1, decomp_b1,
      comp_W2, comp_b2, adapt_W2, adapt_b2, decomp_W2, decomp_b2)




def kernel(hidden_states, access_frequency, importance_score,
           sel_W1, sel_b1, sel_W2, sel_b2,
           comp_W1, comp_b1, adapt_W1, adapt_b1, decomp_W1, decomp_b1,
           comp_W2, comp_b2, adapt_W2, adapt_b2, decomp_W2, decomp_b2):
    b, s, h = hidden_states.shape
    n = b * s
    x = hidden_states.reshape(n, h)
    af = access_frequency.reshape(n, 1)
    im = importance_score.reshape(n, 1)
    hq = sel_W1.shape[1]
    nl = sel_W2.shape[1]
    sW2p = jnp.zeros((hq, 128), sel_W2.dtype).at[:, :nl].set(sel_W2)
    sb2p = jnp.zeros((128,), sel_b2.dtype).at[:nl].set(sel_b2)

    sel2d, rank2d, counts = _selector(x, af, im, sel_W1, sel_b1, sW2p, sb2p)
    sel = sel2d.reshape(n)
    rank = rank2d.reshape(n)
    c0 = counts[0, 0].astype(jnp.int32)
    c1 = counts[0, 1].astype(jnp.int32)
    o1 = c0
    o2 = c0 + c1
    o1v = jnp.full((_LANES,), o1, jnp.int32)
    o2v = jnp.full((_LANES,), o2, jnp.int32)
    offs = jnp.stack([o1, o2])

    xp = _permute_fwd(x, sel, rank, o1v, o2v)
    yp = _experts(xp, offs,
                  comp_W1, comp_b1, adapt_W1, adapt_b1, decomp_W1, decomp_b1,
                  comp_W2, comp_b2, adapt_W2, adapt_b2, decomp_W2, decomp_b2)
    out = _permute_inv(yp, sel, rank, o1v, o2v)
    return out.reshape(b, s, h)

# --- scband reference (transcript-rebuilt; emitter-appended) ---
"""Pipeline reference for scband-hierarchical-memory-compressor-13932873908444 (READ-ONLY COPY).

The authoritative reference and input builder live on the scoring server;
editing this copy changes nothing except your own understanding.
"""

import jax, jax.numpy as jnp
import numpy as np

B, S, H = 2, 2048, 2048
L = 3

def setup_inputs(seed: int = 0) -> dict:
    key = jax.random.key(seed)
    ks = jax.random.split(key, 12)
    inp = {}
    inp["hidden_states"] = jax.random.normal(ks[0], (B, S, H), dtype=jnp.float32)
    inp["access_frequency"] = jax.random.uniform(ks[1], (B, S), dtype=jnp.float32)
    inp["importance_score"] = jax.random.uniform(ks[2], (B, S), dtype=jnp.float32)
    def lin(k, fan_in, fan_out):
        return jax.random.normal(k, (fan_in, fan_out), dtype=jnp.float32) * (1.0 / np.sqrt(fan_in))
    # strategy selector: Linear(H, H//4) -> ReLU -> Linear(H//4, L) -> Softmax
    inp["sel_W1"] = lin(ks[3], H, H // 4); inp["sel_b1"] = jnp.zeros((H // 4,), dtype=jnp.float32)
    inp["sel_W2"] = lin(ks[4], H // 4, L); inp["sel_b2"] = jnp.zeros((L,), dtype=jnp.float32)
    # level 1: H -> H/2 -> H/2 -> H
    inp["comp_W1"] = lin(ks[5], H, H // 2); inp["comp_b1"] = jnp.zeros((H // 2,), dtype=jnp.float32)
    inp["adapt_W1"] = lin(ks[6], H // 2, H // 2); inp["adapt_b1"] = jnp.zeros((H // 2,), dtype=jnp.float32)
    inp["decomp_W1"] = lin(ks[7], H // 2, H); inp["decomp_b1"] = jnp.zeros((H,), dtype=jnp.float32)
    # level 2: H -> H/4 -> H/4 -> H
    inp["comp_W2"] = lin(ks[8], H, H // 4); inp["comp_b2"] = jnp.zeros((H // 4,), dtype=jnp.float32)
    inp["adapt_W2"] = lin(ks[9], H // 4, H // 4); inp["adapt_b2"] = jnp.zeros((H // 4,), dtype=jnp.float32)
    inp["decomp_W2"] = lin(ks[10], H // 4, H); inp["decomp_b2"] = jnp.zeros((H,), dtype=jnp.float32)
    return inp

def reference(hidden_states, access_frequency, importance_score,
              sel_W1, sel_b1, sel_W2, sel_b2,
              comp_W1, comp_b1, adapt_W1, adapt_b1, decomp_W1, decomp_b1,
              comp_W2, comp_b2, adapt_W2, adapt_b2, decomp_W2, decomp_b2):
    b, s, h = hidden_states.shape
    half = h // 2
    # _get_compression_strategy: modulate halves by access frequency / importance
    combined = jnp.concatenate([
        hidden_states[..., :half] * access_frequency[..., None],
        hidden_states[..., half:] * importance_score[..., None],
    ], axis=-1)
    hsel = jax.nn.relu(combined @ sel_W1 + sel_b1)
    strategy_weights = jax.nn.softmax(hsel @ sel_W2 + sel_b2, axis=-1)  # [B,S,L]
    selected = jnp.argmax(strategy_weights, axis=-1)  # [B,S]
    # level 0: identity
    out = hidden_states
    # level 1: compress -> frequency adaptor -> decompress
    d1 = ((hidden_states @ comp_W1 + comp_b1) @ adapt_W1 + adapt_b1) @ decomp_W1 + decomp_b1
    out = jnp.where((selected == 1)[..., None], d1, out)
    # level 2
    d2 = ((hidden_states @ comp_W2 + comp_b2) @ adapt_W2 + adapt_b2) @ decomp_W2 + decomp_b2
    out = jnp.where((selected == 2)[..., None], d2, out)
    return out

if __name__ == "__main__":
    import jax
    _d = setup_inputs()
    print(jax.jit(kernel)(*tuple(_d.values())))

</pallas_src>

<mosaic_0001>
#map = affine_map<(d0, d1) -> (0, 0)>
#map1 = affine_map<(d0, d1) -> (0)>
module attributes {stable_mosaic.version = 14 : i64} {
  func.func @k(%arg0: i32, %arg1: i32, %arg2: memref<4096x2048xf32, #tpu.memory_space<hbm>>, %arg3: memref<4096xi32, #tpu.memory_space<hbm>>, %arg4: memref<4096xi32, #tpu.memory_space<hbm>>, %arg5: memref<16xi32, #tpu.memory_space<hbm>>, %arg6: memref<16xi32, #tpu.memory_space<hbm>>, %arg7: memref<4096x2048xf32, #tpu.memory_space<hbm>>, %arg8: memref<128xi32, #tpu.memory_space<vmem>>, %arg9: memref<128xi32, #tpu.memory_space<vmem>>, %arg10: memref<16xi32, #tpu.memory_space<vmem>>, %arg11: memref<16xi32, #tpu.memory_space<vmem>>, %arg12: memref<16xi32, #tpu.memory_space<vmem>>, %arg13: memref<16xi32, #tpu.memory_space<vmem>>, %arg14: memref<16xi32, #tpu.memory_space<vmem>>, %arg15: memref<16xi32, #tpu.memory_space<vmem>>, %arg16: memref<16xi32, #tpu.memory_space<vmem>>, %arg17: memref<16xi32, #tpu.memory_space<vmem>>, %arg18: memref<16xi32, #tpu.memory_space<vmem>>, %arg19: memref<16xi32, #tpu.memory_space<vmem>>, %arg20: memref<16x2048xf32, #tpu.memory_space<vmem>>, %arg21: memref<16x2048xf32, #tpu.memory_space<vmem>>, %arg22: memref<!tpu.dma_semaphore, #tpu.memory_space<semaphore_mem>>, %arg23: memref<!tpu.dma_semaphore, #tpu.memory_space<semaphore_mem>>) attributes {dimension_semantics = [#tpu.dimension_semantics<core_parallel>, #tpu.dimension_semantics<subcore_parallel>], iteration_bounds = array<i64: 2, 16>, scalar_prefetch = 0 : i64, scratch_operands = 16 : i64, tpu.core_type = #tpu.core_type<sc_vector_subcore>, window_params = [{transform_indices = #map}, {transform_indices = #map1}, {transform_indices = #map1}, {transform_indices = #map1}, {transform_indices = #map1}, {transform_indices = #map}]} {
    %mul3A = arith.constant 2 : i32
    %mul3A_0 = arith.muli %arg1, %mul3A : i32
    %add3A = arith.addi %mul3A_0, %arg0 : i32
    %mul3A_1 = arith.constant 128 : i32
    %mul3A_2 = arith.muli %add3A, %mul3A_1 : i32
    "tpu.region"() ({
      %run_scoped3A = tpu.sem_alloc : memref<!tpu.dma_semaphore, #tpu.memory_space<semaphore_mem>>
      %dma_start3A_250 = tpu.memref_slice %arg3[%mul3A_2] : memref<4096xi32, #tpu.memory_space<hbm>> -> memref<128xi32, #tpu.memory_space<hbm>>
      %dma_start3A_251 = tpu.memref_slice %arg3[%mul3A_2] : memref<4096xi32, #tpu.memory_space<hbm>> -> memref<128xi32, #tpu.memory_space<hbm>>
      tpu.enqueue_dma source(%dma_start3A_251 : memref<128xi32, #tpu.memory_space<hbm>>) target(%arg8 : memref<128xi32, #tpu.memory_space<vmem>>) target_semaphore(%run_scoped3A : memref<!tpu.dma_semaphore, #tpu.memory_space<semaphore_mem>>)
      %dma_wait3A_252 = tpu.memref_slice %arg3[%mul3A_2] : memref<4096xi32, #tpu.memory_space<hbm>> -> memref<128xi32, #tpu.memory_space<hbm>>
      %dma_wait3A_253 = tpu.memref_slice %arg3[%mul3A_2] : memref<4096xi32, #tpu.memory_space<hbm>> -> memref<128xi32, #tpu.memory_space<hbm>>
      tpu.wait_dma2 semaphore(%run_scoped3A : memref<!tpu.dma_semaphore, #tpu.memory_space<semaphore_mem>>) src(%dma_wait3A_253 : memref<128xi32, #tpu.memory_space<hbm>>) dst(%arg8 : memref<128xi32, #tpu.memory_space<vmem>>)
      tpu.yield
    }) : () -> ()
    "tpu.region"() ({
      %run_scoped3A = tpu.sem_alloc : memref<!tpu.dma_semaphore, #tpu.memory_space<semaphore_mem>>
      %dma_start3A_250 = tpu.memref_slice %arg4[%mul3A_2] : memref<4096xi32, #tpu.memory_space<hbm>> -> memref<128xi32, #tpu.memory_space<hbm>>
      %dma_start3A_251 = tpu.memref_slice %arg4[%mul3A_2] : memref<4096xi32, #tpu.memory_space<hbm>> -> memref<128xi32, #tpu.memory_space<hbm>>
      tpu.enqueue_dma source(%dma_start3A_251 : memref<128xi32, #tpu.memory_space<hbm>>) target(%arg9 : memref<128xi32, #tpu.memory_space<vmem>>) target_semaphore(%run_scoped3A : memref<!tpu.dma_semaphore, #tpu.memory_space<semaphore_mem>>)
      %dma_wait3A_252 = tpu.memref_slice %arg4[%mul3A_2] : memref<4096xi32, #tpu.memory_space<hbm>> -> memref<128xi32, #tpu.memory_space<hbm>>
      %dma_wait3A_253 = tpu.memref_slice %arg4[%mul3A_2] : memref<4096xi32, #tpu.memory_space<hbm>> -> memref<128xi32, #tpu.memory_space<hbm>>
      tpu.wait_dma2 semaphore(%run_scoped3A : memref<!tpu.dma_semaphore, #tpu.memory_space<semaphore_mem>>) src(%dma_wait3A_253 : memref<128xi32, #tpu.memory_space<hbm>>) dst(%arg9 : memref<128xi32, #tpu.memory_space<vmem>>)
      tpu.yield
    }) : () -> ()
    "tpu.region"() ({
      %run_scoped3A = tpu.sem_alloc : memref<!tpu.dma_semaphore, #tpu.memory_space<semaphore_mem>>
      tpu.enqueue_dma source(%arg5 : memref<16xi32, #tpu.memory_space<hbm>>) target(%arg10 : memref<16xi32, #tpu.memory_space<vmem>>) target_semaphore(%run_scoped3A : memref<!tpu.dma_semaphore, #tpu.memory_space<semaphore_mem>>)
      tpu.wait_dma2 semaphore(%run_scoped3A : memref<!tpu.dma_semaphore, #tpu.memory_space<semaphore_mem>>) src(%arg5 : memref<16xi32, #tpu.memory_space<hbm>>) dst(%arg10 : memref<16xi32, #tpu.memory_space<vmem>>)
      tpu.yield
    }) : () -> ()
    "tpu.region"() ({
      %run_scoped3A = tpu.sem_alloc : memref<!tpu.dma_semaphore, #tpu.memory_space<semaphore_mem>>
      tpu.enqueue_dma source(%arg6 : memref<16xi32, #tpu.memory_space<hbm>>) target(%arg11 : memref<16xi32, #tpu.memory_space<vmem>>) target_semaphore(%run_scoped3A : memref<!tpu.dma_semaphore, #tpu.memory_space<semaphore_mem>>)
      tpu.wait_dma2 semaphore(%run_scoped3A : memref<!tpu.dma_semaphore, #tpu.memory_space<semaphore_mem>>) src(%arg6 : memref<16xi32, #tpu.memory_space<hbm>>) dst(%arg11 : memref<16xi32, #tpu.memory_space<vmem>>)
      tpu.yield
    }) : () -> ()
    %get3A = arith.constant 0 : index
    %get3A_3 = tpu.vector_load %arg10[%get3A] {strides = array<i32>} : memref<16xi32, #tpu.memory_space<vmem>>, vector<16xi32>,
    %get3A_4 = vector.shape_cast %get3A_3 : vector<16xi32> to vector<16xi32>
    %get3A_5 = arith.constant 0 : index
    %get3A_6 = tpu.vector_load %arg11[%get3A_5] {strides = array<i32>} : memref<16xi32, #tpu.memory_space<vmem>>, vector<16xi32>,
    %get3A_7 = vector.shape_cast %get3A_6 : vector<16xi32> to vector<16xi32>
    %get3A_8 = arith.constant 0 : index
    %get3A_9 = tpu.vector_load %arg8[%get3A_8] {strides = array<i32>} : memref<128xi32, #tpu.memory_space<vmem>>, vector<16xi32>,
    %get3A_10 = vector.shape_cast %get3A_9 : vector<16xi32> to vector<16xi32>
    %get3A_11 = arith.constant 0 : index
    %get3A_12 = tpu.vector_load %arg9[%get3A_11] {strides = array<i32>} : memref<128xi32, #tpu.memory_space<vmem>>, vector<16xi32>,
    %get3A_13 = vector.shape_cast %get3A_12 : vector<16xi32> to vector<16xi32>
    %sub3A = arith.constant 1 : i32
    %sub3A_14 = vector.broadcast %sub3A : i32 to vector<16xi32>
    %sub3A_15 = arith.subi %get3A_13, %sub3A_14 : vector<16xi32>
    %and3A = arith.constant 1 : i32
    %and3A_16 = vector.broadcast %and3A : i32 to vector<16xi32>
    %and3A_17 = arith.andi %get3A_10, %and3A_16 : vector<16xi32>
    %mul3A_18 = arith.muli %and3A_17, %get3A_4 : vector<16xi32>
    %add3A_19 = arith.addi %sub3A_15, %mul3A_18 : vector<16xi32>
    %shift_right_arithmetic3A = arith.constant 1 : i32
    %shift_right_arithmetic3A_20 = vector.broadcast %shift_right_arithmetic3A : i32 to vector<16xi32>
    %shift_right_arithmetic3A_21 = arith.shrsi %get3A_10, %shift_right_arithmetic3A_20 : vector<16xi32>
    %mul3A_22 = arith.muli %shift_right_arithmetic3A_21, %get3A_7 : vector<16xi32>
    %add3A_23 = arith.addi %add3A_19, %mul3A_22 : vector<16xi32>
    %swap3A = arith.constant 0 : index
    %swap3A_24 = tpu.vector_load %arg12[%swap3A] {strides = array<i32>} : memref<16xi32, #tpu.memory_space<vmem>>, vector<16xi32>,
    %swap3A_25 = vector.shape_cast %swap3A_24 : vector<16xi32> to vector<16xi32>
    %swap3A_26 = vector.shape_cast %add3A_23 : vector<16xi32> to vector<16xi32>
    tpu.vector_store %arg12[%swap3A], %swap3A_26 {strides = array<i32>} : memref<16xi32, #tpu.memory_space<vmem>>, vector<16xi32>,
    %get3A_27 = arith.constant 16 : index
    %get3A_28 = tpu.vector_load %arg8[%get3A_27] {strides = array<i32>} : memref<128xi32, #tpu.memory_space<vmem>>, vector<16xi32>,
    %get3A_29 = vector.shape_cast %get3A_28 : vector<16xi32> to vector<16xi32>
    %get3A_30 = arith.constant 16 : index
    %get3A_31 = tpu.vector_load %arg9[%get3A_30] {strides = array<i32>} : memref<128xi32, #tpu.memory_space<vmem>>, vector<16xi32>,
    %get3A_32 = vector.shape_cast %get3A_31 : vector<16xi32> to vector<16xi32>
    %sub3A_33 = arith.constant 1 : i32
    %sub3A_34 = vector.broadcast %sub3A_33 : i32 to vector<16xi32>
    %sub3A_35 = arith.subi %get3A_32, %sub3A_34 : vector<16xi32>
    %and3A_36 = arith.constant 1 : i32
    %and3A_37 = vector.broadcast %and3A_36 : i32 to vector<16xi32>
    %and3A_38 = arith.andi %get3A_29, %and3A_37 : vector<16xi32>
    %mul3A_39 = arith.muli %and3A_38, %get3A_4 : vector<16xi32>
    %add3A_40 = arith.addi %sub3A_35, %mul3A_39 : vector<16xi32>
    %shift_right_arithmetic3A_41 = arith.constant 1 : i32
    %shift_right_arithmetic3A_42 = vector.broadcast %shift_right_arithmetic3A_41 : i32 to vector<16xi32>
    %shift_right_arithmetic3A_43 = arith.shrsi %get3A_29, %shift_right_arithmetic3A_42 : vector<16xi32>
    %mul3A_44 = arith.muli %shift_right_arithmetic3A_43, %get3A_7 : vector<16xi32>
    %add3A_45 = arith.addi %add3A_40, %mul3A_44 : vector<16xi32>
    %swap3A_46 = arith.constant 0 : index
    %swap3A_47 = tpu.vector_load %arg13[%swap3A_46] {strides = array<i32>} : memref<16xi32, #tpu.memory_space<vmem>>, vector<16xi32>,
    %swap3A_48 = vector.shape_cast %swap3A_47 : vector<16xi32> to vector<16xi32>
    %swap3A_49 = vector.shape_cast %add3A_45 : vector<16xi32> to vector<16xi32>
    tpu.vector_store %arg13[%swap3A_46], %swap3A_49 {strides = array<i32>} : memref<16xi32, #tpu.memory_space<vmem>>, vector<16xi32>,
    %get3A_50 = arith.constant 32 : index
    %get3A_51 = tpu.vector_load %arg8[%get3A_50] {strides = array<i32>} : memref<128xi32, #tpu.memory_space<vmem>>, vector<16xi32>,
    %get3A_52 = vector.shape_cast %get3A_51 : vector<16xi32> to vector<16xi32>
    %get3A_53 = arith.constant 32 : index
    %get3A_54 = tpu.vector_load %arg9[%get3A_53] {strides = array<i32>} : memref<128xi32, #tpu.memory_space<vmem>>, vector<16xi32>,
    %get3A_55 = vector.shape_cast %get3A_54 : vector<16xi32> to vector<16xi32>
    %sub3A_56 = arith.constant 1 : i32
    %sub3A_57 = vector.broadcast %sub3A_56 : i32 to vector<16xi32>
    %sub3A_58 = arith.subi %get3A_55, %sub3A_57 : vector<16xi32>
    %and3A_59 = arith.constant 1 : i32
    %and3A_60 = vector.broadcast %and3A_59 : i32 to vector<16xi32>
    %and3A_61 = arith.andi %get3A_52, %and3A_60 : vector<16xi32>
    %mul3A_62 = arith.muli %and3A_61, %get3A_4 : vector<16xi32>
    %add3A_63 = arith.addi %sub3A_58, %mul3A_62 : vector<16xi32>
    %shift_right_arithmetic3A_64 = arith.constant 1 : i32
    %shift_right_arithmetic3A_65 = vector.broadcast %shift_right_arithmetic3A_64 : i32 to vector<16xi32>
    %shift_right_arithmetic3A_66 = arith.shrsi %get3A_52, %shift_right_arithmetic3A_65 : vector<16xi32>
    %mul3A_67 = arith.muli %shift_right_arithmetic3A_66, %get3A_7 : vector<16xi32>
    %add3A_68 = arith.addi %add3A_63, %mul3A_67 : vector<16xi32>
    %swap3A_69 = arith.constant 0 : index
    %swap3A_70 = tpu.vector_load %arg14[%swap3A_69] {strides = array<i32>} : memref<16xi32, #tpu.memory_space<vmem>>, vector<16xi32>,
    %swap3A_71 = vector.shape_cast %swap3A_70 : vector<16xi32> to vector<16xi32>
    %swap3A_72 = vector.shape_cast %add3A_68 : vector<16xi32> to vector<16xi32>
    tpu.vector_store %arg14[%swap3A_69], %swap3A_72 {strides = array<i32>} : memref<16xi32, #tpu.memory_space<vmem>>, vector<16xi32>,
    %get3A_73 = arith.constant 48 : index
    %get3A_74 = tpu.vector_load %arg8[%get3A_73] {strides = array<i32>} : memref<128xi32, #tpu.memory_space<vmem>>, vector<16xi32>,
    %get3A_75 = vector.shape_cast %get3A_74 : vector<16xi32> to vector<16xi32>
    %get3A_76 = arith.constant 48 : index
    %get3A_77 = tpu.vector_load %arg9[%get3A_76] {strides = array<i32>} : memref<128xi32, #tpu.memory_space<vmem>>, vector<16xi32>,
    %get3A_78 = vector.shape_cast %get3A_77 : vector<16xi32> to vector<16xi32>
    %sub3A_79 = arith.constant 1 : i32
    %sub3A_80 = vector.broadcast %sub3A_79 : i32 to vector<16xi32>
    %sub3A_81 = arith.subi %get3A_78, %sub3A_80 : vector<16xi32>
    %and3A_82 = arith.constant 1 : i32
    %and3A_83 = vector.broadcast %and3A_82 : i32 to vector<16xi32>
    %and3A_84 = arith.andi %get3A_75, %and3A_83 : vector<16xi32>
    %mul3A_85 = arith.muli %and3A_84, %get3A_4 : vector<16xi32>
    %add3A_86 = arith.addi %sub3A_81, %mul3A_85 : vector<16xi32>
    %shift_right_arithmetic3A_87 = arith.constant 1 : i32
    %shift_right_arithmetic3A_88 = vector.broadcast %shift_right_arithmetic3A_87 : i32 to vector<16xi32>
    %shift_right_arithmetic3A_89 = arith.shrsi %get3A_75, %shift_right_arithmetic3A_88 : vector<16xi32>
    %mul3A_90 = arith.muli %shift_right_arithmetic3A_89, %get3A_7 : vector<16xi32>
    %add3A_91 = arith.addi %add3A_86, %mul3A_90 : vector<16xi32>
    %swap3A_92 = arith.constant 0 : index
    %swap3A_93 = tpu.vector_load %arg15[%swap3A_92] {strides = array<i32>} : memref<16xi32, #tpu.memory_space<vmem>>, vector<16xi32>,
    %swap3A_94 = vector.shape_cast %swap3A_93 : vector<16xi32> to vector<16xi32>
    %swap3A_95 = vector.shape_cast %add3A_91 : vector<16xi32> to vector<16xi32>
    tpu.vector_store %arg15[%swap3A_92], %swap3A_95 {strides = array<i32>} : memref<16xi32, #tpu.memory_space<vmem>>, vector<16xi32>,
    %get3A_96 = arith.constant 64 : index
    %get3A_97 = tpu.vector_load %arg8[%get3A_96] {strides = array<i32>} : memref<128xi32, #tpu.memory_space<vmem>>, vector<16xi32>,
    %get3A_98 = vector.shape_cast %get3A_97 : vector<16xi32> to vector<16xi32>
    %get3A_99 = arith.constant 64 : index
    %get3A_100 = tpu.vector_load %arg9[%get3A_99] {strides = array<i32>} : memref<128xi32, #tpu.memory_space<vmem>>, vector<16xi32>,
    %get3A_101 = vector.shape_cast %get3A_100 : vector<16xi32> to vector<16xi32>
    %sub3A_102 = arith.constant 1 : i32
    %sub3A_103 = vector.broadcast %sub3A_102 : i32 to vector<16xi32>
    %sub3A_104 = arith.subi %get3A_101, %sub3A_103 : vector<16xi32>
    %and3A_105 = arith.constant 1 : i32
    %and3A_106 = vector.broadcast %and3A_105 : i32 to vector<16xi32>
    %and3A_107 = arith.andi %get3A_98, %and3A_106 : vector<16xi32>
    %mul3A_108 = arith.muli %and3A_107, %get3A_4 : vector<16xi32>
    %add3A_109 = arith.addi %sub3A_104, %mul3A_108 : vector<16xi32>
    %shift_right_arithmetic3A_110 = arith.constant 1 : i32
    %shift_right_arithmetic3A_111 = vector.broadcast %shift_right_arithmetic3A_110 : i32 to vector<16xi32>
    %shift_right_arithmetic3A_112 = arith.shrsi %get3A_98, %shift_right_arithmetic3A_111 : vector<16xi32>
    %mul3A_113 = arith.muli %shift_right_arithmetic3A_112, %get3A_7 : vector<16xi32>
    %add3A_114 = arith.addi %add3A_109, %mul3A_113 : vector<16xi32>
    %swap3A_115 = arith.constant 0 : index
    %swap3A_116 = tpu.vector_load %arg16[%swap3A_115] {strides = array<i32>} : memref<16xi32, #tpu.memory_space<vmem>>, vector<16xi32>,
    %swap3A_117 = vector.shape_cast %swap3A_116 : vector<16xi32> to vector<16xi32>
    %swap3A_118 = vector.shape_cast %add3A_114 : vector<16xi32> to vector<16xi32>
    tpu.vector_store %arg16[%swap3A_115], %swap3A_118 {strides = array<i32>} : memref<16xi32, #tpu.memory_space<vmem>>, vector<16xi32>,
    %get3A_119 = arith.constant 80 : index
    %get3A_120 = tpu.vector_load %arg8[%get3A_119] {strides = array<i32>} : memref<128xi32, #tpu.memory_space<vmem>>, vector<16xi32>,
    %get3A_121 = vector.shape_cast %get3A_120 : vector<16xi32> to vector<16xi32>
    %get3A_122 = arith.constant 80 : index
    %get3A_123 = tpu.vector_load %arg9[%get3A_122] {strides = array<i32>} : memref<128xi32, #tpu.memory_space<vmem>>, vector<16xi32>,
    %get3A_124 = vector.shape_cast %get3A_123 : vector<16xi32> to vector<16xi32>
    %sub3A_125 = arith.constant 1 : i32
    %sub3A_126 = vector.broadcast %sub3A_125 : i32 to vector<16xi32>
    %sub3A_127 = arith.subi %get3A_124, %sub3A_126 : vector<16xi32>
    %and3A_128 = arith.constant 1 : i32
    %and3A_129 = vector.broadcast %and3A_128 : i32 to vector<16xi32>
    %and3A_130 = arith.andi %get3A_121, %and3A_129 : vector<16xi32>
    %mul3A_131 = arith.muli %and3A_130, %get3A_4 : vector<16xi32>
    %add3A_132 = arith.addi %sub3A_127, %mul3A_131 : vector<16xi32>
    %shift_right_arithmetic3A_133 = arith.constant 1 : i32
    %shift_right_arithmetic3A_134 = vector.broadcast %shift_right_arithmetic3A_133 : i32 to vector<16xi32>
    %shift_right_arithmetic3A_135 = arith.shrsi %get3A_121, %shift_right_arithmetic3A_134 : vector<16xi32>
    %mul3A_136 = arith.muli %shift_right_arithmetic3A_135, %get3A_7 : vector<16xi32>
    %add3A_137 = arith.addi %add3A_132, %mul3A_136 : vector<16xi32>
    %swap3A_138 = arith.constant 0 : index
    %swap3A_139 = tpu.vector_load %arg17[%swap3A_138] {strides = array<i32>} : memref<16xi32, #tpu.memory_space<vmem>>, vector<16xi32>,
    %swap3A_140 = vector.shape_cast %swap3A_139 : vector<16xi32> to vector<16xi32>
    %swap3A_141 = vector.shape_cast %add3A_137 : vector<16xi32> to vector<16xi32>
    tpu.vector_store %arg17[%swap3A_138], %swap3A_141 {strides = array<i32>} : memref<16xi32, #tpu.memory_space<vmem>>, vector<16xi32>,
    %get3A_142 = arith.constant 96 : index
    %get3A_143 = tpu.vector_load %arg8[%get3A_142] {strides = array<i32>} : memref<128xi32, #tpu.memory_space<vmem>>, vector<16xi32>,
    %get3A_144 = vector.shape_cast %get3A_143 : vector<16xi32> to vector<16xi32>
    %get3A_145 = arith.constant 96 : index
    %get3A_146 = tpu.vector_load %arg9[%get3A_145] {strides = array<i32>} : memref<128xi32, #tpu.memory_space<vmem>>, vector<16xi32>,
    %get3A_147 = vector.shape_cast %get3A_146 : vector<16xi32> to vector<16xi32>
    %sub3A_148 = arith.constant 1 : i32
    %sub3A_149 = vector.broadcast %sub3A_148 : i32 to vector<16xi32>
    %sub3A_150 = arith.subi %get3A_147, %sub3A_149 : vector<16xi32>
    %and3A_151 = arith.constant 1 : i32
    %and3A_152 = vector.broadcast %and3A_151 : i32 to vector<16xi32>
    %and3A_153 = arith.andi %get3A_144, %and3A_152 : vector<16xi32>
    %mul3A_154 = arith.muli %and3A_153, %get3A_4 : vector<16xi32>
    %add3A_155 = arith.addi %sub3A_150, %mul3A_154 : vector<16xi32>
    %shift_right_arithmetic3A_156 = arith.constant 1 : i32
    %shift_right_arithmetic3A_157 = vector.broadcast %shift_right_arithmetic3A_156 : i32 to vector<16xi32>
    %shift_right_arithmetic3A_158 = arith.shrsi %get3A_144, %shift_right_arithmetic3A_157 : vector<16xi32>
    %mul3A_159 = arith.muli %shift_right_arithmetic3A_158, %get3A_7 : vector<16xi32>
    %add3A_160 = arith.addi %add3A_155, %mul3A_159 : vector<16xi32>
    %swap3A_161 = arith.constant 0 : index
    %swap3A_162 = tpu.vector_load %arg18[%swap3A_161] {strides = array<i32>} : memref<16xi32, #tpu.memory_space<vmem>>, vector<16xi32>,
    %swap3A_163 = vector.shape_cast %swap3A_162 : vector<16xi32> to vector<16xi32>
    %swap3A_164 = vector.shape_cast %add3A_160 : vector<16xi32> to vector<16xi32>
    tpu.vector_store %arg18[%swap3A_161], %swap3A_164 {strides = array<i32>} : memref<16xi32, #tpu.memory_space<vmem>>, vector<16xi32>,
    %get3A_165 = arith.constant 112 : index
    %get3A_166 = tpu.vector_load %arg8[%get3A_165] {strides = array<i32>} : memref<128xi32, #tpu.memory_space<vmem>>, vector<16xi32>,
    %get3A_167 = vector.shape_cast %get3A_166 : vector<16xi32> to vector<16xi32>
    %get3A_168 = arith.constant 112 : index
    %get3A_169 = tpu.vector_load %arg9[%get3A_168] {strides = array<i32>} : memref<128xi32, #tpu.memory_space<vmem>>, vector<16xi32>,
    %get3A_170 = vector.shape_cast %get3A_169 : vector<16xi32> to vector<16xi32>
    %sub3A_171 = arith.constant 1 : i32
    %sub3A_172 = vector.broadcast %sub3A_171 : i32 to vector<16xi32>
    %sub3A_173 = arith.subi %get3A_170, %sub3A_172 : vector<16xi32>
    %and3A_174 = arith.constant 1 : i32
    %and3A_175 = vector.broadcast %and3A_174 : i32 to vector<16xi32>
    %and3A_176 = arith.andi %get3A_167, %and3A_175 : vector<16xi32>
    %mul3A_177 = arith.muli %and3A_176, %get3A_4 : vector<16xi32>
    %add3A_178 = arith.addi %sub3A_173, %mul3A_177 : vector<16xi32>
    %shift_right_arithmetic3A_179 = arith.constant 1 : i32
    %shift_right_arithmetic3A_180 = vector.broadcast %shift_right_arithmetic3A_179 : i32 to vector<16xi32>
    %shift_right_arithmetic3A_181 = arith.shrsi %get3A_167, %shift_right_arithmetic3A_180 : vector<16xi32>
    %mul3A_182 = arith.muli %shift_right_arithmetic3A_181, %get3A_7 : vector<16xi32>
    %add3A_183 = arith.addi %add3A_178, %mul3A_182 : vector<16xi32>
    %swap3A_184 = arith.constant 0 : index
    %swap3A_185 = tpu.vector_load %arg19[%swap3A_184] {strides = array<i32>} : memref<16xi32, #tpu.memory_space<vmem>>, vector<16xi32>,
    %swap3A_186 = vector.shape_cast %swap3A_185 : vector<16xi32> to vector<16xi32>
    %swap3A_187 = vector.shape_cast %add3A_183 : vector<16xi32> to vector<16xi32>
    tpu.vector_store %arg19[%swap3A_184], %swap3A_187 {strides = array<i32>} : memref<16xi32, #tpu.memory_space<vmem>>, vector<16xi32>,
    %add3A_188 = arith.constant 0 : i32
    %add3A_189 = arith.addi %mul3A_2, %add3A_188 : i32
    "tpu.region"() ({
      %run_scoped3A = tpu.sem_alloc : memref<!tpu.dma_semaphore, #tpu.memory_space<semaphore_mem>>
      %dma_start3A_250 = arith.constant 0 : i32
      %dma_start3A_251 = tpu.memref_slice %arg2[%add3A_189, %dma_start3A_250] : memref<4096x2048xf32, #tpu.memory_space<hbm>> -> memref<16x2048xf32, #tpu.memory_space<hbm>>
      %dma_start3A_252 = arith.constant 0 : i32
      %dma_start3A_253 = tpu.memref_slice %arg2[%add3A_189, %dma_start3A_252] : memref<4096x2048xf32, #tpu.memory_space<hbm>> -> memref<16x2048xf32, #tpu.memory_space<hbm>>
      tpu.enqueue_dma source(%dma_start3A_253 : memref<16x2048xf32, #tpu.memory_space<hbm>>) target(%arg20 : memref<16x2048xf32, #tpu.memory_space<vmem>>) target_semaphore(%run_scoped3A : memref<!tpu.dma_semaphore, #tpu.memory_space<semaphore_mem>>)
      %dma_wait3A_254 = arith.constant 0 : i32
      %dma_wait3A_255 = tpu.memref_slice %arg2[%add3A_189, %dma_wait3A_254] : memref<4096x2048xf32, #tpu.memory_space<hbm>> -> memref<16x2048xf32, #tpu.memory_space<hbm>>
      %dma_wait3A_256 = arith.constant 0 : i32
      %dma_wait3A_257 = tpu.memref_slice %arg2[%add3A_189, %dma_wait3A_256] : memref<4096x2048xf32, #tpu.memory_space<hbm>> -> memref<16x2048xf32, #tpu.memory_space<hbm>>
      tpu.wait_dma2 semaphore(%run_scoped3A : memref<!tpu.dma_semaphore, #tpu.memory_space<semaphore_mem>>) src(%dma_wait3A_257 : memref<16x2048xf32, #tpu.memory_space<hbm>>) dst(%arg20 : memref<16x2048xf32, #tpu.memory_space<vmem>>)
      tpu.yield
    }) : () -> ()
    %dma_start3A = arith.constant 0 : i32
    %dma_start3A_190 = arith.constant 0 : i32
    %dma_start3A_191 = tpu.memref_slice %arg7[%dma_start3A, %dma_start3A_190] : memref<4096x2048xf32, #tpu.memory_space<hbm>> -> memref<4096x2048xf32, #tpu.memory_space<hbm>>
    tpu.enqueue_indirect_dma source(%arg20 : memref<16x2048xf32, #tpu.memory_space<vmem>>) target(%dma_start3A_191 : memref<4096x2048xf32, #tpu.memory_space<hbm>>) offsets(%arg12 : memref<16xi32, #tpu.memory_space<vmem>>) semaphore(%arg22 : memref<!tpu.dma_semaphore, #tpu.memory_space<semaphore_mem>>)
    %add3A_192 = arith.constant 16 : i32
    %add3A_193 = arith.addi %mul3A_2, %add3A_192 : i32
    "tpu.region"() ({
      %run_scoped3A = tpu.sem_alloc : memref<!tpu.dma_semaphore, #tpu.memory_space<semaphore_mem>>
      %dma_start3A_250 = arith.constant 0 : i32
      %dma_start3A_251 = tpu.memref_slice %arg2[%add3A_193, %dma_start3A_250] : memref<4096x2048xf32, #tpu.memory_space<hbm>> -> memref<16x2048xf32, #tpu.memory_space<hbm>>
      %dma_start3A_252 = arith.constant 0 : i32
      %dma_start3A_253 = tpu.memref_slice %arg2[%add3A_193, %dma_start3A_252] : memref<4096x2048xf32, #tpu.memory_space<hbm>> -> memref<16x2048xf32, #tpu.memory_space<hbm>>
      tpu.enqueue_dma source(%dma_start3A_253 : memref<16x2048xf32, #tpu.memory_space<hbm>>) target(%arg21 : memref<16x2048xf32, #tpu.memory_space<vmem>>) target_semaphore(%run_scoped3A : memref<!tpu.dma_semaphore, #tpu.memory_space<semaphore_mem>>)
      %dma_wait3A_254 = arith.constant 0 : i32
      %dma_wait3A_255 = tpu.memref_slice %arg2[%add3A_193, %dma_wait3A_254] : memref<4096x2048xf32, #tpu.memory_space<hbm>> -> memref<16x2048xf32, #tpu.memory_space<hbm>>
      %dma_wait3A_256 = arith.constant 0 : i32
      %dma_wait3A_257 = tpu.memref_slice %arg2[%add3A_193, %dma_wait3A_256] : memref<4096x2048xf32, #tpu.memory_space<hbm>> -> memref<16x2048xf32, #tpu.memory_space<hbm>>
      tpu.wait_dma2 semaphore(%run_scoped3A : memref<!tpu.dma_semaphore, #tpu.memory_space<semaphore_mem>>) src(%dma_wait3A_257 : memref<16x2048xf32, #tpu.memory_space<hbm>>) dst(%arg21 : memref<16x2048xf32, #tpu.memory_space<vmem>>)
      tpu.yield
    }) : () -> ()
    %dma_start3A_194 = arith.constant 0 : i32
    %dma_start3A_195 = arith.constant 0 : i32
    %dma_start3A_196 = tpu.memref_slice %arg7[%dma_start3A_194, %dma_start3A_195] : memref<4096x2048xf32, #tpu.memory_space<hbm>> -> memref<4096x2048xf32, #tpu.memory_space<hbm>>
    tpu.enqueue_indirect_dma source(%arg21 : memref<16x2048xf32, #tpu.memory_space<vmem>>) target(%dma_start3A_196 : memref<4096x2048xf32, #tpu.memory_space<hbm>>) offsets(%arg13 : memref<16xi32, #tpu.memory_space<vmem>>) semaphore(%arg23 : memref<!tpu.dma_semaphore, #tpu.memory_space<semaphore_mem>>)
    %dma_wait3A = arith.constant 0 : i32
    %dma_wait3A_197 = arith.constant 0 : i32
    %dma_wait3A_198 = tpu.memref_slice %arg7[%dma_wait3A, %dma_wait3A_197] : memref<4096x2048xf32, #tpu.memory_space<hbm>> -> memref<4096x2048xf32, #tpu.memory_space<hbm>>
    tpu.wait_indirect_dma semaphore(%arg22 : memref<!tpu.dma_semaphore, #tpu.memory_space<semaphore_mem>>) src(%arg20 : memref<16x2048xf32, #tpu.memory_space<vmem>>) dst(%dma_wait3A_198 : memref<4096x2048xf32, #tpu.memory_space<hbm>>)
    %add3A_199 = arith.constant 32 : i32
    %add3A_200 = arith.addi %mul3A_2, %add3A_199 : i32
    "tpu.region"() ({
      %run_scoped3A = tpu.sem_alloc : memref<!tpu.dma_semaphore, #tpu.memory_space<semaphore_mem>>
      %dma_start3A_250 = arith.constant 0 : i32
      %dma_start3A_251 = tpu.memref_slice %arg2[%add3A_200, %dma_start3A_250] : memref<4096x2048xf32, #tpu.memory_space<hbm>> -> memref<16x2048xf32, #tpu.memory_space<hbm>>
      %dma_start3A_252 = arith.constant 0 : i32
      %dma_start3A_253 = tpu.memref_slice %arg2[%add3A_200, %dma_start3A_252] : memref<4096x2048xf32, #tpu.memory_space<hbm>> -> memref<16x2048xf32, #tpu.memory_space<hbm>>
      tpu.enqueue_dma source(%dma_start3A_253 : memref<16x2048xf32, #tpu.memory_space<hbm>>) target(%arg20 : memref<16x2048xf32, #tpu.memory_space<vmem>>) target_semaphore(%run_scoped3A : memref<!tpu.dma_semaphore, #tpu.memory_space<semaphore_mem>>)
      %dma_wait3A_254 = arith.constant 0 : i32
      %dma_wait3A_255 = tpu.memref_slice %arg2[%add3A_200, %dma_wait3A_254] : memref<4096x2048xf32, #tpu.memory_space<hbm>> -> memref<16x2048xf32, #tpu.memory_space<hbm>>
      %dma_wait3A_256 = arith.constant 0 : i32
      %dma_wait3A_257 = tpu.memref_slice %arg2[%add3A_200, %dma_wait3A_256] : memref<4096x2048xf32, #tpu.memory_space<hbm>> -> memref<16x2048xf32, #tpu.memory_space<hbm>>
      tpu.wait_dma2 semaphore(%run_scoped3A : memref<!tpu.dma_semaphore, #tpu.memory_space<semaphore_mem>>) src(%dma_wait3A_257 : memref<16x2048xf32, #tpu.memory_space<hbm>>) dst(%arg20 : memref<16x2048xf32, #tpu.memory_space<vmem>>)
      tpu.yield
    }) : () -> ()
    %dma_start3A_201 = arith.constant 0 : i32
    %dma_start3A_202 = arith.constant 0 : i32
    %dma_start3A_203 = tpu.memref_slice %arg7[%dma_start3A_201, %dma_start3A_202] : memref<4096x2048xf32, #tpu.memory_space<hbm>> -> memref<4096x2048xf32, #tpu.memory_space<hbm>>
    tpu.enqueue_indirect_dma source(%arg20 : memref<16x2048xf32, #tpu.memory_space<vmem>>) target(%dma_start3A_203 : memref<4096x2048xf32, #tpu.memory_space<hbm>>) offsets(%arg14 : memref<16xi32, #tpu.memory_space<vmem>>) semaphore(%arg22 : memref<!tpu.dma_semaphore, #tpu.memory_space<semaphore_mem>>)
    %dma_wait3A_204 = arith.constant 0 : i32
    %dma_wait3A_205 = arith.constant 0 : i32
    %dma_wait3A_206 = tpu.memref_slice %arg7[%dma_wait3A_204, %dma_wait3A_205] : memref<4096x2048xf32, #tpu.memory_space<hbm>> -> memref<4096x2048xf32, #tpu.memory_space<hbm>>
    tpu.wait_indirect_dma semaphore(%arg23 : memref<!tpu.dma_semaphore, #tpu.memory_space<semaphore_mem>>) src(%arg21 : memref<16x2048xf32, #tpu.memory_space<vmem>>) dst(%dma_wait3A_206 : memref<4096x2048xf32, #tpu.memory_space<hbm>>)
    %add3A_207 = arith.constant 48 : i32
    %add3A_208 = arith.addi %mul3A_2, %add3A_207 : i32
    "tpu.region"() ({
      %run_scoped3A = tpu.sem_alloc : memref<!tpu.dma_semaphore, #tpu.memory_space<semaphore_mem>>
      %dma_start3A_250 = arith.constant 0 : i32
      %dma_start3A_251 = tpu.memref_slice %arg2[%add3A_208, %dma_start3A_250] : memref<4096x2048xf32, #tpu.memory_space<hbm>> -> memref<16x2048xf32, #tpu.memory_space<hbm>>
      %dma_start3A_252 = arith.constant 0 : i32
      %dma_start3A_253 = tpu.memref_slice %arg2[%add3A_208, %dma_start3A_252] : memref<4096x2048xf32, #tpu.memory_space<hbm>> -> memref<16x2048xf32, #tpu.memory_space<hbm>>
      tpu.enqueue_dma source(%dma_start3A_253 : memref<16x2048xf32, #tpu.memory_space<hbm>>) target(%arg21 : memref<16x2048xf32, #tpu.memory_space<vmem>>) target_semaphore(%run_scoped3A : memref<!tpu.dma_semaphore, #tpu.memory_space<semaphore_mem>>)
      %dma_wait3A_254 = arith.constant 0 : i32
      %dma_wait3A_255 = tpu.memref_slice %arg2[%add3A_208, %dma_wait3A_254] : memref<4096x2048xf32, #tpu.memory_space<hbm>> -> memref<16x2048xf32, #tpu.memory_space<hbm>>
      %dma_wait3A_256 = arith.constant 0 : i32
      %dma_wait3A_257 = tpu.memref_slice %arg2[%add3A_208, %dma_wait3A_256] : memref<4096x2048xf32, #tpu.memory_space<hbm>> -> memref<16x2048xf32, #tpu.memory_space<hbm>>
      tpu.wait_dma2 semaphore(%run_scoped3A : memref<!tpu.dma_semaphore, #tpu.memory_space<semaphore_mem>>) src(%dma_wait3A_257 : memref<16x2048xf32, #tpu.memory_space<hbm>>) dst(%arg21 : memref<16x2048xf32, #tpu.memory_space<vmem>>)
      tpu.yield
    }) : () -> ()
    %dma_start3A_209 = arith.constant 0 : i32
    %dma_start3A_210 = arith.constant 0 : i32
    %dma_start3A_211 = tpu.memref_slice %arg7[%dma_start3A_209, %dma_start3A_210] : memref<4096x2048xf32, #tpu.memory_space<hbm>> -> memref<4096x2048xf32, #tpu.memory_space<hbm>>
    tpu.enqueue_indirect_dma source(%arg21 : memref<16x2048xf32, #tpu.memory_space<vmem>>) target(%dma_start3A_211 : memref<4096x2048xf32, #tpu.memory_space<hbm>>) offsets(%arg15 : memref<16xi32, #tpu.memory_space<vmem>>) semaphore(%arg23 : memref<!tpu.dma_semaphore, #tpu.memory_space<semaphore_mem>>)
    %dma_wait3A_212 = arith.constant 0 : i32
    %dma_wait3A_213 = arith.constant 0 : i32
    %dma_wait3A_214 = tpu.memref_slice %arg7[%dma_wait3A_212, %dma_wait3A_213] : memref<4096x2048xf32, #tpu.memory_space<hbm>> -> memref<4096x2048xf32, #tpu.memory_space<hbm>>
    tpu.wait_indirect_dma semaphore(%arg22 : memref<!tpu.dma_semaphore, #tpu.memory_space<semaphore_mem>>) src(%arg20 : memref<16x2048xf32, #tpu.memory_space<vmem>>) dst(%dma_wait3A_214 : memref<4096x2048xf32, #tpu.memory_space<hbm>>)
    %add3A_215 = arith.constant 64 : i32
    %add3A_216 = arith.addi %mul3A_2, %add3A_215 : i32
    "tpu.region"() ({
      %run_scoped3A = tpu.sem_alloc : memref<!tpu.dma_semaphore, #tpu.memory_space<semaphore_mem>>
      %dma_start3A_250 = arith.constant 0 : i32
      %dma_start3A_251 = tpu.memref_slice %arg2[%add3A_216, %dma_start3A_250] : memref<4096x2048xf32, #tpu.memory_space<hbm>> -> memref<16x2048xf32, #tpu.memory_space<hbm>>
      %dma_start3A_252 = arith.constant 0 : i32
      %dma_start3A_253 = tpu.memref_slice %arg2[%add3A_216, %dma_start3A_252] : memref<4096x2048xf32, #tpu.memory_space<hbm>> -> memref<16x2048xf32, #tpu.memory_space<hbm>>
      tpu.enqueue_dma source(%dma_start3A_253 : memref<16x2048xf32, #tpu.memory_space<hbm>>) target(%arg20 : memref<16x2048xf32, #tpu.memory_space<vmem>>) target_semaphore(%run_scoped3A : memref<!tpu.dma_semaphore, #tpu.memory_space<semaphore_mem>>)
      %dma_wait3A_254 = arith.constant 0 : i32
      %dma_wait3A_255 = tpu.memref_slice %arg2[%add3A_216, %dma_wait3A_254] : memref<4096x2048xf32, #tpu.memory_space<hbm>> -> memref<16x2048xf32, #tpu.memory_space<hbm>>
      %dma_wait3A_256 = arith.constant 0 : i32
      %dma_wait3A_257 = tpu.memref_slice %arg2[%add3A_216, %dma_wait3A_256] : memref<4096x2048xf32, #tpu.memory_space<hbm>> -> memref<16x2048xf32, #tpu.memory_space<hbm>>
      tpu.wait_dma2 semaphore(%run_scoped3A : memref<!tpu.dma_semaphore, #tpu.memory_space<semaphore_mem>>) src(%dma_wait3A_257 : memref<16x2048xf32, #tpu.memory_space<hbm>>) dst(%arg20 : memref<16x2048xf32, #tpu.memory_space<vmem>>)
      tpu.yield
    }) : () -> ()
    %dma_start3A_217 = arith.constant 0 : i32
    %dma_start3A_218 = arith.constant 0 : i32
    %dma_start3A_219 = tpu.memref_slice %arg7[%dma_start3A_217, %dma_start3A_218] : memref<4096x2048xf32, #tpu.memory_space<hbm>> -> memref<4096x2048xf32, #tpu.memory_space<hbm>>
    tpu.enqueue_indirect_dma source(%arg20 : memref<16x2048xf32, #tpu.memory_space<vmem>>) target(%dma_start3A_219 : memref<4096x2048xf32, #tpu.memory_space<hbm>>) offsets(%arg16 : memref<16xi32, #tpu.memory_space<vmem>>) semaphore(%arg22 : memref<!tpu.dma_semaphore, #tpu.memory_space<semaphore_mem>>)
    %dma_wait3A_220 = arith.constant 0 : i32
    %dma_wait3A_221 = arith.constant 0 : i32
    %dma_wait3A_222 = tpu.memref_slice %arg7[%dma_wait3A_220, %dma_wait3A_221] : memref<4096x2048xf32, #tpu.memory_space<hbm>> -> memref<4096x2048xf32, #tpu.memory_space<hbm>>
    tpu.wait_indirect_dma semaphore(%arg23 : memref<!tpu.dma_semaphore, #tpu.memory_space<semaphore_mem>>) src(%arg21 : memref<16x2048xf32, #tpu.memory_space<vmem>>) dst(%dma_wait3A_222 : memref<4096x2048xf32, #tpu.memory_space<hbm>>)
    %add3A_223 = arith.constant 80 : i32
    %add3A_224 = arith.addi %mul3A_2, %add3A_223 : i32
    "tpu.region"() ({
      %run_scoped3A = tpu.sem_alloc : memref<!tpu.dma_semaphore, #tpu.memory_space<semaphore_mem>>
      %dma_start3A_250 = arith.constant 0 : i32
      %dma_start3A_251 = tpu.memref_slice %arg2[%add3A_224, %dma_start3A_250] : memref<4096x2048xf32, #tpu.memory_space<hbm>> -> memref<16x2048xf32, #tpu.memory_space<hbm>>
      %dma_start3A_252 = arith.constant 0 : i32
      %dma_start3A_253 = tpu.memref_slice %arg2[%add3A_224, %dma_start3A_252] : memref<4096x2048xf32, #tpu.memory_space<hbm>> -> memref<16x2048xf32, #tpu.memory_space<hbm>>
      tpu.enqueue_dma source(%dma_start3A_253 : memref<16x2048xf32, #tpu.memory_space<hbm>>) target(%arg21 : memref<16x2048xf32, #tpu.memory_space<vmem>>) target_semaphore(%run_scoped3A : memref<!tpu.dma_semaphore, #tpu.memory_space<semaphore_mem>>)
      %dma_wait3A_254 = arith.constant 0 : i32
      %dma_wait3A_255 = tpu.memref_slice %arg2[%add3A_224, %dma_wait3A_254] : memref<4096x2048xf32, #tpu.memory_space<hbm>> -> memref<16x2048xf32, #tpu.memory_space<hbm>>
      %dma_wait3A_256 = arith.constant 0 : i32
      %dma_wait3A_257 = tpu.memref_slice %arg2[%add3A_224, %dma_wait3A_256] : memref<4096x2048xf32, #tpu.memory_space<hbm>> -> memref<16x2048xf32, #tpu.memory_space<hbm>>
      tpu.wait_dma2 semaphore(%run_scoped3A : memref<!tpu.dma_semaphore, #tpu.memory_space<semaphore_mem>>) src(%dma_wait3A_257 : memref<16x2048xf32, #tpu.memory_space<hbm>>) dst(%arg21 : memref<16x2048xf32, #tpu.memory_space<vmem>>)
      tpu.yield
    }) : () -> ()
    %dma_start3A_225 = arith.constant 0 : i32
    %dma_start3A_226 = arith.constant 0 : i32
    %dma_start3A_227 = tpu.memref_slice %arg7[%dma_start3A_225, %dma_start3A_226] : memref<4096x2048xf32, #tpu.memory_space<hbm>> -> memref<4096x2048xf32, #tpu.memory_space<hbm>>
    tpu.enqueue_indirect_dma source(%arg21 : memref<16x2048xf32, #tpu.memory_space<vmem>>) target(%dma_start3A_227 : memref<4096x2048xf32, #tpu.memory_space<hbm>>) offsets(%arg17 : memref<16xi32, #tpu.memory_space<vmem>>) semaphore(%arg23 : memref<!tpu.dma_semaphore, #tpu.memory_space<semaphore_mem>>)
    %dma_wait3A_228 = arith.constant 0 : i32
    %dma_wait3A_229 = arith.constant 0 : i32
    %dma_wait3A_230 = tpu.memref_slice %arg7[%dma_wait3A_228, %dma_wait3A_229] : memref<4096x2048xf32, #tpu.memory_space<hbm>> -> memref<4096x2048xf32, #tpu.memory_space<hbm>>
    tpu.wait_indirect_dma semaphore(%arg22 : memref<!tpu.dma_semaphore, #tpu.memory_space<semaphore_mem>>) src(%arg20 : memref<16x2048xf32, #tpu.memory_space<vmem>>) dst(%dma_wait3A_230 : memref<4096x2048xf32, #tpu.memory_space<hbm>>)
    %add3A_231 = arith.constant 96 : i32
    %add3A_232 = arith.addi %mul3A_2, %add3A_231 : i32
    "tpu.region"() ({
      %run_scoped3A = tpu.sem_alloc : memref<!tpu.dma_semaphore, #tpu.memory_space<semaphore_mem>>
      %dma_start3A_250 = arith.constant 0 : i32
      %dma_start3A_251 = tpu.memref_slice %arg2[%add3A_232, %dma_start3A_250] : memref<4096x2048xf32, #tpu.memory_space<hbm>> -> memref<16x2048xf32, #tpu.memory_space<hbm>>
      %dma_start3A_252 = arith.constant 0 : i32
      %dma_start3A_253 = tpu.memref_slice %arg2[%add3A_232, %dma_start3A_252] : memref<4096x2048xf32, #tpu.memory_space<hbm>> -> memref<16x2048xf32, #tpu.memory_space<hbm>>
      tpu.enqueue_dma source(%dma_start3A_253 : memref<16x2048xf32, #tpu.memory_space<hbm>>) target(%arg20 : memref<16x2048xf32, #tpu.memory_space<vmem>>) target_semaphore(%run_scoped3A : memref<!tpu.dma_semaphore, #tpu.memory_space<semaphore_mem>>)
      %dma_wait3A_254 = arith.constant 0 : i32
      %dma_wait3A_255 = tpu.memref_slice %arg2[%add3A_232, %dma_wait3A_254] : memref<4096x2048xf32, #tpu.memory_space<hbm>> -> memref<16x2048xf32, #tpu.memory_space<hbm>>
      %dma_wait3A_256 = arith.constant 0 : i32
      %dma_wait3A_257 = tpu.memref_slice %arg2[%add3A_232, %dma_wait3A_256] : memref<4096x2048xf32, #tpu.memory_space<hbm>> -> memref<16x2048xf32, #tpu.memory_space<hbm>>
      tpu.wait_dma2 semaphore(%run_scoped3A : memref<!tpu.dma_semaphore, #tpu.memory_space<semaphore_mem>>) src(%dma_wait3A_257 : memref<16x2048xf32, #tpu.memory_space<hbm>>) dst(%arg20 : memref<16x2048xf32, #tpu.memory_space<vmem>>)
      tpu.yield
    }) : () -> ()
    %dma_start3A_233 = arith.constant 0 : i32
    %dma_start3A_234 = arith.constant 0 : i32
    %dma_start3A_235 = tpu.memref_slice %arg7[%dma_start3A_233, %dma_start3A_234] : memref<4096x2048xf32, #tpu.memory_space<hbm>> -> memref<4096x2048xf32, #tpu.memory_space<hbm>>
    tpu.enqueue_indirect_dma source(%arg20 : memref<16x2048xf32, #tpu.memory_space<vmem>>) target(%dma_start3A_235 : memref<4096x2048xf32, #tpu.memory_space<hbm>>) offsets(%arg18 : memref<16xi32, #tpu.memory_space<vmem>>) semaphore(%arg22 : memref<!tpu.dma_semaphore, #tpu.memory_space<semaphore_mem>>)
    %dma_wait3A_236 = arith.constant 0 : i32
    %dma_wait3A_237 = arith.constant 0 : i32
    %dma_wait3A_238 = tpu.memref_slice %arg7[%dma_wait3A_236, %dma_wait3A_237] : memref<4096x2048xf32, #tpu.memory_space<hbm>> -> memref<4096x2048xf32, #tpu.memory_space<hbm>>
    tpu.wait_indirect_dma semaphore(%arg23 : memref<!tpu.dma_semaphore, #tpu.memory_space<semaphore_mem>>) src(%arg21 : memref<16x2048xf32, #tpu.memory_space<vmem>>) dst(%dma_wait3A_238 : memref<4096x2048xf32, #tpu.memory_space<hbm>>)
    %add3A_239 = arith.constant 112 : i32
    %add3A_240 = arith.addi %mul3A_2, %add3A_239 : i32
    "tpu.region"() ({
      %run_scoped3A = tpu.sem_alloc : memref<!tpu.dma_semaphore, #tpu.memory_space<semaphore_mem>>
      %dma_start3A_250 = arith.constant 0 : i32
      %dma_start3A_251 = tpu.memref_slice %arg2[%add3A_240, %dma_start3A_250] : memref<4096x2048xf32, #tpu.memory_space<hbm>> -> memref<16x2048xf32, #tpu.memory_space<hbm>>
      %dma_start3A_252 = arith.constant 0 : i32
      %dma_start3A_253 = tpu.memref_slice %arg2[%add3A_240, %dma_start3A_252] : memref<4096x2048xf32, #tpu.memory_space<hbm>> -> memref<16x2048xf32, #tpu.memory_space<hbm>>
      tpu.enqueue_dma source(%dma_start3A_253 : memref<16x2048xf32, #tpu.memory_space<hbm>>) target(%arg21 : memref<16x2048xf32, #tpu.memory_space<vmem>>) target_semaphore(%run_scoped3A : memref<!tpu.dma_semaphore, #tpu.memory_space<semaphore_mem>>)
      %dma_wait3A_254 = arith.constant 0 : i32
      %dma_wait3A_255 = tpu.memref_slice %arg2[%add3A_240, %dma_wait3A_254] : memref<4096x2048xf32, #tpu.memory_space<hbm>> -> memref<16x2048xf32, #tpu.memory_space<hbm>>
      %dma_wait3A_256 = arith.constant 0 : i32
      %dma_wait3A_257 = tpu.memref_slice %arg2[%add3A_240, %dma_wait3A_256] : memref<4096x2048xf32, #tpu.memory_space<hbm>> -> memref<16x2048xf32, #tpu.memory_space<hbm>>
      tpu.wait_dma2 semaphore(%run_scoped3A : memref<!tpu.dma_semaphore, #tpu.memory_space<semaphore_mem>>) src(%dma_wait3A_257 : memref<16x2048xf32, #tpu.memory_space<hbm>>) dst(%arg21 : memref<16x2048xf32, #tpu.memory_space<vmem>>)
      tpu.yield
    }) : () -> ()
    %dma_start3A_241 = arith.constant 0 : i32
    %dma_start3A_242 = arith.constant 0 : i32
    %dma_start3A_243 = tpu.memref_slice %arg7[%dma_start3A_241, %dma_start3A_242] : memref<4096x2048xf32, #tpu.memory_space<hbm>> -> memref<4096x2048xf32, #tpu.memory_space<hbm>>
    tpu.enqueue_indirect_dma source(%arg21 : memref<16x2048xf32, #tpu.memory_space<vmem>>) target(%dma_start3A_243 : memref<4096x2048xf32, #tpu.memory_space<hbm>>) offsets(%arg19 : memref<16xi32, #tpu.memory_space<vmem>>) semaphore(%arg23 : memref<!tpu.dma_semaphore, #tpu.memory_space<semaphore_mem>>)
    %dma_wait3A_244 = arith.constant 0 : i32
    %dma_wait3A_245 = arith.constant 0 : i32
    %dma_wait3A_246 = tpu.memref_slice %arg7[%dma_wait3A_244, %dma_wait3A_245] : memref<4096x2048xf32, #tpu.memory_space<hbm>> -> memref<4096x2048xf32, #tpu.memory_space<hbm>>
    tpu.wait_indirect_dma semaphore(%arg22 : memref<!tpu.dma_semaphore, #tpu.memory_space<semaphore_mem>>) src(%arg20 : memref<16x2048xf32, #tpu.memory_space<vmem>>) dst(%dma_wait3A_246 : memref<4096x2048xf32, #tpu.memory_space<hbm>>)
    %dma_wait3A_247 = arith.constant 0 : i32
    %dma_wait3A_248 = arith.constant 0 : i32
    %dma_wait3A_249 = tpu.memref_slice %arg7[%dma_wait3A_247, %dma_wait3A_248] : memref<4096x2048xf32, #tpu.memory_space<hbm>> -> memref<4096x2048xf32, #tpu.memory_space<hbm>>
    tpu.wait_indirect_dma semaphore(%arg23 : memref<!tpu.dma_semaphore, #tpu.memory_space<semaphore_mem>>) src(%arg21 : memref<16x2048xf32, #tpu.memory_space<vmem>>) dst(%dma_wait3A_249 : memref<4096x2048xf32, #tpu.memory_space<hbm>>)
    return
  }
}

#map = affine_map<(d0, d1) -> (0, 0)>
#map1 = affine_map<(d0, d1) -> (0)>
module attributes {stable_mosaic.version = 14 : i64} {
  func.func @k(%arg0: i32, %arg1: i32, %arg2: memref<4096x2048xf32, #tpu.memory_space<hbm>>, %arg3: memref<4096xi32, #tpu.memory_space<hbm>>, %arg4: memref<4096xi32, #tpu.memory_space<hbm>>, %arg5: memref<16xi32, #tpu.memory_space<hbm>>, %arg6: memref<16xi32, #tpu.memory_space<hbm>>, %arg7: memref<4096x2048xf32, #tpu.memory_space<hbm>>, %arg8: memref<128xi32, #tpu.memory_space<vmem>>, %arg9: memref<128xi32, #tpu.memory_space<vmem>>, %arg10: memref<16xi32, #tpu.memory_space<vmem>>, %arg11: memref<16xi32, #tpu.memory_space<vmem>>, %arg12: memref<16xi32, #tpu.memory_space<vmem>>, %arg13: memref<16xi32, #tpu.memory_space<vmem>>, %arg14: memref<16xi32, #tpu.memory_space<vmem>>, %arg15: memref<16xi32, #tpu.memory_space<vmem>>, %arg16: memref<16xi32, #tpu.memory_space<vmem>>, %arg17: memref<16xi32, #tpu.memory_space<vmem>>, %arg18: memref<16xi32, #tpu.memory_space<vmem>>, %arg19: memref<16xi32, #tpu.memory_space<vmem>>, %arg20: memref<16x2048xf32, #tpu.memory_space<vmem>>, %arg21: memref<16x2048xf32, #tpu.memory_space<vmem>>, %arg22: memref<!tpu.dma_semaphore, #tpu.memory_space<semaphore_mem>>, %arg23: memref<!tpu.dma_semaphore, #tpu.memory_space<semaphore_mem>>, %arg24: memref<!tpu.dma_semaphore, #tpu.memory_space<semaphore_mem>>, %arg25: memref<!tpu.dma_semaphore, #tpu.memory_space<semaphore_mem>>) attributes {dimension_semantics = [#tpu.dimension_semantics<core_parallel>, #tpu.dimension_semantics<subcore_parallel>], iteration_bounds = array<i64: 2, 16>, scalar_prefetch = 0 : i64, scratch_operands = 18 : i64, tpu.core_type = #tpu.core_type<sc_vector_subcore>, window_params = [{transform_indices = #map}, {transform_indices = #map1}, {transform_indices = #map1}, {transform_indices = #map1}, {transform_indices = #map1}, {transform_indices = #map}]} {
    %mul3A = arith.constant 2 : i32
    %mul3A_0 = arith.muli %arg1, %mul3A : i32
    %add3A = arith.addi %mul3A_0, %arg0 : i32
    %mul3A_1 = arith.constant 128 : i32
    %mul3A_2 = arith.muli %add3A, %mul3A_1 : i32
    "tpu.region"() ({
      %run_scoped3A = tpu.sem_alloc : memref<!tpu.dma_semaphore, #tpu.memory_space<semaphore_mem>>
      %dma_start3A_314 = tpu.memref_slice %arg3[%mul3A_2] : memref<4096xi32, #tpu.memory_space<hbm>> -> memref<128xi32, #tpu.memory_space<hbm>>
      %dma_start3A_315 = tpu.memref_slice %arg3[%mul3A_2] : memref<4096xi32, #tpu.memory_space<hbm>> -> memref<128xi32, #tpu.memory_space<hbm>>
      tpu.enqueue_dma source(%dma_start3A_315 : memref<128xi32, #tpu.memory_space<hbm>>) target(%arg8 : memref<128xi32, #tpu.memory_space<vmem>>) target_semaphore(%run_scoped3A : memref<!tpu.dma_semaphore, #tpu.memory_space<semaphore_mem>>)
      %dma_wait3A_316 = tpu.memref_slice %arg3[%mul3A_2] : memref<4096xi32, #tpu.memory_space<hbm>> -> memref<128xi32, #tpu.memory_space<hbm>>
      %dma_wait3A_317 = tpu.memref_slice %arg3[%mul3A_2] : memref<4096xi32, #tpu.memory_space<hbm>> -> memref<128xi32, #tpu.memory_space<hbm>>
      tpu.wait_dma2 semaphore(%run_scoped3A : memref<!tpu.dma_semaphore, #tpu.memory_space<semaphore_mem>>) src(%dma_wait3A_317 : memref<128xi32, #tpu.memory_space<hbm>>) dst(%arg8 : memref<128xi32, #tpu.memory_space<vmem>>)
      tpu.yield
    }) : () -> ()
    "tpu.region"() ({
      %run_scoped3A = tpu.sem_alloc : memref<!tpu.dma_semaphore, #tpu.memory_space<semaphore_mem>>
      %dma_start3A_314 = tpu.memref_slice %arg4[%mul3A_2] : memref<4096xi32, #tpu.memory_space<hbm>> -> memref<128xi32, #tpu.memory_space<hbm>>
      %dma_start3A_315 = tpu.memref_slice %arg4[%mul3A_2] : memref<4096xi32, #tpu.memory_space<hbm>> -> memref<128xi32, #tpu.memory_space<hbm>>
      tpu.enqueue_dma source(%dma_start3A_315 : memref<128xi32, #tpu.memory_space<hbm>>) target(%arg9 : memref<128xi32, #tpu.memory_space<vmem>>) target_semaphore(%run_scoped3A : memref<!tpu.dma_semaphore, #tpu.memory_space<semaphore_mem>>)
      %dma_wait3A_316 = tpu.memref_slice %arg4[%mul3A_2] : memref<4096xi32, #tpu.memory_space<hbm>> -> memref<128xi32, #tpu.memory_space<hbm>>
      %dma_wait3A_317 = tpu.memref_slice %arg4[%mul3A_2] : memref<4096xi32, #tpu.memory_space<hbm>> -> memref<128xi32, #tpu.memory_space<hbm>>
      tpu.wait_dma2 semaphore(%run_scoped3A : memref<!tpu.dma_semaphore, #tpu.memory_space<semaphore_mem>>) src(%dma_wait3A_317 : memref<128xi32, #tpu.memory_space<hbm>>) dst(%arg9 : memref<128xi32, #tpu.memory_space<vmem>>)
      tpu.yield
    }) : () -> ()
    "tpu.region"() ({
      %run_scoped3A = tpu.sem_alloc : memref<!tpu.dma_semaphore, #tpu.memory_space<semaphore_mem>>
      tpu.enqueue_dma source(%arg5 : memref<16xi32, #tpu.memory_space<hbm>>) target(%arg10 : memref<16xi32, #tpu.memory_space<vmem>>) target_semaphore(%run_scoped3A : memref<!tpu.dma_semaphore, #tpu.memory_space<semaphore_mem>>)
      tpu.wait_dma2 semaphore(%run_scoped3A : memref<!tpu.dma_semaphore, #tpu.memory_space<semaphore_mem>>) src(%arg5 : memref<16xi32, #tpu.memory_space<hbm>>) dst(%arg10 : memref<16xi32, #tpu.memory_space<vmem>>)
      tpu.yield
    }) : () -> ()
    "tpu.region"() ({
      %run_scoped3A = tpu.sem_alloc : memref<!tpu.dma_semaphore, #tpu.memory_space<semaphore_mem>>
      tpu.enqueue_dma source(%arg6 : memref<16xi32, #tpu.memory_space<hbm>>) target(%arg11 : memref<16xi32, #tpu.memory_space<vmem>>) target_semaphore(%run_scoped3A : memref<!tpu.dma_semaphore, #tpu.memory_space<semaphore_mem>>)
      tpu.wait_dma2 semaphore(%run_scoped3A : memref<!tpu.dma_semaphore, #tpu.memory_space<semaphore_mem>>) src(%arg6 : memref<16xi32, #tpu.memory_space<hbm>>) dst(%arg11 : memref<16xi32, #tpu.memory_space<vmem>>)
      tpu.yield
    }) : () -> ()
    %get3A = arith.constant 0 : index
    %get3A_3 = tpu.vector_load %arg10[%get3A] {strides = array<i32>} : memref<16xi32, #tpu.memory_space<vmem>>, vector<16xi32>,
    %get3A_4 = vector.shape_cast %get3A_3 : vector<16xi32> to vector<16xi32>
    %get3A_5 = arith.constant 0 : index
    %get3A_6 = tpu.vector_load %arg11[%get3A_5] {strides = array<i32>} : memref<16xi32, #tpu.memory_space<vmem>>, vector<16xi32>,
    %get3A_7 = vector.shape_cast %get3A_6 : vector<16xi32> to vector<16xi32>
    %get3A_8 = arith.constant 0 : index
    %get3A_9 = tpu.vector_load %arg8[%get3A_8] {strides = array<i32>} : memref<128xi32, #tpu.memory_space<vmem>>, vector<16xi32>,
    %get3A_10 = vector.shape_cast %get3A_9 : vector<16xi32> to vector<16xi32>
    %get3A_11 = arith.constant 0 : index
    %get3A_12 = tpu.vector_load %arg9[%get3A_11] {strides = array<i32>} : memref<128xi32, #tpu.memory_space<vmem>>, vector<16xi32>,
    %get3A_13 = vector.shape_cast %get3A_12 : vector<16xi32> to vector<16xi32>
    %sub3A = arith.constant 1 : i32
    %sub3A_14 = vector.broadcast %sub3A : i32 to vector<16xi32>
    %sub3A_15 = arith.subi %get3A_13, %sub3A_14 : vector<16xi32>
    %and3A = arith.constant 1 : i32
    %and3A_16 = vector.broadcast %and3A : i32 to vector<16xi32>
    %and3A_17 = arith.andi %get3A_10, %and3A_16 : vector<16xi32>
    %mul3A_18 = arith.muli %and3A_17, %get3A_4 : vector<16xi32>
    %add3A_19 = arith.addi %sub3A_15, %mul3A_18 : vector<16xi32>
    %shift_right_arithmetic3A = arith.constant 1 : i32
    %shift_right_arithmetic3A_20 = vector.broadcast %shift_right_arithmetic3A : i32 to vector<16xi32>
    %shift_right_arithmetic3A_21 = arith.shrsi %get3A_10, %shift_right_arithmetic3A_20 : vector<16xi32>
    %mul3A_22 = arith.muli %shift_right_arithmetic3A_21, %get3A_7 : vector<16xi32>
    %add3A_23 = arith.addi %add3A_19, %mul3A_22 : vector<16xi32>
    %swap3A = arith.constant 0 : index
    %swap3A_24 = tpu.vector_load %arg12[%swap3A] {strides = array<i32>} : memref<16xi32, #tpu.memory_space<vmem>>, vector<16xi32>,
    %swap3A_25 = vector.shape_cast %swap3A_24 : vector<16xi32> to vector<16xi32>
    %swap3A_26 = vector.shape_cast %add3A_23 : vector<16xi32> to vector<16xi32>
    tpu.vector_store %arg12[%swap3A], %swap3A_26 {strides = array<i32>} : memref<16xi32, #tpu.memory_space<vmem>>, vector<16xi32>,
    %get3A_27 = arith.constant 16 : index
    %get3A_28 = tpu.vector_load %arg8[%get3A_27] {strides = array<i32>} : memref<128xi32, #tpu.memory_space<vmem>>, vector<16xi32>,
    %get3A_29 = vector.shape_cast %get3A_28 : vector<16xi32> to vector<16xi32>
    %get3A_30 = arith.constant 16 : index
    %get3A_31 = tpu.vector_load %arg9[%get3A_30] {strides = array<i32>} : memref<128xi32, #tpu.memory_space<vmem>>, vector<16xi32>,
    %get3A_32 = vector.shape_cast %get3A_31 : vector<16xi32> to vector<16xi32>
    %sub3A_33 = arith.constant 1 : i32
    %sub3A_34 = vector.broadcast %sub3A_33 : i32 to vector<16xi32>
    %sub3A_35 = arith.subi %get3A_32, %sub3A_34 : vector<16xi32>
    %and3A_36 = arith.constant 1 : i32
    %and3A_37 = vector.broadcast %and3A_36 : i32 to vector<16xi32>
    %and3A_38 = arith.andi %get3A_29, %and3A_37 : vector<16xi32>
    %mul3A_39 = arith.muli %and3A_38, %get3A_4 : vector<16xi32>
    %add3A_40 = arith.addi %sub3A_35, %mul3A_39 : vector<16xi32>
    %shift_right_arithmetic3A_41 = arith.constant 1 : i32
    %shift_right_arithmetic3A_42 = vector.broadcast %shift_right_arithmetic3A_41 : i32 to vector<16xi32>
    %shift_right_arithmetic3A_43 = arith.shrsi %get3A_29, %shift_right_arithmetic3A_42 : vector<16xi32>
    %mul3A_44 = arith.muli %shift_right_arithmetic3A_43, %get3A_7 : vector<16xi32>
    %add3A_45 = arith.addi %add3A_40, %mul3A_44 : vector<16xi32>
    %swap3A_46 = arith.constant 0 : index
    %swap3A_47 = tpu.vector_load %arg13[%swap3A_46] {strides = array<i32>} : memref<16xi32, #tpu.memory_space<vmem>>, vector<16xi32>,
    %swap3A_48 = vector.shape_cast %swap3A_47 : vector<16xi32> to vector<16xi32>
    %swap3A_49 = vector.shape_cast %add3A_45 : vector<16xi32> to vector<16xi32>
    tpu.vector_store %arg13[%swap3A_46], %swap3A_49 {strides = array<i32>} : memref<16xi32, #tpu.memory_space<vmem>>, vector<16xi32>,
    %get3A_50 = arith.constant 32 : index
    %get3A_51 = tpu.vector_load %arg8[%get3A_50] {strides = array<i32>} : memref<128xi32, #tpu.memory_space<vmem>>, vector<16xi32>,
    %get3A_52 = vector.shape_cast %get3A_51 : vector<16xi32> to vector<16xi32>
    %get3A_53 = arith.constant 32 : index
    %get3A_54 = tpu.vector_load %arg9[%get3A_53] {strides = array<i32>} : memref<128xi32, #tpu.memory_space<vmem>>, vector<16xi32>,
    %get3A_55 = vector.shape_cast %get3A_54 : vector<16xi32> to vector<16xi32>
    %sub3A_56 = arith.constant 1 : i32
    %sub3A_57 = vector.broadcast %sub3A_56 : i32 to vector<16xi32>
    %sub3A_58 = arith.subi %get3A_55, %sub3A_57 : vector<16xi32>
    %and3A_59 = arith.constant 1 : i32
    %and3A_60 = vector.broadcast %and3A_59 : i32 to vector<16xi32>
    %and3A_61 = arith.andi %get3A_52, %and3A_60 : vector<16xi32>
    %mul3A_62 = arith.muli %and3A_61, %get3A_4 : vector<16xi32>
    %add3A_63 = arith.addi %sub3A_58, %mul3A_62 : vector<16xi32>
    %shift_right_arithmetic3A_64 = arith.constant 1 : i32
    %shift_right_arithmetic3A_65 = vector.broadcast %shift_right_arithmetic3A_64 : i32 to vector<16xi32>
    %shift_right_arithmetic3A_66 = arith.shrsi %get3A_52, %shift_right_arithmetic3A_65 : vector<16xi32>
    %mul3A_67 = arith.muli %shift_right_arithmetic3A_66, %get3A_7 : vector<16xi32>
    %add3A_68 = arith.addi %add3A_63, %mul3A_67 : vector<16xi32>
    %swap3A_69 = arith.constant 0 : index
    %swap3A_70 = tpu.vector_load %arg14[%swap3A_69] {strides = array<i32>} : memref<16xi32, #tpu.memory_space<vmem>>, vector<16xi32>,
    %swap3A_71 = vector.shape_cast %swap3A_70 : vector<16xi32> to vector<16xi32>
    %swap3A_72 = vector.shape_cast %add3A_68 : vector<16xi32> to vector<16xi32>
    tpu.vector_store %arg14[%swap3A_69], %swap3A_72 {strides = array<i32>} : memref<16xi32, #tpu.memory_space<vmem>>, vector<16xi32>,
    %get3A_73 = arith.constant 48 : index
    %get3A_74 = tpu.vector_load %arg8[%get3A_73] {strides = array<i32>} : memref<128xi32, #tpu.memory_space<vmem>>, vector<16xi32>,
    %get3A_75 = vector.shape_cast %get3A_74 : vector<16xi32> to vector<16xi32>
    %get3A_76 = arith.constant 48 : index
    %get3A_77 = tpu.vector_load %arg9[%get3A_76] {strides = array<i32>} : memref<128xi32, #tpu.memory_space<vmem>>, vector<16xi32>,
    %get3A_78 = vector.shape_cast %get3A_77 : vector<16xi32> to vector<16xi32>
    %sub3A_79 = arith.constant 1 : i32
    %sub3A_80 = vector.broadcast %sub3A_79 : i32 to vector<16xi32>
    %sub3A_81 = arith.subi %get3A_78, %sub3A_80 : vector<16xi32>
    %and3A_82 = arith.constant 1 : i32
    %and3A_83 = vector.broadcast %and3A_82 : i32 to vector<16xi32>
    %and3A_84 = arith.andi %get3A_75, %and3A_83 : vector<16xi32>
    %mul3A_85 = arith.muli %and3A_84, %get3A_4 : vector<16xi32>
    %add3A_86 = arith.addi %sub3A_81, %mul3A_85 : vector<16xi32>
    %shift_right_arithmetic3A_87 = arith.constant 1 : i32
    %shift_right_arithmetic3A_88 = vector.broadcast %shift_right_arithmetic3A_87 : i32 to vector<16xi32>
    %shift_right_arithmetic3A_89 = arith.shrsi %get3A_75, %shift_right_arithmetic3A_88 : vector<16xi32>
    %mul3A_90 = arith.muli %shift_right_arithmetic3A_89, %get3A_7 : vector<16xi32>
    %add3A_91 = arith.addi %add3A_86, %mul3A_90 : vector<16xi32>
    %swap3A_92 = arith.constant 0 : index
    %swap3A_93 = tpu.vector_load %arg15[%swap3A_92] {strides = array<i32>} : memref<16xi32, #tpu.memory_space<vmem>>, vector<16xi32>,
    %swap3A_94 = vector.shape_cast %swap3A_93 : vector<16xi32> to vector<16xi32>
    %swap3A_95 = vector.shape_cast %add3A_91 : vector<16xi32> to vector<16xi32>
    tpu.vector_store %arg15[%swap3A_92], %swap3A_95 {strides = array<i32>} : memref<16xi32, #tpu.memory_space<vmem>>, vector<16xi32>,
    %get3A_96 = arith.constant 64 : index
    %get3A_97 = tpu.vector_load %arg8[%get3A_96] {strides = array<i32>} : memref<128xi32, #tpu.memory_space<vmem>>, vector<16xi32>,
    %get3A_98 = vector.shape_cast %get3A_97 : vector<16xi32> to vector<16xi32>
    %get3A_99 = arith.constant 64 : index
    %get3A_100 = tpu.vector_load %arg9[%get3A_99] {strides = array<i32>} : memref<128xi32, #tpu.memory_space<vmem>>, vector<16xi32>,
    %get3A_101 = vector.shape_cast %get3A_100 : vector<16xi32> to vector<16xi32>
    %sub3A_102 = arith.constant 1 : i32
    %sub3A_103 = vector.broadcast %sub3A_102 : i32 to vector<16xi32>
    %sub3A_104 = arith.subi %get3A_101, %sub3A_103 : vector<16xi32>
    %and3A_105 = arith.constant 1 : i32
    %and3A_106 = vector.broadcast %and3A_105 : i32 to vector<16xi32>
    %and3A_107 = arith.andi %get3A_98, %and3A_106 : vector<16xi32>
    %mul3A_108 = arith.muli %and3A_107, %get3A_4 : vector<16xi32>
    %add3A_109 = arith.addi %sub3A_104, %mul3A_108 : vector<16xi32>
    %shift_right_arithmetic3A_110 = arith.constant 1 : i32
    %shift_right_arithmetic3A_111 = vector.broadcast %shift_right_arithmetic3A_110 : i32 to vector<16xi32>
    %shift_right_arithmetic3A_112 = arith.shrsi %get3A_98, %shift_right_arithmetic3A_111 : vector<16xi32>
    %mul3A_113 = arith.muli %shift_right_arithmetic3A_112, %get3A_7 : vector<16xi32>
    %add3A_114 = arith.addi %add3A_109, %mul3A_113 : vector<16xi32>
    %swap3A_115 = arith.constant 0 : index
    %swap3A_116 = tpu.vector_load %arg16[%swap3A_115] {strides = array<i32>} : memref<16xi32, #tpu.memory_space<vmem>>, vector<16xi32>,
    %swap3A_117 = vector.shape_cast %swap3A_116 : vector<16xi32> to vector<16xi32>
    %swap3A_118 = vector.shape_cast %add3A_114 : vector<16xi32> to vector<16xi32>
    tpu.vector_store %arg16[%swap3A_115], %swap3A_118 {strides = array<i32>} : memref<16xi32, #tpu.memory_space<vmem>>, vector<16xi32>,
    %get3A_119 = arith.constant 80 : index
    %get3A_120 = tpu.vector_load %arg8[%get3A_119] {strides = array<i32>} : memref<128xi32, #tpu.memory_space<vmem>>, vector<16xi32>,
    %get3A_121 = vector.shape_cast %get3A_120 : vector<16xi32> to vector<16xi32>
    %get3A_122 = arith.constant 80 : index
    %get3A_123 = tpu.vector_load %arg9[%get3A_122] {strides = array<i32>} : memref<128xi32, #tpu.memory_space<vmem>>, vector<16xi32>,
    %get3A_124 = vector.shape_cast %get3A_123 : vector<16xi32> to vector<16xi32>
    %sub3A_125 = arith.constant 1 : i32
    %sub3A_126 = vector.broadcast %sub3A_125 : i32 to vector<16xi32>
    %sub3A_127 = arith.subi %get3A_124, %sub3A_126 : vector<16xi32>
    %and3A_128 = arith.constant 1 : i32
    %and3A_129 = vector.broadcast %and3A_128 : i32 to vector<16xi32>
    %and3A_130 = arith.andi %get3A_121, %and3A_129 : vector<16xi32>
    %mul3A_131 = arith.muli %and3A_130, %get3A_4 : vector<16xi32>
    %add3A_132 = arith.addi %sub3A_127, %mul3A_131 : vector<16xi32>
    %shift_right_arithmetic3A_133 = arith.constant 1 : i32
    %shift_right_arithmetic3A_134 = vector.broadcast %shift_right_arithmetic3A_133 : i32 to vector<16xi32>
    %shift_right_arithmetic3A_135 = arith.shrsi %get3A_121, %shift_right_arithmetic3A_134 : vector<16xi32>
    %mul3A_136 = arith.muli %shift_right_arithmetic3A_135, %get3A_7 : vector<16xi32>
    %add3A_137 = arith.addi %add3A_132, %mul3A_136 : vector<16xi32>
    %swap3A_138 = arith.constant 0 : index
    %swap3A_139 = tpu.vector_load %arg17[%swap3A_138] {strides = array<i32>} : memref<16xi32, #tpu.memory_space<vmem>>, vector<16xi32>,
    %swap3A_140 = vector.shape_cast %swap3A_139 : vector<16xi32> to vector<16xi32>
    %swap3A_141 = vector.shape_cast %add3A_137 : vector<16xi32> to vector<16xi32>
    tpu.vector_store %arg17[%swap3A_138], %swap3A_141 {strides = array<i32>} : memref<16xi32, #tpu.memory_space<vmem>>, vector<16xi32>,
    %get3A_142 = arith.constant 96 : index
    %get3A_143 = tpu.vector_load %arg8[%get3A_142] {strides = array<i32>} : memref<128xi32, #tpu.memory_space<vmem>>, vector<16xi32>,
    %get3A_144 = vector.shape_cast %get3A_143 : vector<16xi32> to vector<16xi32>
    %get3A_145 = arith.constant 96 : index
    %get3A_146 = tpu.vector_load %arg9[%get3A_145] {strides = array<i32>} : memref<128xi32, #tpu.memory_space<vmem>>, vector<16xi32>,
    %get3A_147 = vector.shape_cast %get3A_146 : vector<16xi32> to vector<16xi32>
    %sub3A_148 = arith.constant 1 : i32
    %sub3A_149 = vector.broadcast %sub3A_148 : i32 to vector<16xi32>
    %sub3A_150 = arith.subi %get3A_147, %sub3A_149 : vector<16xi32>
    %and3A_151 = arith.constant 1 : i32
    %and3A_152 = vector.broadcast %and3A_151 : i32 to vector<16xi32>
    %and3A_153 = arith.andi %get3A_144, %and3A_152 : vector<16xi32>
    %mul3A_154 = arith.muli %and3A_153, %get3A_4 : vector<16xi32>
    %add3A_155 = arith.addi %sub3A_150, %mul3A_154 : vector<16xi32>
    %shift_right_arithmetic3A_156 = arith.constant 1 : i32
    %shift_right_arithmetic3A_157 = vector.broadcast %shift_right_arithmetic3A_156 : i32 to vector<16xi32>
    %shift_right_arithmetic3A_158 = arith.shrsi %get3A_144, %shift_right_arithmetic3A_157 : vector<16xi32>
    %mul3A_159 = arith.muli %shift_right_arithmetic3A_158, %get3A_7 : vector<16xi32>
    %add3A_160 = arith.addi %add3A_155, %mul3A_159 : vector<16xi32>
    %swap3A_161 = arith.constant 0 : index
    %swap3A_162 = tpu.vector_load %arg18[%swap3A_161] {strides = array<i32>} : memref<16xi32, #tpu.memory_space<vmem>>, vector<16xi32>,
    %swap3A_163 = vector.shape_cast %swap3A_162 : vector<16xi32> to vector<16xi32>
    %swap3A_164 = vector.shape_cast %add3A_160 : vector<16xi32> to vector<16xi32>
    tpu.vector_store %arg18[%swap3A_161], %swap3A_164 {strides = array<i32>} : memref<16xi32, #tpu.memory_space<vmem>>, vector<16xi32>,
    %get3A_165 = arith.constant 112 : index
    %get3A_166 = tpu.vector_load %arg8[%get3A_165] {strides = array<i32>} : memref<128xi32, #tpu.memory_space<vmem>>, vector<16xi32>,
    %get3A_167 = vector.shape_cast %get3A_166 : vector<16xi32> to vector<16xi32>
    %get3A_168 = arith.constant 112 : index
    %get3A_169 = tpu.vector_load %arg9[%get3A_168] {strides = array<i32>} : memref<128xi32, #tpu.memory_space<vmem>>, vector<16xi32>,
    %get3A_170 = vector.shape_cast %get3A_169 : vector<16xi32> to vector<16xi32>
    %sub3A_171 = arith.constant 1 : i32
    %sub3A_172 = vector.broadcast %sub3A_171 : i32 to vector<16xi32>
    %sub3A_173 = arith.subi %get3A_170, %sub3A_172 : vector<16xi32>
    %and3A_174 = arith.constant 1 : i32
    %and3A_175 = vector.broadcast %and3A_174 : i32 to vector<16xi32>
    %and3A_176 = arith.andi %get3A_167, %and3A_175 : vector<16xi32>
    %mul3A_177 = arith.muli %and3A_176, %get3A_4 : vector<16xi32>
    %add3A_178 = arith.addi %sub3A_173, %mul3A_177 : vector<16xi32>
    %shift_right_arithmetic3A_179 = arith.constant 1 : i32
    %shift_right_arithmetic3A_180 = vector.broadcast %shift_right_arithmetic3A_179 : i32 to vector<16xi32>
    %shift_right_arithmetic3A_181 = arith.shrsi %get3A_167, %shift_right_arithmetic3A_180 : vector<16xi32>
    %mul3A_182 = arith.muli %shift_right_arithmetic3A_181, %get3A_7 : vector<16xi32>
    %add3A_183 = arith.addi %add3A_178, %mul3A_182 : vector<16xi32>
    %swap3A_184 = arith.constant 0 : index
    %swap3A_185 = tpu.vector_load %arg19[%swap3A_184] {strides = array<i32>} : memref<16xi32, #tpu.memory_space<vmem>>, vector<16xi32>,
    %swap3A_186 = vector.shape_cast %swap3A_185 : vector<16xi32> to vector<16xi32>
    %swap3A_187 = vector.shape_cast %add3A_183 : vector<16xi32> to vector<16xi32>
    tpu.vector_store %arg19[%swap3A_184], %swap3A_187 {strides = array<i32>} : memref<16xi32, #tpu.memory_space<vmem>>, vector<16xi32>,
    %dma_start3A = arith.constant 0 : i32
    %dma_start3A_188 = arith.constant 0 : i32
    %dma_start3A_189 = tpu.memref_slice %arg2[%dma_start3A, %dma_start3A_188] : memref<4096x2048xf32, #tpu.memory_space<hbm>> -> memref<4096x2048xf32, #tpu.memory_space<hbm>>
    tpu.enqueue_indirect_dma source(%dma_start3A_189 : memref<4096x2048xf32, #tpu.memory_space<hbm>>) target(%arg20 : memref<16x2048xf32, #tpu.memory_space<vmem>>) offsets(%arg12 : memref<16xi32, #tpu.memory_space<vmem>>) semaphore(%arg22 : memref<!tpu.dma_semaphore, #tpu.memory_space<semaphore_mem>>)
    %dma_wait3A = arith.constant 0 : i32
    %dma_wait3A_190 = arith.constant 0 : i32
    %dma_wait3A_191 = tpu.memref_slice %arg2[%dma_wait3A, %dma_wait3A_190] : memref<4096x2048xf32, #tpu.memory_space<hbm>> -> memref<4096x2048xf32, #tpu.memory_space<hbm>>
    tpu.wait_indirect_dma semaphore(%arg22 : memref<!tpu.dma_semaphore, #tpu.memory_space<semaphore_mem>>) src(%dma_wait3A_191 : memref<4096x2048xf32, #tpu.memory_space<hbm>>) dst(%arg20 : memref<16x2048xf32, #tpu.memory_space<vmem>>)
    %add3A_192 = arith.constant 0 : i32
    %add3A_193 = arith.addi %mul3A_2, %add3A_192 : i32
    %dma_start3A_194 = arith.constant 0 : i32
    %dma_start3A_195 = tpu.memref_slice %arg7[%add3A_193, %dma_start3A_194] : memref<4096x2048xf32, #tpu.memory_space<hbm>> -> memref<16x2048xf32, #tpu.memory_space<hbm>>
    %dma_start3A_196 = arith.constant 0 : i32
    %dma_start3A_197 = tpu.memref_slice %arg7[%add3A_193, %dma_start3A_196] : memref<4096x2048xf32, #tpu.memory_space<hbm>> -> memref<16x2048xf32, #tpu.memory_space<hbm>>
    tpu.enqueue_dma source(%arg20 : memref<16x2048xf32, #tpu.memory_space<vmem>>) target(%dma_start3A_197 : memref<16x2048xf32, #tpu.memory_space<hbm>>) target_semaphore(%arg24 : memref<!tpu.dma_semaphore, #tpu.memory_space<semaphore_mem>>)
    %dma_start3A_198 = arith.constant 0 : i32
    %dma_start3A_199 = arith.constant 0 : i32
    %dma_start3A_200 = tpu.memref_slice %arg2[%dma_start3A_198, %dma_start3A_199] : memref<4096x2048xf32, #tpu.memory_space<hbm>> -> memref<4096x2048xf32, #tpu.memory_space<hbm>>
    tpu.enqueue_indirect_dma source(%dma_start3A_200 : memref<4096x2048xf32, #tpu.memory_space<hbm>>) target(%arg21 : memref<16x2048xf32, #tpu.memory_space<vmem>>) offsets(%arg13 : memref<16xi32, #tpu.memory_space<vmem>>) semaphore(%arg23 : memref<!tpu.dma_semaphore, #tpu.memory_space<semaphore_mem>>)
    %dma_wait3A_201 = arith.constant 0 : i32
    %dma_wait3A_202 = arith.constant 0 : i32
    %dma_wait3A_203 = tpu.memref_slice %arg2[%dma_wait3A_201, %dma_wait3A_202] : memref<4096x2048xf32, #tpu.memory_space<hbm>> -> memref<4096x2048xf32, #tpu.memory_space<hbm>>
    tpu.wait_indirect_dma semaphore(%arg23 : memref<!tpu.dma_semaphore, #tpu.memory_space<semaphore_mem>>) src(%dma_wait3A_203 : memref<4096x2048xf32, #tpu.memory_space<hbm>>) dst(%arg21 : memref<16x2048xf32, #tpu.memory_space<vmem>>)
    %add3A_204 = arith.constant 16 : i32
    %add3A_205 = arith.addi %mul3A_2, %add3A_204 : i32
    %dma_start3A_206 = arith.constant 0 : i32
    %dma_start3A_207 = tpu.memref_slice %arg7[%add3A_205, %dma_start3A_206] : memref<4096x2048xf32, #tpu.memory_space<hbm>> -> memref<16x2048xf32, #tpu.memory_space<hbm>>
    %dma_start3A_208 = arith.constant 0 : i32
    %dma_start3A_209 = tpu.memref_slice %arg7[%add3A_205, %dma_start3A_208] : memref<4096x2048xf32, #tpu.memory_space<hbm>> -> memref<16x2048xf32, #tpu.memory_space<hbm>>
    tpu.enqueue_dma source(%arg21 : memref<16x2048xf32, #tpu.memory_space<vmem>>) target(%dma_start3A_209 : memref<16x2048xf32, #tpu.memory_space<hbm>>) target_semaphore(%arg25 : memref<!tpu.dma_semaphore, #tpu.memory_space<semaphore_mem>>)
    %dma_wait3A_210 = arith.constant 0 : i32
    %dma_wait3A_211 = tpu.memref_slice %arg7[%add3A_193, %dma_wait3A_210] : memref<4096x2048xf32, #tpu.memory_space<hbm>> -> memref<16x2048xf32, #tpu.memory_space<hbm>>
    %dma_wait3A_212 = arith.constant 0 : i32
    %dma_wait3A_213 = tpu.memref_slice %arg7[%add3A_193, %dma_wait3A_212] : memref<4096x2048xf32, #tpu.memory_space<hbm>> -> memref<16x2048xf32, #tpu.memory_space<hbm>>
    tpu.wait_dma2 semaphore(%arg24 : memref<!tpu.dma_semaphore, #tpu.memory_space<semaphore_mem>>) src(%arg20 : memref<16x2048xf32, #tpu.memory_space<vmem>>) dst(%dma_wait3A_213 : memref<16x2048xf32, #tpu.memory_space<hbm>>)
    %dma_start3A_214 = arith.constant 0 : i32
    %dma_start3A_215 = arith.constant 0 : i32
    %dma_start3A_216 = tpu.memref_slice %arg2[%dma_start3A_214, %dma_start3A_215] : memref<4096x2048xf32, #tpu.memory_space<hbm>> -> memref<4096x2048xf32, #tpu.memory_space<hbm>>
    tpu.enqueue_indirect_dma source(%dma_start3A_216 : memref<4096x2048xf32, #tpu.memory_space<hbm>>) target(%arg20 : memref<16x2048xf32, #tpu.memory_space<vmem>>) offsets(%arg14 : memref<16xi32, #tpu.memory_space<vmem>>) semaphore(%arg22 : memref<!tpu.dma_semaphore, #tpu.memory_space<semaphore_mem>>)
    %dma_wait3A_217 = arith.constant 0 : i32
    %dma_wait3A_218 = arith.constant 0 : i32
    %dma_wait3A_219 = tpu.memref_slice %arg2[%dma_wait3A_217, %dma_wait3A_218] : memref<4096x2048xf32, #tpu.memory_space<hbm>> -> memref<4096x2048xf32, #tpu.memory_space<hbm>>
    tpu.wait_indirect_dma semaphore(%arg22 : memref<!tpu.dma_semaphore, #tpu.memory_space<semaphore_mem>>) src(%dma_wait3A_219 : memref<4096x2048xf32, #tpu.memory_space<hbm>>) dst(%arg20 : memref<16x2048xf32, #tpu.memory_space<vmem>>)
    %add3A_220 = arith.constant 32 : i32
    %add3A_221 = arith.addi %mul3A_2, %add3A_220 : i32
    %dma_start3A_222 = arith.constant 0 : i32
    %dma_start3A_223 = tpu.memref_slice %arg7[%add3A_221, %dma_start3A_222] : memref<4096x2048xf32, #tpu.memory_space<hbm>> -> memref<16x2048xf32, #tpu.memory_space<hbm>>
    %dma_start3A_224 = arith.constant 0 : i32
    %dma_start3A_225 = tpu.memref_slice %arg7[%add3A_221, %dma_start3A_224] : memref<4096x2048xf32, #tpu.memory_space<hbm>> -> memref<16x2048xf32, #tpu.memory_space<hbm>>
    tpu.enqueue_dma source(%arg20 : memref<16x2048xf32, #tpu.memory_space<vmem>>) target(%dma_start3A_225 : memref<16x2048xf32, #tpu.memory_space<hbm>>) target_semaphore(%arg24 : memref<!tpu.dma_semaphore, #tpu.memory_space<semaphore_mem>>)
    %dma_wait3A_226 = arith.constant 0 : i32
    %dma_wait3A_227 = tpu.memref_slice %arg7[%add3A_205, %dma_wait3A_226] : memref<4096x2048xf32, #tpu.memory_space<hbm>> -> memref<16x2048xf32, #tpu.memory_space<hbm>>
    %dma_wait3A_228 = arith.constant 0 : i32
    %dma_wait3A_229 = tpu.memref_slice %arg7[%add3A_205, %dma_wait3A_228] : memref<4096x2048xf32, #tpu.memory_space<hbm>> -> memref<16x2048xf32, #tpu.memory_space<hbm>>
    tpu.wait_dma2 semaphore(%arg25 : memref<!tpu.dma_semaphore, #tpu.memory_space<semaphore_mem>>) src(%arg21 : memref<16x2048xf32, #tpu.memory_space<vmem>>) dst(%dma_wait3A_229 : memref<16x2048xf32, #tpu.memory_space<hbm>>)
    %dma_start3A_230 = arith.constant 0 : i32
    %dma_start3A_231 = arith.constant 0 : i32
    %dma_start3A_232 = tpu.memref_slice %arg2[%dma_start3A_230, %dma_start3A_231] : memref<4096x2048xf32, #tpu.memory_space<hbm>> -> memref<4096x2048xf32, #tpu.memory_space<hbm>>
    tpu.enqueue_indirect_dma source(%dma_start3A_232 : memref<4096x2048xf32, #tpu.memory_space<hbm>>) target(%arg21 : memref<16x2048xf32, #tpu.memory_space<vmem>>) offsets(%arg15 : memref<16xi32, #tpu.memory_space<vmem>>) semaphore(%arg23 : memref<!tpu.dma_semaphore, #tpu.memory_space<semaphore_mem>>)
    %dma_wait3A_233 = arith.constant 0 : i32
    %dma_wait3A_234 = arith.constant 0 : i32
    %dma_wait3A_235 = tpu.memref_slice %arg2[%dma_wait3A_233, %dma_wait3A_234] : memref<4096x2048xf32, #tpu.memory_space<hbm>> -> memref<4096x2048xf32, #tpu.memory_space<hbm>>
    tpu.wait_indirect_dma semaphore(%arg23 : memref<!tpu.dma_semaphore, #tpu.memory_space<semaphore_mem>>) src(%dma_wait3A_235 : memref<4096x2048xf32, #tpu.memory_space<hbm>>) dst(%arg21 : memref<16x2048xf32, #tpu.memory_space<vmem>>)
    %add3A_236 = arith.constant 48 : i32
    %add3A_237 = arith.addi %mul3A_2, %add3A_236 : i32
    %dma_start3A_238 = arith.constant 0 : i32
    %dma_start3A_239 = tpu.memref_slice %arg7[%add3A_237, %dma_start3A_238] : memref<4096x2048xf32, #tpu.memory_space<hbm>> -> memref<16x2048xf32, #tpu.memory_space<hbm>>
    %dma_start3A_240 = arith.constant 0 : i32
    %dma_start3A_241 = tpu.memref_slice %arg7[%add3A_237, %dma_start3A_240] : memref<4096x2048xf32, #tpu.memory_space<hbm>> -> memref<16x2048xf32, #tpu.memory_space<hbm>>
    tpu.enqueue_dma source(%arg21 : memref<16x2048xf32, #tpu.memory_space<vmem>>) target(%dma_start3A_241 : memref<16x2048xf32, #tpu.memory_space<hbm>>) target_semaphore(%arg25 : memref<!tpu.dma_semaphore, #tpu.memory_space<semaphore_mem>>)
    %dma_wait3A_242 = arith.constant 0 : i32
    %dma_wait3A_243 = tpu.memref_slice %arg7[%add3A_221, %dma_wait3A_242] : memref<4096x2048xf32, #tpu.memory_space<hbm>> -> memref<16x2048xf32, #tpu.memory_space<hbm>>
    %dma_wait3A_244 = arith.constant 0 : i32
    %dma_wait3A_245 = tpu.memref_slice %arg7[%add3A_221, %dma_wait3A_244] : memref<4096x2048xf32, #tpu.memory_space<hbm>> -> memref<16x2048xf32, #tpu.memory_space<hbm>>
    tpu.wait_dma2 semaphore(%arg24 : memref<!tpu.dma_semaphore, #tpu.memory_space<semaphore_mem>>) src(%arg20 : memref<16x2048xf32, #tpu.memory_space<vmem>>) dst(%dma_wait3A_245 : memref<16x2048xf32, #tpu.memory_space<hbm>>)
    %dma_start3A_246 = arith.constant 0 : i32
    %dma_start3A_247 = arith.constant 0 : i32
    %dma_start3A_248 = tpu.memref_slice %arg2[%dma_start3A_246, %dma_start3A_247] : memref<4096x2048xf32, #tpu.memory_space<hbm>> -> memref<4096x2048xf32, #tpu.memory_space<hbm>>
    tpu.enqueue_indirect_dma source(%dma_start3A_248 : memref<4096x2048xf32, #tpu.memory_space<hbm>>) target(%arg20 : memref<16x2048xf32, #tpu.memory_space<vmem>>) offsets(%arg16 : memref<16xi32, #tpu.memory_space<vmem>>) semaphore(%arg22 : memref<!tpu.dma_semaphore, #tpu.memory_space<semaphore_mem>>)
    %dma_wait3A_249 = arith.constant 0 : i32
    %dma_wait3A_250 = arith.constant 0 : i32
    %dma_wait3A_251 = tpu.memref_slice %arg2[%dma_wait3A_249, %dma_wait3A_250] : memref<4096x2048xf32, #tpu.memory_space<hbm>> -> memref<4096x2048xf32, #tpu.memory_space<hbm>>
    tpu.wait_indirect_dma semaphore(%arg22 : memref<!tpu.dma_semaphore, #tpu.memory_space<semaphore_mem>>) src(%dma_wait3A_251 : memref<4096x2048xf32, #tpu.memory_space<hbm>>) dst(%arg20 : memref<16x2048xf32, #tpu.memory_space<vmem>>)
    %add3A_252 = arith.constant 64 : i32
    %add3A_253 = arith.addi %mul3A_2, %add3A_252 : i32
    %dma_start3A_254 = arith.constant 0 : i32
    %dma_start3A_255 = tpu.memref_slice %arg7[%add3A_253, %dma_start3A_254] : memref<4096x2048xf32, #tpu.memory_space<hbm>> -> memref<16x2048xf32, #tpu.memory_space<hbm>>
    %dma_start3A_256 = arith.constant 0 : i32
    %dma_start3A_257 = tpu.memref_slice %arg7[%add3A_253, %dma_start3A_256] : memref<4096x2048xf32, #tpu.memory_space<hbm>> -> memref<16x2048xf32, #tpu.memory_space<hbm>>
    tpu.enqueue_dma source(%arg20 : memref<16x2048xf32, #tpu.memory_space<vmem>>) target(%dma_start3A_257 : memref<16x2048xf32, #tpu.memory_space<hbm>>) target_semaphore(%arg24 : memref<!tpu.dma_semaphore, #tpu.memory_space<semaphore_mem>>)
    %dma_wait3A_258 = arith.constant 0 : i32
    %dma_wait3A_259 = tpu.memref_slice %arg7[%add3A_237, %dma_wait3A_258] : memref<4096x2048xf32, #tpu.memory_space<hbm>> -> memref<16x2048xf32, #tpu.memory_space<hbm>>
    %dma_wait3A_260 = arith.constant 0 : i32
    %dma_wait3A_261 = tpu.memref_slice %arg7[%add3A_237, %dma_wait3A_260] : memref<4096x2048xf32, #tpu.memory_space<hbm>> -> memref<16x2048xf32, #tpu.memory_space<hbm>>
    tpu.wait_dma2 semaphore(%arg25 : memref<!tpu.dma_semaphore, #tpu.memory_space<semaphore_mem>>) src(%arg21 : memref<16x2048xf32, #tpu.memory_space<vmem>>) dst(%dma_wait3A_261 : memref<16x2048xf32, #tpu.memory_space<hbm>>)
    %dma_start3A_262 = arith.constant 0 : i32
    %dma_start3A_263 = arith.constant 0 : i32
    %dma_start3A_264 = tpu.memref_slice %arg2[%dma_start3A_262, %dma_start3A_263] : memref<4096x2048xf32, #tpu.memory_space<hbm>> -> memref<4096x2048xf32, #tpu.memory_space<hbm>>
    tpu.enqueue_indirect_dma source(%dma_start3A_264 : memref<4096x2048xf32, #tpu.memory_space<hbm>>) target(%arg21 : memref<16x2048xf32, #tpu.memory_space<vmem>>) offsets(%arg17 : memref<16xi32, #tpu.memory_space<vmem>>) semaphore(%arg23 : memref<!tpu.dma_semaphore, #tpu.memory_space<semaphore_mem>>)
    %dma_wait3A_265 = arith.constant 0 : i32
    %dma_wait3A_266 = arith.constant 0 : i32
    %dma_wait3A_267 = tpu.memref_slice %arg2[%dma_wait3A_265, %dma_wait3A_266] : memref<4096x2048xf32, #tpu.memory_space<hbm>> -> memref<4096x2048xf32, #tpu.memory_space<hbm>>
    tpu.wait_indirect_dma semaphore(%arg23 : memref<!tpu.dma_semaphore, #tpu.memory_space<semaphore_mem>>) src(%dma_wait3A_267 : memref<4096x2048xf32, #tpu.memory_space<hbm>>) dst(%arg21 : memref<16x2048xf32, #tpu.memory_space<vmem>>)
    %add3A_268 = arith.constant 80 : i32
    %add3A_269 = arith.addi %mul3A_2, %add3A_268 : i32
    %dma_start3A_270 = arith.constant 0 : i32
    %dma_start3A_271 = tpu.memref_slice %arg7[%add3A_269, %dma_start3A_270] : memref<4096x2048xf32, #tpu.memory_space<hbm>> -> memref<16x2048xf32, #tpu.memory_space<hbm>>
    %dma_start3A_272 = arith.constant 0 : i32
    %dma_start3A_273 = tpu.memref_slice %arg7[%add3A_269, %dma_start3A_272] : memref<4096x2048xf32, #tpu.memory_space<hbm>> -> memref<16x2048xf32, #tpu.memory_space<hbm>>
    tpu.enqueue_dma source(%arg21 : memref<16x2048xf32, #tpu.memory_space<vmem>>) target(%dma_start3A_273 : memref<16x2048xf32, #tpu.memory_space<hbm>>) target_semaphore(%arg25 : memref<!tpu.dma_semaphore, #tpu.memory_space<semaphore_mem>>)
    %dma_wait3A_274 = arith.constant 0 : i32
    %dma_wait3A_275 = tpu.memref_slice %arg7[%add3A_253, %dma_wait3A_274] : memref<4096x2048xf32, #tpu.memory_space<hbm>> -> memref<16x2048xf32, #tpu.memory_space<hbm>>
    %dma_wait3A_276 = arith.constant 0 : i32
    %dma_wait3A_277 = tpu.memref_slice %arg7[%add3A_253, %dma_wait3A_276] : memref<4096x2048xf32, #tpu.memory_space<hbm>> -> memref<16x2048xf32, #tpu.memory_space<hbm>>
    tpu.wait_dma2 semaphore(%arg24 : memref<!tpu.dma_semaphore, #tpu.memory_space<semaphore_mem>>) src(%arg20 : memref<16x2048xf32, #tpu.memory_space<vmem>>) dst(%dma_wait3A_277 : memref<16x2048xf32, #tpu.memory_space<hbm>>)
    %dma_start3A_278 = arith.constant 0 : i32
    %dma_start3A_279 = arith.constant 0 : i32
    %dma_start3A_280 = tpu.memref_slice %arg2[%dma_start3A_278, %dma_start3A_279] : memref<4096x2048xf32, #tpu.memory_space<hbm>> -> memref<4096x2048xf32, #tpu.memory_space<hbm>>
    tpu.enqueue_indirect_dma source(%dma_start3A_280 : memref<4096x2048xf32, #tpu.memory_space<hbm>>) target(%arg20 : memref<16x2048xf32, #tpu.memory_space<vmem>>) offsets(%arg18 : memref<16xi32, #tpu.memory_space<vmem>>) semaphore(%arg22 : memref<!tpu.dma_semaphore, #tpu.memory_space<semaphore_mem>>)
    %dma_wait3A_281 = arith.constant 0 : i32
    %dma_wait3A_282 = arith.constant 0 : i32
    %dma_wait3A_283 = tpu.memref_slice %arg2[%dma_wait3A_281, %dma_wait3A_282] : memref<4096x2048xf32, #tpu.memory_space<hbm>> -> memref<4096x2048xf32, #tpu.memory_space<hbm>>
    tpu.wait_indirect_dma semaphore(%arg22 : memref<!tpu.dma_semaphore, #tpu.memory_space<semaphore_mem>>) src(%dma_wait3A_283 : memref<4096x2048xf32, #tpu.memory_space<hbm>>) dst(%arg20 : memref<16x2048xf32, #tpu.memory_space<vmem>>)
    %add3A_284 = arith.constant 96 : i32
    %add3A_285 = arith.addi %mul3A_2, %add3A_284 : i32
    %dma_start3A_286 = arith.constant 0 : i32
    %dma_start3A_287 = tpu.memref_slice %arg7[%add3A_285, %dma_start3A_286] : memref<4096x2048xf32, #tpu.memory_space<hbm>> -> memref<16x2048xf32, #tpu.memory_space<hbm>>
    %dma_start3A_288 = arith.constant 0 : i32
    %dma_start3A_289 = tpu.memref_slice %arg7[%add3A_285, %dma_start3A_288] : memref<4096x2048xf32, #tpu.memory_space<hbm>> -> memref<16x2048xf32, #tpu.memory_space<hbm>>
    tpu.enqueue_dma source(%arg20 : memref<16x2048xf32, #tpu.memory_space<vmem>>) target(%dma_start3A_289 : memref<16x2048xf32, #tpu.memory_space<hbm>>) target_semaphore(%arg24 : memref<!tpu.dma_semaphore, #tpu.memory_space<semaphore_mem>>)
    %dma_wait3A_290 = arith.constant 0 : i32
    %dma_wait3A_291 = tpu.memref_slice %arg7[%add3A_269, %dma_wait3A_290] : memref<4096x2048xf32, #tpu.memory_space<hbm>> -> memref<16x2048xf32, #tpu.memory_space<hbm>>
    %dma_wait3A_292 = arith.constant 0 : i32
    %dma_wait3A_293 = tpu.memref_slice %arg7[%add3A_269, %dma_wait3A_292] : memref<4096x2048xf32, #tpu.memory_space<hbm>> -> memref<16x2048xf32, #tpu.memory_space<hbm>>
    tpu.wait_dma2 semaphore(%arg25 : memref<!tpu.dma_semaphore, #tpu.memory_space<semaphore_mem>>) src(%arg21 : memref<16x2048xf32, #tpu.memory_space<vmem>>) dst(%dma_wait3A_293 : memref<16x2048xf32, #tpu.memory_space<hbm>>)
    %dma_start3A_294 = arith.constant 0 : i32
    %dma_start3A_295 = arith.constant 0 : i32
    %dma_start3A_296 = tpu.memref_slice %arg2[%dma_start3A_294, %dma_start3A_295] : memref<4096x2048xf32, #tpu.memory_space<hbm>> -> memref<4096x2048xf32, #tpu.memory_space<hbm>>
    tpu.enqueue_indirect_dma source(%dma_start3A_296 : memref<4096x2048xf32, #tpu.memory_space<hbm>>) target(%arg21 : memref<16x2048xf32, #tpu.memory_space<vmem>>) offsets(%arg19 : memref<16xi32, #tpu.memory_space<vmem>>) semaphore(%arg23 : memref<!tpu.dma_semaphore, #tpu.memory_space<semaphore_mem>>)
    %dma_wait3A_297 = arith.constant 0 : i32
    %dma_wait3A_298 = arith.constant 0 : i32
    %dma_wait3A_299 = tpu.memref_slice %arg2[%dma_wait3A_297, %dma_wait3A_298] : memref<4096x2048xf32, #tpu.memory_space<hbm>> -> memref<4096x2048xf32, #tpu.memory_space<hbm>>
    tpu.wait_indirect_dma semaphore(%arg23 : memref<!tpu.dma_semaphore, #tpu.memory_space<semaphore_mem>>) src(%dma_wait3A_299 : memref<4096x2048xf32, #tpu.memory_space<hbm>>) dst(%arg21 : memref<16x2048xf32, #tpu.memory_space<vmem>>)
    %add3A_300 = arith.constant 112 : i32
    %add3A_301 = arith.addi %mul3A_2, %add3A_300 : i32
    %dma_start3A_302 = arith.constant 0 : i32
    %dma_start3A_303 = tpu.memref_slice %arg7[%add3A_301, %dma_start3A_302] : memref<4096x2048xf32, #tpu.memory_space<hbm>> -> memref<16x2048xf32, #tpu.memory_space<hbm>>
    %dma_start3A_304 = arith.constant 0 : i32
    %dma_start3A_305 = tpu.memref_slice %arg7[%add3A_301, %dma_start3A_304] : memref<4096x2048xf32, #tpu.memory_space<hbm>> -> memref<16x2048xf32, #tpu.memory_space<hbm>>
    tpu.enqueue_dma source(%arg21 : memref<16x2048xf32, #tpu.memory_space<vmem>>) target(%dma_start3A_305 : memref<16x2048xf32, #tpu.memory_space<hbm>>) target_semaphore(%arg25 : memref<!tpu.dma_semaphore, #tpu.memory_space<semaphore_mem>>)
    %dma_wait3A_306 = arith.constant 0 : i32
    %dma_wait3A_307 = tpu.memref_slice %arg7[%add3A_285, %dma_wait3A_306] : memref<4096x2048xf32, #tpu.memory_space<hbm>> -> memref<16x2048xf32, #tpu.memory_space<hbm>>
    %dma_wait3A_308 = arith.constant 0 : i32
    %dma_wait3A_309 = tpu.memref_slice %arg7[%add3A_285, %dma_wait3A_308] : memref<4096x2048xf32, #tpu.memory_space<hbm>> -> memref<16x2048xf32, #tpu.memory_space<hbm>>
    tpu.wait_dma2 semaphore(%arg24 : memref<!tpu.dma_semaphore, #tpu.memory_space<semaphore_mem>>) src(%arg20 : memref<16x2048xf32, #tpu.memory_space<vmem>>) dst(%dma_wait3A_309 : memref<16x2048xf32, #tpu.memory_space<hbm>>)
    %dma_wait3A_310 = arith.constant 0 : i32
    %dma_wait3A_311 = tpu.memref_slice %arg7[%add3A_301, %dma_wait3A_310] : memref<4096x2048xf32, #tpu.memory_space<hbm>> -> memref<16x2048xf32, #tpu.memory_space<hbm>>
    %dma_wait3A_312 = arith.constant 0 : i32
    %dma_wait3A_313 = tpu.memref_slice %arg7[%add3A_301, %dma_wait3A_312] : memref<4096x2048xf32, #tpu.memory_space<hbm>> -> memref<16x2048xf32, #tpu.memory_space<hbm>>
    tpu.wait_dma2 semaphore(%arg25 : memref<!tpu.dma_semaphore, #tpu.memory_space<semaphore_mem>>) src(%arg21 : memref<16x2048xf32, #tpu.memory_space<vmem>>) dst(%dma_wait3A_313 : memref<16x2048xf32, #tpu.memory_space<hbm>>)
    return
  }
}

module attributes {stable_mosaic.version = 14 : i64} {
  func.func @body(%arg0: i32, %arg1: memref<512x2048xf32, #tpu.memory_space<vmem>>, %arg2: memref<512x1xf32, #tpu.memory_space<vmem>>, %arg3: memref<512x1xf32, #tpu.memory_space<vmem>>, %arg4: memref<2048x512xf32, #tpu.memory_space<vmem>>, %arg5: memref<512xf32, #tpu.memory_space<vmem>>, %arg6: memref<512x128xf32, #tpu.memory_space<vmem>>, %arg7: memref<128xf32, #tpu.memory_space<vmem>>, %arg8: memref<512x1xi32, #tpu.memory_space<vmem>>, %arg9: memref<512x1xi32, #tpu.memory_space<vmem>>, %arg10: memref<1x128xf32, #tpu.memory_space<vmem>>, %arg11: memref<1x128xf32, #tpu.memory_space<vmem>>) attributes {dimension_semantics = [#tpu.dimension_semantics<arbitrary>], iteration_bounds = array<i64: 8>, scalar_prefetch = 0 : i64, scratch_operands = 1 : i64, tpu.core_type = #tpu.core_type<tc>, window_params = [{transform_indices = @transform_0, window_bounds = array<i64: 512, 2048>}, {transform_indices = @transform_1, window_bounds = array<i64: 512, 1>}, {transform_indices = @transform_2, window_bounds = array<i64: 512, 1>}, {pipeline_mode = #tpu.pipeline_mode<synchronous>, transform_indices = @transform_3, window_bounds = array<i64: 2048, 512>}, {pipeline_mode = #tpu.pipeline_mode<synchronous>, transform_indices = @transform_4, window_bounds = array<i64: 512>}, {pipeline_mode = #tpu.pipeline_mode<synchronous>, transform_indices = @transform_5, window_bounds = array<i64: 512, 128>}, {pipeline_mode = #tpu.pipeline_mode<synchronous>, transform_indices = @transform_6, window_bounds = array<i64: 128>}, {transform_indices = @transform_7, window_bounds = array<i64: 512, 1>}, {transform_indices = @transform_8, window_bounds = array<i64: 512, 1>}, {pipeline_mode = #tpu.pipeline_mode<synchronous>, transform_indices = @transform_9, window_bounds = array<i64: 1, 128>}]} {
    %eq3A = arith.constant 0 : i32
    %eq3A_0 = arith.cmpi eq, %arg0, %eq3A : i32
    %convert_element_type3A = arith.extui %eq3A_0 : i1 to i32
    %cond3A = arith.constant 0 : i32
    %cond3A_1 = arith.cmpi ne, %convert_element_type3A, %cond3A : i32
    scf.if %cond3A_1 {
      %broadcast_in_dim3A_82 = arith.constant 0.000000e+00 : f32
      %broadcast_in_dim3A_83 = vector.broadcast %broadcast_in_dim3A_82 : f32 to vector<1x128xf32>
      %swap3A_84 = arith.constant 0 : index
      %swap3A_85 = arith.constant 0 : index
      %swap3A_86 = vector.load %arg11[%swap3A_84, %swap3A_85] : memref<1x128xf32, #tpu.memory_space<vmem>>, vector<1x128xf32>
      tpu.vector_store %arg11[%swap3A_84, %swap3A_85], %broadcast_in_dim3A_83 {strides = array<i32>} : memref<1x128xf32, #tpu.memory_space<vmem>>, vector<1x128xf32>,
    } else {
    }
    %get3A = arith.constant 0 : index
    %get3A_2 = arith.constant 0 : index
    %get3A_3 = vector.load %arg1[%get3A, %get3A_2] : memref<512x2048xf32, #tpu.memory_space<vmem>>, vector<512x2048xf32>
    %slice3A = vector.extract_strided_slice %get3A_3 {offsets = [0, 0], sizes = [512, 1024], strides = [1, 1]} : vector<512x2048xf32> to vector<512x1024xf32>
    %get3A_4 = arith.constant 0 : index
    %get3A_5 = arith.constant 0 : index
    %get3A_6 = vector.load %arg2[%get3A_4, %get3A_5] : memref<512x1xf32, #tpu.memory_space<vmem>>, vector<512x1xf32>
    %mul3A = vector.broadcast %get3A_6 : vector<512x1xf32> to vector<512x1024xf32>
    %mul3A_7 = arith.mulf %slice3A, %mul3A : vector<512x1024xf32>
    %slice3A_8 = vector.extract_strided_slice %get3A_3 {offsets = [0, 1024], sizes = [512, 1024], strides = [1, 1]} : vector<512x2048xf32> to vector<512x1024xf32>
    %get3A_9 = arith.constant 0 : index
    %get3A_10 = arith.constant 0 : index
    %get3A_11 = vector.load %arg3[%get3A_9, %get3A_10] : memref<512x1xf32, #tpu.memory_space<vmem>>, vector<512x1xf32>
    %mul3A_12 = vector.broadcast %get3A_11 : vector<512x1xf32> to vector<512x1024xf32>
    %mul3A_13 = arith.mulf %slice3A_8, %mul3A_12 : vector<512x1024xf32>
    %get3A_14 = arith.constant 0 : index
    %get3A_15 = arith.constant 0 : index
    %get3A_16 = vector.load %arg4[%get3A_14, %get3A_15] : memref<2048x512xf32, #tpu.memory_space<vmem>>, vector<1024x512xf32>
    %dot_general3A = arith.constant dense<0.000000e+00> : vector<512x512xf32>
    %dot_general3A_17 = tpu.matmul %mul3A_7, %get3A_16, %dot_general3A {dimension_numbers = #tpu.dot_dimension_numbers<[1], [0], [0], [1], [0, 0, 1, 1], [], []>, transpose_lhs_hint = false} : vector<512x1024xf32>, vector<1024x512xf32>, vector<512x512xf32> -> vector<512x512xf32>
    %get3A_18 = arith.constant 1024 : index
    %get3A_19 = arith.constant 0 : index
    %get3A_20 = vector.load %arg4[%get3A_18, %get3A_19] : memref<2048x512xf32, #tpu.memory_space<vmem>>, vector<1024x512xf32>
    %dot_general3A_21 = arith.constant dense<0.000000e+00> : vector<512x512xf32>
    %dot_general3A_22 = tpu.matmul %mul3A_13, %get3A_20, %dot_general3A_21 {dimension_numbers = #tpu.dot_dimension_numbers<[1], [0], [0], [1], [0, 0, 1, 1], [], []>, transpose_lhs_hint = false} : vector<512x1024xf32>, vector<1024x512xf32>, vector<512x512xf32> -> vector<512x512xf32>
    %add3A = arith.addf %dot_general3A_17, %dot_general3A_22 : vector<512x512xf32>
    %get3A_23 = arith.constant 0 : index
    %get3A_24 = vector.load %arg5[%get3A_23] : memref<512xf32, #tpu.memory_space<vmem>>, vector<512xf32>
    %broadcast_in_dim3A = vector.shape_cast %get3A_24 : vector<512xf32> to vector<1x512xf32>
    %add3A_25 = vector.broadcast %broadcast_in_dim3A : vector<1x512xf32> to vector<512x512xf32>
    %add3A_26 = arith.addf %add3A, %add3A_25 : vector<512x512xf32>
    %max3A = arith.constant 0.000000e+00 : f32
    %max3A_27 = vector.broadcast %max3A : f32 to vector<512x512xf32>
    %max3A_28 = arith.maximumf %add3A_26, %max3A_27 : vector<512x512xf32>
    %get3A_29 = arith.constant 0 : index
    %get3A_30 = arith.constant 0 : index
    %get3A_31 = vector.load %arg6[%get3A_29, %get3A_30] : memref<512x128xf32, #tpu.memory_space<vmem>>, vector<512x128xf32>
    %dot_general3A_32 = arith.constant dense<0.000000e+00> : vector<512x128xf32>
    %dot_general3A_33 = tpu.matmul %max3A_28, %get3A_31, %dot_general3A_32 {dimension_numbers = #tpu.dot_dimension_numbers<[1], [0], [0], [1], [0, 0, 1, 1], [], []>, transpose_lhs_hint = false} : vector<512x512xf32>, vector<512x128xf32>, vector<512x128xf32> -> vector<512x128xf32>
    %get3A_34 = arith.constant 0 : index
    %get3A_35 = vector.load %arg7[%get3A_34] : memref<128xf32, #tpu.memory_space<vmem>>, vector<128xf32>
    %broadcast_in_dim3A_36 = vector.shape_cast %get3A_35 : vector<128xf32> to vector<1x128xf32>
    %add3A_37 = vector.broadcast %broadcast_in_dim3A_36 : vector<1x128xf32> to vector<512x128xf32>
    %add3A_38 = arith.addf %dot_general3A_33, %add3A_37 : vector<512x128xf32>
    %slice3A_39 = vector.extract_strided_slice %add3A_38 {offsets = [0, 0], sizes = [512, 1], strides = [1, 1]} : vector<512x128xf32> to vector<512x1xf32>
    %slice3A_40 = vector.extract_strided_slice %add3A_38 {offsets = [0, 1], sizes = [512, 1], strides = [1, 1]} : vector<512x128xf32> to vector<512x1xf32>
    %slice3A_41 = vector.extract_strided_slice %add3A_38 {offsets = [0, 2], sizes = [512, 1], strides = [1, 1]} : vector<512x128xf32> to vector<512x1xf32>
    %gt3A = arith.cmpf ogt, %slice3A_40, %slice3A_39 : vector<512x1xf32>
    %max3A_42 = arith.maximumf %slice3A_39, %slice3A_40 : vector<512x1xf32>
    %gt3A_43 = arith.cmpf ogt, %slice3A_41, %max3A_42 : vector<512x1xf32>
    %jit3A = arith.constant 1 : i32
    %jit3A_44 = arith.constant 0 : i32
    %broadcast_in_dim3A_45 = vector.broadcast %jit3A : i32 to vector<512x1xi32>
    %broadcast_in_dim3A_46 = vector.broadcast %jit3A_44 : i32 to vector<512x1xi32>
    %select_n3A = arith.select %gt3A, %broadcast_in_dim3A_45, %broadcast_in_dim3A_46 : vector<512x1xi1>, vector<512x1xi32>
    %jit3A_47 = arith.constant 2 : i32
    %broadcast_in_dim3A_48 = vector.broadcast %jit3A_47 : i32 to vector<512x1xi32>
    %select_n3A_49 = arith.select %gt3A_43, %broadcast_in_dim3A_48, %select_n3A : vector<512x1xi1>, vector<512x1xi32>
    %swap3A = arith.constant 0 : index
    %swap3A_50 = arith.constant 0 : index
    %swap3A_51 = vector.load %arg8[%swap3A, %swap3A_50] : memref<512x1xi32, #tpu.memory_space<vmem>>, vector<512x1xi32>
    tpu.vector_store %arg8[%swap3A, %swap3A_50], %select_n3A_49 {strides = array<i32>} : memref<512x1xi32, #tpu.memory_space<vmem>>, vector<512x1xi32>,
    %iota3A = tpu.iota {dimensions = array<i32: 1>} : vector<512x128xi32>
    %eq3A_52 = vector.broadcast %select_n3A_49 : vector<512x1xi32> to vector<512x128xi32>
    %eq3A_53 = arith.cmpi eq, %iota3A, %eq3A_52 : vector<512x128xi32>
    %convert_element_type3A_54 = arith.extui %eq3A_53 : vector<512x128xi1> to vector<512x128xi32>
    %convert_element_type3A_55 = arith.sitofp %convert_element_type3A_54 : vector<512x128xi32> to vector<512x128xf32>
    %iota3A_56 = tpu.iota {dimensions = array<i32: 0>} : vector<512x512xi32>
    %iota3A_57 = tpu.iota {dimensions = array<i32: 1>} : vector<512x512xi32>
    %le3A = arith.cmpi sle, %iota3A_57, %iota3A_56 : vector<512x512xi32>
    %convert_element_type3A_58 = arith.extui %le3A : vector<512x512xi1> to vector<512x512xi32>
    %convert_element_type3A_59 = arith.sitofp %convert_element_type3A_58 : vector<512x512xi32> to vector<512x512xf32>
    %dot_general3A_60 = arith.constant dense<0.000000e+00> : vector<512x128xf32>
    %dot_general3A_61 = tpu.matmul %convert_element_type3A_59, %convert_element_type3A_55, %dot_general3A_60 {dimension_numbers = #tpu.dot_dimension_numbers<[1], [0], [0], [1], [0, 0, 1, 1], [], []>, transpose_lhs_hint = false} : vector<512x512xf32>, vector<512x128xf32>, vector<512x128xf32> -> vector<512x128xf32>
    %get3A_62 = arith.constant 0 : index
    %get3A_63 = arith.constant 0 : index
    %get3A_64 = vector.load %arg11[%get3A_62, %get3A_63] : memref<1x128xf32, #tpu.memory_space<vmem>>, vector<1x128xf32>
    %add3A_65 = vector.broadcast %get3A_64 : vector<1x128xf32> to vector<512x128xf32>
    %add3A_66 = arith.addf %dot_general3A_61, %add3A_65 : vector<512x128xf32>
    %mul3A_67 = arith.mulf %add3A_66, %convert_element_type3A_55 : vector<512x128xf32>
    %reduce_sum3A = arith.constant dense<0.000000e+00> : vector<512xf32>
    %reduce_sum3A_68 = vector.multi_reduction <add>, %mul3A_67, %reduce_sum3A [1] : vector<512x128xf32> to vector<512xf32>
    %broadcast_in_dim3A_69 = vector.shape_cast %reduce_sum3A_68 : vector<512xf32> to vector<512x1xf32>
    %convert_element_type3A_70 = arith.fptosi %broadcast_in_dim3A_69 : vector<512x1xf32> to vector<512x1xi32>
    %swap3A_71 = arith.constant 0 : index
    %swap3A_72 = arith.constant 0 : index
    %swap3A_73 = vector.load %arg9[%swap3A_71, %swap3A_72] : memref<512x1xi32, #tpu.memory_space<vmem>>, vector<512x1xi32>
    tpu.vector_store %arg9[%swap3A_71, %swap3A_72], %convert_element_type3A_70 {strides = array<i32>} : memref<512x1xi32, #tpu.memory_space<vmem>>, vector<512x1xi32>,
    %slice3A_74 = vector.extract_strided_slice %dot_general3A_61 {offsets = [511, 0], sizes = [1, 128], strides = [1, 1]} : vector<512x128xf32> to vector<1x128xf32>
    %add3A_75 = arith.addf %get3A_64, %slice3A_74 : vector<1x128xf32>
    %swap3A_76 = arith.constant 0 : index
    %swap3A_77 = arith.constant 0 : index
    %swap3A_78 = vector.load %arg11[%swap3A_76, %swap3A_77] : memref<1x128xf32, #tpu.memory_space<vmem>>, vector<1x128xf32>
    tpu.vector_store %arg11[%swap3A_76, %swap3A_77], %add3A_75 {strides = array<i32>} : memref<1x128xf32, #tpu.memory_space<vmem>>, vector<1x128xf32>,
    %swap3A_79 = arith.constant 0 : index
    %swap3A_80 = arith.constant 0 : index
    %swap3A_81 = vector.load %arg10[%swap3A_79, %swap3A_80] : memref<1x128xf32, #tpu.memory_space<vmem>>, vector<1x128xf32>
    tpu.vector_store %arg10[%swap3A_79, %swap3A_80], %add3A_75 {strides = array<i32>} : memref<1x128xf32, #tpu.memory_space<vmem>>, vector<1x128xf32>,
    return
  }
  func.func @transform_0(%arg0: i32) -> (i32, i32) {
    %c0_i32 = arith.constant 0 : i32
    %c0_i32_0 = arith.constant 0 : i32
    return %arg0, %c0_i32 : i32, i32
  }
  func.func @transform_1(%arg0: i32) -> (i32, i32) {
    %c0_i32 = arith.constant 0 : i32
    %c0_i32_0 = arith.constant 0 : i32
    return %arg0, %c0_i32 : i32, i32
  }
  func.func @transform_2(%arg0: i32) -> (i32, i32) {
    %c0_i32 = arith.constant 0 : i32
    %c0_i32_0 = arith.constant 0 : i32
    return %arg0, %c0_i32 : i32, i32
  }
  func.func @transform_3(%arg0: i32) -> (i32, i32) {
    %c0_i32 = arith.constant 0 : i32
    %c0_i32_0 = arith.constant 0 : i32
    %c0_i32_1 = arith.constant 0 : i32
    return %c0_i32, %c0_i32_0 : i32, i32
  }
  func.func @transform_4(%arg0: i32) -> i32 {
    %c0_i32 = arith.constant 0 : i32
    %c0_i32_0 = arith.constant 0 : i32
    return %c0_i32 : i32
  }
  func.func @transform_5(%arg0: i32) -> (i32, i32) {
    %c0_i32 = arith.constant 0 : i32
    %c0_i32_0 = arith.constant 0 : i32
    %c0_i32_1 = arith.constant 0 : i32
    return %c0_i32, %c0_i32_0 : i32, i32
  }
  func.func @transform_6(%arg0: i32) -> i32 {
    %c0_i32 = arith.constant 0 : i32
    %c0_i32_0 = arith.constant 0 : i32
    return %c0_i32 : i32
  }
  func.func @transform_7(%arg0: i32) -> (i32, i32) {
    %c0_i32 = arith.constant 0 : i32
    %c0_i32_0 = arith.constant 0 : i32
    return %arg0, %c0_i32 : i32, i32
  }
  func.func @transform_8(%arg0: i32) -> (i32, i32) {
    %c0_i32 = arith.constant 0 : i32
    %c0_i32_0 = arith.constant 0 : i32
    return %arg0, %c0_i32 : i32, i32
  }
  func.func @transform_9(%arg0: i32) -> (i32, i32) {
    %c0_i32 = arith.constant 0 : i32
    %c0_i32_0 = arith.constant 0 : i32
    %c0_i32_1 = arith.constant 0 : i32
    return %c0_i32, %c0_i32_0 : i32, i32
  }
}

module attributes {stable_mosaic.version = 14 : i64} {
  func.func @body(%arg0: i32, %arg1: memref<2xi32, #tpu.memory_space<smem>>, %arg2: memref<256x2048xf32, #tpu.memory_space<vmem>>, %arg3: memref<2048x1024xf32, #tpu.memory_space<vmem>>, %arg4: memref<1024xf32, #tpu.memory_space<vmem>>, %arg5: memref<1024x1024xf32, #tpu.memory_space<vmem>>, %arg6: memref<1024xf32, #tpu.memory_space<vmem>>, %arg7: memref<1024x2048xf32, #tpu.memory_space<vmem>>, %arg8: memref<2048xf32, #tpu.memory_space<vmem>>, %arg9: memref<2048x512xf32, #tpu.memory_space<vmem>>, %arg10: memref<512xf32, #tpu.memory_space<vmem>>, %arg11: memref<512x512xf32, #tpu.memory_space<vmem>>, %arg12: memref<512xf32, #tpu.memory_space<vmem>>, %arg13: memref<512x2048xf32, #tpu.memory_space<vmem>>, %arg14: memref<2048xf32, #tpu.memory_space<vmem>>, %arg15: memref<256x2048xf32, #tpu.memory_space<vmem>>) attributes {dimension_semantics = [#tpu.dimension_semantics<arbitrary>], iteration_bounds = array<i64: 16>, scalar_prefetch = 1 : i64, scratch_operands = 0 : i64, tpu.core_type = #tpu.core_type<tc>, window_params = [{transform_indices = @transform_0, window_bounds = array<i64: 256, 2048>}, {pipeline_mode = #tpu.pipeline_mode<synchronous>, transform_indices = @transform_1, window_bounds = array<i64: 2048, 1024>}, {pipeline_mode = #tpu.pipeline_mode<synchronous>, transform_indices = @transform_2, window_bounds = array<i64: 1024>}, {pipeline_mode = #tpu.pipeline_mode<synchronous>, transform_indices = @transform_3, window_bounds = array<i64: 1024, 1024>}, {pipeline_mode = #tpu.pipeline_mode<synchronous>, transform_indices = @transform_4, window_bounds = array<i64: 1024>}, {pipeline_mode = #tpu.pipeline_mode<synchronous>, transform_indices = @transform_5, window_bounds = array<i64: 1024, 2048>}, {pipeline_mode = #tpu.pipeline_mode<synchronous>, transform_indices = @transform_6, window_bounds = array<i64: 2048>}, {pipeline_mode = #tpu.pipeline_mode<synchronous>, transform_indices = @transform_7, window_bounds = array<i64: 2048, 512>}, {pipeline_mode = #tpu.pipeline_mode<synchronous>, transform_indices = @transform_8, window_bounds = array<i64: 512>}, {pipeline_mode = #tpu.pipeline_mode<synchronous>, transform_indices = @transform_9, window_bounds = array<i64: 512, 512>}, {pipeline_mode = #tpu.pipeline_mode<synchronous>, transform_indices = @transform_10, window_bounds = array<i64: 512>}, {pipeline_mode = #tpu.pipeline_mode<synchronous>, transform_indices = @transform_11, window_bounds = array<i64: 512, 2048>}, {pipeline_mode = #tpu.pipeline_mode<synchronous>, transform_indices = @transform_12, window_bounds = array<i64: 2048>}, {transform_indices = @transform_13, window_bounds = array<i64: 256, 2048>}]} {
    %get3A = arith.constant 0 : index
    %get3A_0 = memref.load %arg1[%get3A] : memref<2xi32, #tpu.memory_space<smem>>
    %get3A_1 = arith.constant 1 : index
    %get3A_2 = memref.load %arg1[%get3A_1] : memref<2xi32, #tpu.memory_space<smem>>
    %mul3A = arith.constant 256 : i32
    %mul3A_3 = arith.muli %arg0, %mul3A : i32
    %get3A_4 = arith.constant 0 : index
    %get3A_5 = arith.constant 0 : index
    %get3A_6 = vector.load %arg2[%get3A_4, %get3A_5] : memref<256x2048xf32, #tpu.memory_space<vmem>>, vector<256x2048xf32>
    %swap3A = arith.constant 0 : index
    %swap3A_7 = arith.constant 0 : index
    %swap3A_8 = vector.load %arg15[%swap3A, %swap3A_7] : memref<256x2048xf32, #tpu.memory_space<vmem>>, vector<256x2048xf32>
    tpu.vector_store %arg15[%swap3A, %swap3A_7], %get3A_6 {strides = array<i32>} : memref<256x2048xf32, #tpu.memory_space<vmem>>, vector<256x2048xf32>,
    %iota3A = tpu.iota {dimensions = array<i32: 0>} : vector<256x1xi32>
    %add3A = vector.broadcast %mul3A_3 : i32 to vector<256x1xi32>
    %add3A_9 = arith.addi %iota3A, %add3A : vector<256x1xi32>
    %add3A_10 = arith.constant 256 : i32
    %add3A_11 = arith.addi %mul3A_3, %add3A_10 : i32
    %gt3A = arith.cmpi sgt, %add3A_11, %get3A_0 : i32
    %lt3A = arith.cmpi slt, %mul3A_3, %get3A_2 : i32
    %and3A = arith.andi %gt3A, %lt3A : i1
    %convert_element_type3A = arith.extui %and3A : i1 to i32
    %cond3A = arith.constant 0 : i32
    %cond3A_12 = arith.cmpi ne, %convert_element_type3A, %cond3A : i32
    scf.if %cond3A_12 {
      %get3A_19 = arith.constant 0 : index
      %get3A_20 = arith.constant 0 : index
      %get3A_21 = vector.load %arg3[%get3A_19, %get3A_20] : memref<2048x1024xf32, #tpu.memory_space<vmem>>, vector<2048x1024xf32>
      %dot_general3A = arith.constant dense<0.000000e+00> : vector<256x1024xf32>
      %dot_general3A_22 = tpu.matmul %get3A_6, %get3A_21, %dot_general3A {dimension_numbers = #tpu.dot_dimension_numbers<[1], [0], [0], [1], [0, 0, 1, 1], [], []>, transpose_lhs_hint = false} : vector<256x2048xf32>, vector<2048x1024xf32>, vector<256x1024xf32> -> vector<256x1024xf32>
      %get3A_23 = arith.constant 0 : index
      %get3A_24 = vector.load %arg4[%get3A_23] : memref<1024xf32, #tpu.memory_space<vmem>>, vector<1024xf32>
      %broadcast_in_dim3A = vector.shape_cast %get3A_24 : vector<1024xf32> to vector<1x1024xf32>
      %add3A_25 = vector.broadcast %broadcast_in_dim3A : vector<1x1024xf32> to vector<256x1024xf32>
      %add3A_26 = arith.addf %dot_general3A_22, %add3A_25 : vector<256x1024xf32>
      %get3A_27 = arith.constant 0 : index
      %get3A_28 = arith.constant 0 : index
      %get3A_29 = vector.load %arg5[%get3A_27, %get3A_28] : memref<1024x1024xf32, #tpu.memory_space<vmem>>, vector<1024x1024xf32>
      %dot_general3A_30 = arith.constant dense<0.000000e+00> : vector<256x1024xf32>
      %dot_general3A_31 = tpu.matmul %add3A_26, %get3A_29, %dot_general3A_30 {dimension_numbers = #tpu.dot_dimension_numbers<[1], [0], [0], [1], [0, 0, 1, 1], [], []>, transpose_lhs_hint = false} : vector<256x1024xf32>, vector<1024x1024xf32>, vector<256x1024xf32> -> vector<256x1024xf32>
      %get3A_32 = arith.constant 0 : index
      %get3A_33 = vector.load %arg6[%get3A_32] : memref<1024xf32, #tpu.memory_space<vmem>>, vector<1024xf32>
      %broadcast_in_dim3A_34 = vector.shape_cast %get3A_33 : vector<1024xf32> to vector<1x1024xf32>
      %add3A_35 = vector.broadcast %broadcast_in_dim3A_34 : vector<1x1024xf32> to vector<256x1024xf32>
      %add3A_36 = arith.addf %dot_general3A_31, %add3A_35 : vector<256x1024xf32>
      %get3A_37 = arith.constant 0 : index
      %get3A_38 = arith.constant 0 : index
      %get3A_39 = vector.load %arg7[%get3A_37, %get3A_38] : memref<1024x2048xf32, #tpu.memory_space<vmem>>, vector<1024x2048xf32>
      %dot_general3A_40 = arith.constant dense<0.000000e+00> : vector<256x2048xf32>
      %dot_general3A_41 = tpu.matmul %add3A_36, %get3A_39, %dot_general3A_40 {dimension_numbers = #tpu.dot_dimension_numbers<[1], [0], [0], [1], [0, 0, 1, 1], [], []>, transpose_lhs_hint = false} : vector<256x1024xf32>, vector<1024x2048xf32>, vector<256x2048xf32> -> vector<256x2048xf32>
      %get3A_42 = arith.constant 0 : index
      %get3A_43 = vector.load %arg8[%get3A_42] : memref<2048xf32, #tpu.memory_space<vmem>>, vector<2048xf32>
      %broadcast_in_dim3A_44 = vector.shape_cast %get3A_43 : vector<2048xf32> to vector<1x2048xf32>
      %add3A_45 = vector.broadcast %broadcast_in_dim3A_44 : vector<1x2048xf32> to vector<256x2048xf32>
      %add3A_46 = arith.addf %dot_general3A_41, %add3A_45 : vector<256x2048xf32>
      %ge3A = vector.broadcast %get3A_0 : i32 to vector<256x1xi32>
      %ge3A_47 = arith.cmpi sge, %add3A_9, %ge3A : vector<256x1xi32>
      %lt3A_48 = vector.broadcast %get3A_2 : i32 to vector<256x1xi32>
      %lt3A_49 = arith.cmpi slt, %add3A_9, %lt3A_48 : vector<256x1xi32>
      %and3A_50 = arith.andi %ge3A_47, %lt3A_49 : vector<256x1xi1>
      %get3A_51 = arith.constant 0 : index
      %get3A_52 = arith.constant 0 : index
      %get3A_53 = vector.load %arg15[%get3A_51, %get3A_52] : memref<256x2048xf32, #tpu.memory_space<vmem>>, vector<256x2048xf32>
      %broadcast_in_dim3A_54 = vector.shape_cast %and3A_50 : vector<256x1xi1> to vector<256x1xi1>
      %broadcast_in_dim3A_55 = vector.broadcast %broadcast_in_dim3A_54 : vector<256x1xi1> to vector<256x2048xi1>
      %select_n3A = arith.select %broadcast_in_dim3A_55, %add3A_46, %get3A_53 : vector<256x2048xi1>, vector<256x2048xf32>
      %swap3A_56 = arith.constant 0 : index
      %swap3A_57 = arith.constant 0 : index
      %swap3A_58 = vector.load %arg15[%swap3A_56, %swap3A_57] : memref<256x2048xf32, #tpu.memory_space<vmem>>, vector<256x2048xf32>
      tpu.vector_store %arg15[%swap3A_56, %swap3A_57], %select_n3A {strides = array<i32>} : memref<256x2048xf32, #tpu.memory_space<vmem>>, vector<256x2048xf32>,
    } else {
    }
    %add3A_13 = arith.constant 256 : i32
    %add3A_14 = arith.addi %mul3A_3, %add3A_13 : i32
    %gt3A_15 = arith.cmpi sgt, %add3A_14, %get3A_2 : i32
    %convert_element_type3A_16 = arith.extui %gt3A_15 : i1 to i32
    %cond3A_17 = arith.constant 0 : i32
    %cond3A_18 = arith.cmpi ne, %convert_element_type3A_16, %cond3A_17 : i32
    scf.if %cond3A_18 {
      %get3A_19 = arith.constant 0 : index
      %get3A_20 = arith.constant 0 : index
      %get3A_21 = vector.load %arg9[%get3A_19, %get3A_20] : memref<2048x512xf32, #tpu.memory_space<vmem>>, vector<2048x512xf32>
      %dot_general3A = arith.constant dense<0.000000e+00> : vector<256x512xf32>
      %dot_general3A_22 = tpu.matmul %get3A_6, %get3A_21, %dot_general3A {dimension_numbers = #tpu.dot_dimension_numbers<[1], [0], [0], [1], [0, 0, 1, 1], [], []>, transpose_lhs_hint = false} : vector<256x2048xf32>, vector<2048x512xf32>, vector<256x512xf32> -> vector<256x512xf32>
      %get3A_23 = arith.constant 0 : index
      %get3A_24 = vector.load %arg10[%get3A_23] : memref<512xf32, #tpu.memory_space<vmem>>, vector<512xf32>
      %broadcast_in_dim3A = vector.shape_cast %get3A_24 : vector<512xf32> to vector<1x512xf32>
      %add3A_25 = vector.broadcast %broadcast_in_dim3A : vector<1x512xf32> to vector<256x512xf32>
      %add3A_26 = arith.addf %dot_general3A_22, %add3A_25 : vector<256x512xf32>
      %get3A_27 = arith.constant 0 : index
      %get3A_28 = arith.constant 0 : index
      %get3A_29 = vector.load %arg11[%get3A_27, %get3A_28] : memref<512x512xf32, #tpu.memory_space<vmem>>, vector<512x512xf32>
      %dot_general3A_30 = arith.constant dense<0.000000e+00> : vector<256x512xf32>
      %dot_general3A_31 = tpu.matmul %add3A_26, %get3A_29, %dot_general3A_30 {dimension_numbers = #tpu.dot_dimension_numbers<[1], [0], [0], [1], [0, 0, 1, 1], [], []>, transpose_lhs_hint = false} : vector<256x512xf32>, vector<512x512xf32>, vector<256x512xf32> -> vector<256x512xf32>
      %get3A_32 = arith.constant 0 : index
      %get3A_33 = vector.load %arg12[%get3A_32] : memref<512xf32, #tpu.memory_space<vmem>>, vector<512xf32>
      %broadcast_in_dim3A_34 = vector.shape_cast %get3A_33 : vector<512xf32> to vector<1x512xf32>
      %add3A_35 = vector.broadcast %broadcast_in_dim3A_34 : vector<1x512xf32> to vector<256x512xf32>
      %add3A_36 = arith.addf %dot_general3A_31, %add3A_35 : vector<256x512xf32>
      %get3A_37 = arith.constant 0 : index
      %get3A_38 = arith.constant 0 : index
      %get3A_39 = vector.load %arg13[%get3A_37, %get3A_38] : memref<512x2048xf32, #tpu.memory_space<vmem>>, vector<512x2048xf32>
      %dot_general3A_40 = arith.constant dense<0.000000e+00> : vector<256x2048xf32>
      %dot_general3A_41 = tpu.matmul %add3A_36, %get3A_39, %dot_general3A_40 {dimension_numbers = #tpu.dot_dimension_numbers<[1], [0], [0], [1], [0, 0, 1, 1], [], []>, transpose_lhs_hint = false} : vector<256x512xf32>, vector<512x2048xf32>, vector<256x2048xf32> -> vector<256x2048xf32>
      %get3A_42 = arith.constant 0 : index
      %get3A_43 = vector.load %arg14[%get3A_42] : memref<2048xf32, #tpu.memory_space<vmem>>, vector<2048xf32>
      %broadcast_in_dim3A_44 = vector.shape_cast %get3A_43 : vector<2048xf32> to vector<1x2048xf32>
      %add3A_45 = vector.broadcast %broadcast_in_dim3A_44 : vector<1x2048xf32> to vector<256x2048xf32>
      %add3A_46 = arith.addf %dot_general3A_41, %add3A_45 : vector<256x2048xf32>
      %ge3A = vector.broadcast %get3A_2 : i32 to vector<256x1xi32>
      %ge3A_47 = arith.cmpi sge, %add3A_9, %ge3A : vector<256x1xi32>
      %get3A_48 = arith.constant 0 : index
      %get3A_49 = arith.constant 0 : index
      %get3A_50 = vector.load %arg15[%get3A_48, %get3A_49] : memref<256x2048xf32, #tpu.memory_space<vmem>>, vector<256x2048xf32>
      %broadcast_in_dim3A_51 = vector.shape_cast %ge3A_47 : vector<256x1xi1> to vector<256x1xi1>
      %broadcast_in_dim3A_52 = vector.broadcast %broadcast_in_dim3A_51 : vector<256x1xi1> to vector<256x2048xi1>
      %select_n3A = arith.select %broadcast_in_dim3A_52, %add3A_46, %get3A_50 : vector<256x2048xi1>, vector<256x2048xf32>
      %swap3A_53 = arith.constant 0 : index
      %swap3A_54 = arith.constant 0 : index
      %swap3A_55 = vector.load %arg15[%swap3A_53, %swap3A_54] : memref<256x2048xf32, #tpu.memory_space<vmem>>, vector<256x2048xf32>
      tpu.vector_store %arg15[%swap3A_53, %swap3A_54], %select_n3A {strides = array<i32>} : memref<256x2048xf32, #tpu.memory_space<vmem>>, vector<256x2048xf32>,
    } else {
    }
    return
  }
  func.func @transform_0(%arg0: i32, %arg1: memref<2xi32, #tpu.memory_space<smem>>) -> (i32, i32) {
    %c0_i32 = arith.constant 0 : i32
    %c0_i32_0 = arith.constant 0 : i32
    return %arg0, %c0_i32 : i32, i32
  }
  func.func @transform_1(%arg0: i32, %arg1: memref<2xi32, #tpu.memory_space<smem>>) -> (i32, i32) {
    %c0_i32 = arith.constant 0 : i32
    %c0_i32_0 = arith.constant 0 : i32
    %c0_i32_1 = arith.constant 0 : i32
    return %c0_i32, %c0_i32_0 : i32, i32
  }
  func.func @transform_2(%arg0: i32, %arg1: memref<2xi32, #tpu.memory_space<smem>>) -> i32 {
    %c0_i32 = arith.constant 0 : i32
    %c0_i32_0 = arith.constant 0 : i32
    return %c0_i32 : i32
  }
  func.func @transform_3(%arg0: i32, %arg1: memref<2xi32, #tpu.memory_space<smem>>) -> (i32, i32) {
    %c0_i32 = arith.constant 0 : i32
    %c0_i32_0 = arith.constant 0 : i32
    %c0_i32_1 = arith.constant 0 : i32
    return %c0_i32, %c0_i32_0 : i32, i32
  }
  func.func @transform_4(%arg0: i32, %arg1: memref<2xi32, #tpu.memory_space<smem>>) -> i32 {
    %c0_i32 = arith.constant 0 : i32
    %c0_i32_0 = arith.constant 0 : i32
    return %c0_i32 : i32
  }
  func.func @transform_5(%arg0: i32, %arg1: memref<2xi32, #tpu.memory_space<smem>>) -> (i32, i32) {
    %c0_i32 = arith.constant 0 : i32
    %c0_i32_0 = arith.constant 0 : i32
    %c0_i32_1 = arith.constant 0 : i32
    return %c0_i32, %c0_i32_0 : i32, i32
  }
  func.func @transform_6(%arg0: i32, %arg1: memref<2xi32, #tpu.memory_space<smem>>) -> i32 {
    %c0_i32 = arith.constant 0 : i32
    %c0_i32_0 = arith.constant 0 : i32
    return %c0_i32 : i32
  }
  func.func @transform_7(%arg0: i32, %arg1: memref<2xi32, #tpu.memory_space<smem>>) -> (i32, i32) {
    %c0_i32 = arith.constant 0 : i32
    %c0_i32_0 = arith.constant 0 : i32
    %c0_i32_1 = arith.constant 0 : i32
    return %c0_i32, %c0_i32_0 : i32, i32
  }
  func.func @transform_8(%arg0: i32, %arg1: memref<2xi32, #tpu.memory_space<smem>>) -> i32 {
    %c0_i32 = arith.constant 0 : i32
    %c0_i32_0 = arith.constant 0 : i32
    return %c0_i32 : i32
  }
  func.func @transform_9(%arg0: i32, %arg1: memref<2xi32, #tpu.memory_space<smem>>) -> (i32, i32) {
    %c0_i32 = arith.constant 0 : i32
    %c0_i32_0 = arith.constant 0 : i32
    %c0_i32_1 = arith.constant 0 : i32
    return %c0_i32, %c0_i32_0 : i32, i32
  }
  func.func @transform_10(%arg0: i32, %arg1: memref<2xi32, #tpu.memory_space<smem>>) -> i32 {
    %c0_i32 = arith.constant 0 : i32
    %c0_i32_0 = arith.constant 0 : i32
    return %c0_i32 : i32
  }
  func.func @transform_11(%arg0: i32, %arg1: memref<2xi32, #tpu.memory_space<smem>>) -> (i32, i32) {
    %c0_i32 = arith.constant 0 : i32
    %c0_i32_0 = arith.constant 0 : i32
    %c0_i32_1 = arith.constant 0 : i32
    return %c0_i32, %c0_i32_0 : i32, i32
  }
  func.func @transform_12(%arg0: i32, %arg1: memref<2xi32, #tpu.memory_space<smem>>) -> i32 {
    %c0_i32 = arith.constant 0 : i32
    %c0_i32_0 = arith.constant 0 : i32
    return %c0_i32 : i32
  }
  func.func @transform_13(%arg0: i32, %arg1: memref<2xi32, #tpu.memory_space<smem>>) -> (i32, i32) {
    %c0_i32 = arith.constant 0 : i32
    %c0_i32_0 = arith.constant 0 : i32
    return %arg0, %c0_i32 : i32, i32
  }
}

</mosaic_0001>

<sc_bundles>
// kernel: kernel.6.cloned.1.call-start
scs
__scs_entry_jumppad:
0x0: {  	(pc) =	sbr.rel $0x88, $3  }
0x1: {  	(tag) =	ssettag $0x0;
	lr =	simm.s32 $0x1  }
0x2: {  	[smem:$0x3F8E] =	sst lr;
	_ =	strace $0xD0000000  }
0x3: {  	_ = 	snop  }
0x4: {  	_ = 	snop  }
0x5: {  	_ = 	snop  }
0x6: {  	_ = 	snop  }
0x7: {  	_ = 	snop  }
__scs_overlays_trampoline_lowered:
0x8: {  	[smem:$0x3F9D] =	sst s0  }
0x9: {  	[smem:$0x3F9E] =	sst s1  }
0xa: {  	[smem:$0x3F9F] =	sst s2  }
0xb: {  	[smem:$0x3FA0] =	sst s3  }
0xc: {  	[smem:$0x3FA1] =	sst s4  }
0xd: {  	[smem:$0x3FA2] =	sst s5  }
0xe: {  	[smem:$0x3FA3] =	sst s6  }
0xf: {  	[smem:$0x3FA4] =	sst s7  }
0x10: {  	[smem:$0x3FA5] =	sst s8  }
0x11: {  	[smem:$0x3FA6] =	sst s9;
	s0 =	simm.s32 @!p0 $0x0  }
0x12: {  	s1 =	sld [smem:$0x3F8C];
	s0 =	simm.s32 @p0 $0x1  }
0x13: {  	[smem:$0x3FA7] =	sst s0;
	s0 =	simm.s32 @!p1 $0x0  }
0x14: {  	s2 =	sld [smem:$0x3F8B];
	s0 =	simm.s32 @p1 $0x1  }
0x15: {  	[smem:$0x3FA8] =	sst s0;
	s0 =	simm.s32 @!p2 $0x0  }
0x16: {  	s3 =	sld [smem:$0x3FDB];
	s0 =	simm.s32 @p2 $0x1  }
0x17: {  	s4 =	simm.s32 $0x1BF5;
	[smem:$0x3FAA] =	sst s0  }
0x18: {  	s0 =	sld [smem:$0x3F8D];
	_ =	swait.ge [sflag:s4], $0x0  }
0x19: {  	s7 =	sld [smem:$0x3F8E]  }
0x1a: {  	s8 =	sadd.s32 $0xFFFFE003, lr  }
0x1b: {  	s9 =	sadd.s32 $0xFFFFFEF7, lr;
	s5 =	simm.s32 $0xFFFFFFFF;
	p2 =	slt.u32 s8, $0xFFFFF086  }
0x1c: {  	p1 =	slt.u32 s9, $0xF7A;
	s5 =	simm.s32 @!p2 $0x0  }
0x1d: {  	s5 =	simm.s32 @p1 $0x1;
	p0 =	seq.s32 s7, s2  }
0x1e: {  	s7 =	smul.u32 @!p0 $0xF7A, s2;
	p2 =	seq.s32 @!p0 s5, $0x0  }
0x1f: {  	s9 =	smul.u32 $0xF7A, s1;
	s8 =	simm.s32 @!p0 $0x1BF5;
	p2 =	por !p2, p0  }
0x20: {  	[sflag:s8] =	ssyncset.s32 @!p0 $0xFFFFF086;
	s6 =	sadd.s32 @!p0 s3, s7;
	s7 =	simm.s32 @!p0 $0x108  }
0x21: {  	s3 =	sadd.s32 s3, s9;
	s6 =	sadd.s32 @!p0 $0x88, s6;
	s7 =	simm.s32 @p2 $0x1082  }
0x22: {  	[simem:s7], [sflag:s8] =	dma.local @!p0 [hbm:s6], $0xF7A  }
0x23: {  	s9 =	sor.u32 $0xD0000000, s2;
	s6 =	simm.s32 $0x108;
	_ =	swait.ge @!p0 [sflag:s8], $0x0  }
0x24: {  	s3 =	sadd.s32 $0x88, s3;
	s6 =	simm.s32 @!p1 $0x1082;
	[sflag:s4] =	ssyncset.s32 $0xFFFFF086  }
0x25: {  	[simem:s6], [sflag:s4] =	dma.local [hbm:s3], $0xF7A  }
0x26: {  	[smem:$0x3F8E] =	sst s1;
	(tag) =	ssettag s2;
	_ =	strace s9  }
0x27: {  	s1 =	sld [smem:$0x3F9E]  }
0x28: {  	s2 =	sld [smem:$0x3F9F]  }
0x29: {  	s4 =	sld [smem:$0x3FA1]  }
0x2a: {  	p0 =	seq.s32 s5, $0x0;
	s5 =	sld [smem:$0x3FA2]  }
0x2b: {  	s6 =	sld [smem:$0x3FA3]  }
0x2c: {  	s7 =	sld [smem:$0x3FA4]  }
0x2d: {  	s3 =	simm.s32 $0x108;
	s8 =	sld [smem:$0x3FA5]  }
0x2e: {  	s3 =	simm.s32 @!p0 $0x1082;
	s9 =	sld [smem:$0x3FA6]  }
0x2f: {  	lr =	sadd.s32 s0, s3;
	s0 =	sld [smem:$0x3F9D]  }
0x30: {  	s3 =	sld [smem:$0x3FA0]  }
0x31: {  	[smem:$0x3FA9] =	sst s10  }
0x32: {  	s10 =	sld [smem:$0x3FA7];
	_ =	sdelay $0x3  }
0x33: {  	p0 =	seq.s32 s10, $0x1;
	s10 =	sld [smem:$0x3FA9];
	_ =	sdelay $0x3  }
0x34: {  	[smem:$0x3FA9] =	sst s10  }
0x35: {  	s10 =	sld [smem:$0x3FA8];
	_ =	sdelay $0x3  }
0x36: {  	p1 =	seq.s32 s10, $0x1;
	s10 =	sld [smem:$0x3FA9];
	_ =	sdelay $0x3  }
0x37: {  	[smem:$0x3FA9] =	sst s10  }
0x38: {  	s10 =	sld [smem:$0x3FAA]  }
0x39: {  	_ = 	snop;
	(pc) =	sbr.ind lr, $3  }
0x3a: {  	_ = 	snop  }
0x3b: {  	_ = 	snop  }
0x3c: {  	p2 =	seq.s32 s10, $0x1;
	s10 =	sld [smem:$0x3FA9]  }
0x3d: {  	_ =	shalt  }
0x3e: {  	_ =	shalt  }
0x3f: {  	_ =	shalt  }
0x40: {  	_ =	shalt  }
0x41: {  	_ =	shalt  }
0x42: {  	_ =	shalt  }
0x43: {  	_ =	shalt  }
0x44: {  	_ =	shalt  }
0x45: {  	_ =	shalt  }
0x46: {  	_ =	shalt  }
0x47: {  	_ =	shalt  }
0x48: {  	_ =	shalt  }
0x49: {  	_ =	shalt  }
0x4a: {  	_ =	shalt  }
0x4b: {  	_ =	shalt  }
0x4c: {  	_ =	shalt  }
0x4d: {  	_ =	shalt  }
0x4e: {  	_ =	shalt  }
0x4f: {  	_ =	shalt  }
0x50: {  	_ =	shalt  }
0x51: {  	_ =	shalt  }
0x52: {  	_ =	shalt  }
0x53: {  	_ =	shalt  }
0x54: {  	_ =	shalt  }
0x55: {  	_ =	shalt  }
0x56: {  	_ =	shalt  }
0x57: {  	_ =	shalt  }
0x58: {  	_ =	shalt  }
0x59: {  	_ =	shalt  }
0x5a: {  	_ =	shalt  }
0x5b: {  	_ =	shalt  }
0x5c: {  	_ =	shalt  }
0x5d: {  	_ =	shalt  }
0x5e: {  	_ =	shalt  }
0x5f: {  	_ =	shalt  }
0x60: {  	_ =	shalt  }
0x61: {  	_ =	shalt  }
0x62: {  	_ =	shalt  }
0x63: {  	_ =	shalt  }
0x64: {  	_ =	shalt  }
0x65: {  	_ =	shalt  }
0x66: {  	_ =	shalt  }
0x67: {  	_ =	shalt  }
0x68: {  	_ =	shalt  }
0x69: {  	_ =	shalt  }
0x6a: {  	_ =	shalt  }
0x6b: {  	_ =	shalt  }
0x6c: {  	_ =	shalt  }
0x6d: {  	_ =	shalt  }
0x6e: {  	_ =	shalt  }
0x6f: {  	_ =	shalt  }
0x70: {  	_ =	shalt  }
0x71: {  	_ =	shalt  }
0x72: {  	_ =	shalt  }
0x73: {  	_ =	shalt  }
0x74: {  	_ =	shalt  }
0x75: {  	_ =	shalt  }
0x76: {  	_ =	shalt  }
0x77: {  	_ =	shalt  }
0x78: {  	_ =	shalt  }
0x79: {  	_ =	shalt  }
0x7a: {  	_ =	shalt  }
0x7b: {  	_ =	shalt  }
0x7c: {  	_ =	shalt  }
0x7d: {  	_ =	shalt  }
0x7e: {  	_ =	shalt  }
0x7f: {  	_ =	shalt  }
0x80: {  	_ =	shalt  }
0x81: {  	_ =	shalt  }
0x82: {  	_ =	shalt  }
0x83: {  	_ =	shalt  }
0x84: {  	_ =	shalt  }
0x85: {  	_ =	shalt  }
0x86: {  	_ =	shalt  }
0x87: {  	_ =	shalt  }
.Lfunc_end0:
.L_simem_size_0:
called_computation_lowered:
.L_overlay_start_0:
0x88: {  	s2 =	sld [smem:$0x3FD9]  }
0x89: {  	s3 =	sld [smem:$0x3FFE];
	_ =	sdelay $0x1  }
0x8a: {  	s1 =	srdreg.scid  }
0x8b: {  	s0 =	sand.u32 $0x1, s1  }
0x8c: {  	s17 =	sshll.u32 s0, $0xA;
	s2 =	sadd.s32 s3, s2  }
0x8d: {  	s2 =	sadd.s32 s2, s17  }
0x8e: {  	[smem:$0x3FB5] =	sst s2  }
0x8f: {  	_ = 	snop  }
0x90: {  	s2 =	sld [smem:$0x3FC9]  }
0x91: {  	s18 =	sld [smem:$0x3FD0];
	(tm) =	ssettm $0x1  }
0x92: {  	s4 =	sld [smem:$0x3FFB];
	_ =	sdelay $0x3  }
0x93: {  	_ =	strace s4  }
0x94: {  	s4 =	sld [smem:$0x3FFC];
	_ =	sdelay $0x3  }
0x95: {  	_ =	strace s4  }
0x96: {  	s4 =	sld [smem:$0x3FFD];
	_ =	sdelay $0x3  }
0x97: {  	_ =	strace s4  }
0x98: {  	_ =	strace $0x8FFFFFFF  }
0x99: {  	s19 =	sld [smem:$0x3FDB];
	_ =	sdelay $0x1  }
0x9a: {  	s5 =	simm.s32 $_scs_section_size  }
0x9b: {  	s6 =	simm.s32 $_size__tile_overlayer_lowered;
	s7 =	simm.s32 $_tile_overlayer_lowered  }
0x9c: {  	s22 =	simm.s32 $0x1BFF;
	s21 =	sshll.u32 s7, $0x1;
	s4 =	sadd.s32 s5, s19  }
0x9d: {  	s8 =	simm.s32 $0x0;
	s20 =	sshll.u32 s6, $0x1;
	s6 =	sadd.s32 s21, s4  }
0x9e: {  	[timem:s8], [sflag:s22] =	dma.local [hbm:s6], s20  }
0x9f: {  	_ =	swait.ge [sflag:s22], s20  }
0xa0: {  	s5 =	ssub.s32 $0x0, s20;
	[sflag:s22] =	ssyncset.done $0x0  }
0xa1: {  	[sflag:s22] =	ssyncadd.s32 s5;
	_ =	sdelay $0x1  }
0xa2: {  	s23 =	simm.s32 $0x1B8B  }
0xa3: {  	_ =	swait.ge [sflag:s23], $0x1  }
0xa4: {  	[sflag:s23] =	ssyncset.done $0x0  }
0xa5: {  	s25 =	simm.s32 $0x1B8E;
	s24 =	sld [smem:$0x3FFE];
	[sflag:s23] =	ssyncadd.s32 $0xFFFFFFFF  }
0xa6: {  	s26 =	simm.s32 $execute0_lowered;
	[smem:$0x3FD2] =	sst s25  }
0xa7: {  	s6 =	sshll.u32 s26, $0x1;
	_ =	strace $0x80000046;
	[dreg:$0x1] =	wrdreg $0xFFFFFFFF  }
0xa8: {  	s28 =	simm.s32 $_size_execute0_lowered;
	s4 =	sadd.s32 s4, s6;
	[dreg:$0x0] =	wrdreg $0x0  }
0xa9: {  	s6 =	sshll.u32 s28, $0x1;
	[dreg:$0x2] =	wrdreg s4  }
0xaa: {  	[dreg:$0x3] =	wrdreg s6  }
0xab: {  	[dreg:$0x4] =	wrdreg $0xC0  }
0xac: {  	_ =	task [dreg:s8], $0x5FFFF  }
0xad: {  	[dreg:$0x1] =	wrdreg $0xFFFFFFFF  }
0xae: {  	[dreg:$0x0] =	wrdreg $0x60  }
0xaf: {  	[dreg:$0x2] =	wrdreg s2  }
0xb0: {  	[dreg:$0x3] =	wrdreg s24  }
0xb1: {  	[dreg:$0x4] =	wrdreg s18  }
0xb2: {  	[dreg:$0x5] =	wrdreg $0x9  }
0xb3: {  	_ =	task.clear_ibuf [dreg:s8], $0x6FFFF;
	_ =	strace $0x90000046  }
0xb4: {  	s29 =	simm.s32 $0x9;
	_ =	strace $0x80000048  }
0xb5: {  	_ =	swait.ge [sflag:s29], $0x1  }
0xb6: {  	[sflag:s29] =	ssyncadd.s32 $0xFFFFFFFF  }
0xb7: {  	_ =	strace $0x90000048  }
0xb8: {  	_ =	sfence  }
0xb9: {  	s30 =	sld [smem:$0x0];
	_ =	sdelay $0x2  }
0xba: {  	s31 =	sshll.u32 s1, $0xD;
	s1 =	sshrl.u32 s1, $0x2  }
0xbb: {  	s3 =	sand.u32 $0x4000, s31;
	s1 =	sadd.s32 s1, s30  }
0xbc: {  	s0 =	sor.u32 s3, s0;
	s1 =	sshll.u32 s1, $0x11  }
0xbd: {  	s0 =	sor.u32 s1, s0  }
0xbe: {  	s0 =	sadd.s32 $0x8F2B, s0  }
0xbf: {  	[sflag:s0] =	ssyncadd.remote.s32 $0x1  }
0xc0: {  	_ =	sfence.sel $0xFFFF  }
0xc1: {  	[dreg:$0x0] =	wrdreg $0xFFFFFFFF;
	(pc) =	sbr.abs _section_cstart, $3  }
0xc2: {  	[dreg:$0x1] =	wrdreg $0xFFFFFFFF  }
0xc3: {  	_ =	task.clear_ibuf [dreg:s8], $0x2FFFF;
	_ =	strace $0x9FFFFFFF  }
0xc4: {  	(tm) =	ssettm $0x7FFFFFFF  }
0xc5: {  	_ =	shalt  }
tec
execute0_lowered:
.L_overlay_start_1:
0x0: {  	(tag) =	ssettag $0x1  }
0x1: {  	s0 =	rddreg [dreg:$0x0]  }
0x2: {  	s1 =	rddreg [dreg:$0x1]  }
0x3: {  	s2 =	rddreg [dreg:$0x2]  }
0x4: {  	s4 =	srdreg.scid;
	s3 =	simm.s32 $0x0;
	s5 =	stileid.u32  }
0x5: {  	s25 =	simm.s32 $0x80;
	s26 =	simm.s32 $0x100;
	s30 =	simm.s32 $0x180  }
0x6: {  	s13 =	simm.s32 $0x3;
	s28 =	simm.s32 $0x1;
	s29 =	simm.s32 $0x2  }
0x7: {  	s31 =	simm.s32 $0x600;
	[smem:$0x7FF] =	sst s3;
	s14 =	sadd.s32 $0x2600, s1  }
0x8: {  	s15 =	sadd.s32 $0x1C00, s1;
	_ =	strace $0x80000047;
	[dreg:$0x4] =	wrdreg s14  }
0x9: {  	s4 =	sand.u32 $0x1, s4;
	s5 =	sshll.u32 s5, $0x8;
	[dreg:$0x5] =	wrdreg s15  }
0xa: {  	s8 =	sadd.s32 $0x400, s2;
	s9 =	sadd.s32 $0x500, s2;
	[dreg:$0xf] =	wrdreg s25  }
0xb: {  	s11 =	sadd.s32 $0x700, s2;
	s6 =	sshll.u32 s4, $0x7;
	[dreg:$0x10] =	wrdreg s26  }
0xc: {  	s4 =	ssub.s32 $0x2, s4;
	[dreg:$0x11] =	wrdreg s30;
	s5 =	sor.u32 s6, s5  }
0xd: {  	s14 =	simm.s32 $0x1600;
	s7 =	sshrl.u32 s5, $0x3;
	s5 =	sshll.u32 s5, $0x8  }
0xe: {  	s15 =	simm.s32 $0x2600;
	s1 =	sadd.s32 s7, s1;
	s10 =	sadd.s32 s0, s5  }
0xf: {  	s25 =	simm.s32 $0x7600;
	s16 =	sadd.s32 $0x2000, s1;
	[dreg:$0x12] =	wrdreg s10  }
0x10: {  	s26 =	simm.s32 $0x7E00;
	s1 =	sadd.s32 $0x2200, s1;
	[dreg:$0x6] =	wrdreg s16  }
0x11: {  	s17 =	sshrl.u32 s4, $0x1;
	s18 =	sadd.s32 $0x1000, s10;
	[dreg:$0x7] =	wrdreg s1  }
0x12: {  	s6 =	sadd.s32 $0x200, s2;
	s19 =	sadd.s32 $0x2000, s10;
	[dreg:$0x8] =	wrdreg s18  }
0x13: {  	s0 =	ssub.s32 s4, s17;
	s20 =	sadd.s32 $0x3000, s10;
	[dreg:$0x9] =	wrdreg s19  }
0x14: {  	s5 =	sadd.s32 $0x100, s2;
	s21 =	sadd.s32 $0x4000, s10;
	[dreg:$0xa] =	wrdreg s20  }
0x15: {  	s7 =	sadd.s32 $0x300, s2;
	s22 =	sadd.s32 $0x5000, s10;
	[dreg:$0xb] =	wrdreg s21  }
0x16: {  	s4 =	simm.s32 $0x1E00;
	s23 =	sadd.s32 $0x6000, s10;
	[dreg:$0xc] =	wrdreg s22  }
0x17: {  	s17 =	simm.s32 $0x3600;
	s24 =	sadd.s32 $0x7000, s10;
	[dreg:$0xd] =	wrdreg s23  }
0x18: {  	s10 =	sadd.s32 $0x600, s2;
	s12 =	smax.u32 s0, $0x1;
	[dreg:$0xe] =	wrdreg s24  }
0x19: {  	v2 =	vlaneseq.u32;
	s16 =	simm.s32 $0x2E00;
	s18 =	simm.s32 $0x3E00;
	s19 =	simm.s32 $0x4600  }
0x1a: {  	vm0 =	vmmov $0xffff;
	v1 =	vshrl.u32 v2, $0x3;
	s20 =	simm.s32 $0x4E00;
	s21 =	simm.s32 $0x5600;
	s22 =	simm.s32 $0x5E00  }
0x1b: {  	v0 =	vand.u32 $0x7, v2;
	v2 =	vor.u32 $0x8, v2;
	v1 =	vmul.u32 $0x8, v1;
	s23 =	simm.s32 $0x6600;
	s24 =	simm.s32 $0x6E00;
	s1 =	simm.s32 $0x8600  }
.LBB2_1:
0x1c: {  	s30 =	rddreg [dreg:$0x6]  }
0x1d: {  	[tilespmem:s3], [sflag:$0x3] =	stream.linear.gather [hbm4b:s30+s3], $0x80, $0x38;
	[tilespmem:$0x10600] =	vst v63  }
0x1e: {  	_ =	swait.ge [sflag:s13], $0x80  }
0x1f: {  	s30 =	rddreg [dreg:$0x7];
	[sflag:s13] =	ssyncset.done $0x0  }
0x20: {  	s0 =	rddreg [dreg:$0xf];
	[sflag:s13] =	ssyncadd.s32 $0xFFFFFF80  }
0x21: {  	[tilespmem:s0], [sflag:$0x3] =	stream.linear.gather [hbm4b:s30+s3], $0x80, $0x38;
	[tilespmem:$0x10600] =	vst v63  }
0x22: {  	_ =	swait.ge [sflag:s13], $0x80  }
0x23: {  	s0 =	rddreg [dreg:$0x4];
	[sflag:s13] =	ssyncset.done $0x0  }
0x24: {  	s30 =	rddreg [dreg:$0x10];
	[sflag:s13] =	ssyncadd.s32 $0xFFFFFF80  }
0x25: {  	[tilespmem:s30], [sflag:$0x3] =	stream.linear.gather [hbm4b:s0+s3], $0x80, $0x38;
	[tilespmem:$0x10600] =	vst v63  }
0x26: {  	_ =	swait.ge [sflag:s13], $0x80  }
0x27: {  	s0 =	rddreg [dreg:$0x5];
	[sflag:s13] =	ssyncset.done $0x0  }
0x28: {  	s30 =	rddreg [dreg:$0x11];
	[sflag:s13] =	ssyncadd.s32 $0xFFFFFF80  }
0x29: {  	[tilespmem:s30], [sflag:$0x3] =	stream.linear.gather [hbm4b:s0+s3], $0x80, $0x38;
	[tilespmem:$0x10600] =	vst v63  }
0x2a: {  	_ =	swait.ge [sflag:s13], $0x80  }
0x2b: {  	[sflag:s13] =	ssyncset.done $0x0  }
0x2c: {  	[sflag:s13] =	ssyncadd.s32 $0xFFFFFF80  }
0x2d: {  	v4 =	vld [tilespmem:$0x0]  }
0x2e: {  	v6 =	vld [tilespmem:$0x10]  }
0x2f: {  	v10 =	vld [tilespmem:$0x20]  }
0x30: {  	v12 =	vld [tilespmem:$0x30]  }
0x31: {  	v14 =	vld [tilespmem:$0x40]  }
0x32: {  	v15 =	vld [tilespmem:$0x50]  }
0x33: {  	v17 =	vld [tilespmem:$0x60]  }
0x34: {  	v38 =	vld [tilespmem:$0x70];
	v9 =	vand.u32 $0x1, v4  }
0x35: {  	v5 =	vld [tilespmem:$0x180];
	v11 =	vand.u32 $0x1, v6;
	v4 =	vshra.s32 v4, $0x1;
	v6 =	vshra.s32 v6, $0x1  }
0x36: {  	v3 =	vld [tilespmem:$0x100];
	v23 =	vand.u32 $0x1, v10;
	v27 =	vshra.s32 v10, $0x1;
	v28 =	vand.u32 $0x1, v12  }
0x37: {  	v7 =	vld [tilespmem:$0x80];
	v29 =	vshra.s32 v12, $0x1;
	v16 =	vand.u32 $0x1, v14;
	v36 =	vshra.s32 v14, $0x1  }
0x38: {  	v8 =	vld [tilespmem:$0x90];
	v37 =	vand.u32 $0x1, v15;
	v39 =	vshra.s32 v15, $0x1;
	v41 =	vand.u32 $0x1, v17  }
0x39: {  	v47 =	vand.u32 $0x1, v38;
	v49 =	vshra.s32 v17, $0x1;
	v51 =	vshra.s32 v38, $0x1  }
0x3a: {  	vm1 =	veq.s32 v9, $0x1;
	v4 =	vmul.u32 v5, v4;
	v6 =	vmul.u32 v5, v6  }
0x3b: {  	v22 =	vld [tilespmem:$0xA0];
	v10 =	vmul.u32 v5, v29;
	v9 =	vnsel vm1, $0x0, v3;
	vm1 =	veq.s32 v11, $0x1  }
0x3c: {  	v24 =	vld [tilespmem:$0xB0];
	v52 =	vmul.u32 v5, v51;
	v13 =	vnsel vm1, $0x0, v3;
	v7 =	vadd.s32 v9, v7  }
0x3d: {  	vm1 =	veq.s32 v23, $0x1;
	v9 =	vmul.u32 v5, v27;
	v8 =	vadd.s32 v13, v8  }
0x3e: {  	v25 =	vld [tilespmem:$0xC0];
	v4 =	vadd.s32 v4, v7;
	v26 =	vnsel vm1, $0x0, v3;
	vm1 =	veq.s32 v28, $0x1  }
0x3f: {  	v13 =	vmul.u32 v5, v39;
	v6 =	vadd.s32 v6, v8;
	v30 =	vnsel vm1, $0x0, v3  }
0x40: {  	v32 =	vld [tilespmem:$0xD0];
	v8 =	vadd.s32 v26, v22;
	vm1 =	veq.s32 v16, $0x1;
	v4 =	vadd.s32 $0xFFFFFFFF, v4  }
0x41: {  	v31 =	vadd.s32 v30, v24;
	v8 =	vadd.s32 v9, v8;
	v34 =	vnsel vm1, $0x0, v3  }
0x42: {  	v35 =	vld [tilespmem:$0xE0];
	vm1 =	veq.s32 v37, $0x1;
	v45 =	vadd.s32 $0xFFFFFFFF, v6;
	v33 =	vadd.s32 v10, v31  }
0x43: {  	v44 =	vld [tilespmem:$0xF0];
	v7 =	vadd.s32 v34, v25;
	v10 =	vmul.u32 v5, v36;
	v40 =	vnsel vm1, $0x0, v3  }
0x44: {  	[tilespmem:$0x200] =	vst v4;
	vm1 =	veq.s32 v41, $0x1;
	v48 =	vadd.s32 $0xFFFFFFFF, v8;
	v8 =	vmul.u32 v5, v49  }
0x45: {  	[tilespmem:$0x280] =	vst v45;
	v42 =	vadd.s32 v40, v32;
	v43 =	vnsel vm1, $0x0, v3;
	vm1 =	veq.s32 v47, $0x1  }
0x46: {  	[tilespmem:$0x300] =	vst v48;
	v50 =	vadd.s32 $0xFFFFFFFF, v33;
	v7 =	vadd.s32 v10, v7;
	v10 =	vadd.s32 v13, v42  }
0x47: {  	v46 =	vadd.s32 v43, v35;
	[tilespmem:$0x380] =	vst v50;
	v3 =	vnsel vm1, $0x0, v3;
	v53 =	vadd.s32 $0xFFFFFFFF, v7  }
0x48: {  	v54 =	vadd.s32 v8, v46;
	v55 =	vadd.s32 $0xFFFFFFFF, v10;
	v3 =	vadd.s32 v3, v44;
	[tilespmem:$0x400] =	vst v53  }
0x49: {  	[tilespmem:$0x480] =	vst v55;
	v5 =	vadd.s32 $0xFFFFFFFF, v54;
	v3 =	vadd.s32 v52, v3  }
0x4a: {  	[tilespmem:$0x500] =	vst v5;
	v3 =	vadd.s32 $0xFFFFFFFF, v3  }
0x4b: {  	s30 =	rddreg [dreg:$0x12];
	[tilespmem:$0x580] =	vst v3  }
0x4c: {  	[tilespmem:s31], [sflag:$0x3] =	stream.linear.gather [hbm4b:s30+s3], $0x8000, $0x38;
	[tilespmem:$0x10600] =	vst v63  }
0x4d: {  	_ =	swait.ge [sflag:s13], $0x8000  }
0x4e: {  	[sflag:s13] =	ssyncset.done $0x0  }
0x4f: {  	[sflag:s13] =	ssyncadd.s32 $0xFFFF8000  }
0x50: {  	v3 =	vld [tilespmem:$0x200];
	_ =	sdelay $0x4  }
0x51: {  	v56 =	vshll.u32 v3, $0x4  }
0x52: {  	v3 =	vand.u32 $0x7, v3;
	v4 =	vand.u32 $0xFFFFFF80, v56  }
0x53: {  	v3 =	vor.u32 v3, v4  }
0x54: {  	v4 =	vperm.xlane v3, v0;
	_ =	sdelay $0x1  }
0x55: {  	v4 =	vadd.s32 v1, v4;
	_ =	sdelay $0x4  }
0x56: {  	[hbm4b:s2+s3] =	stream.indirect_vreg.scatter [tilespmem:s31], [sflag:$0x1], $0x80, v4, vm0, $0xb8;
	[tilespmem:$0x10600] =	vst v63  }
0x57: {  	s30 =	simm.s32 $0xE00  }
0x58: {  	[hbm4b:s5+s3] =	stream.indirect_vreg.scatter [tilespmem:s30], [sflag:$0x1], $0x80, v4, vm0, $0xb8;
	[tilespmem:$0x10600] =	vst v63  }
0x59: {  	_ = 	snop  }
0x5a: {  	[hbm4b:s6+s3] =	stream.indirect_vreg.scatter [tilespmem:s14], [sflag:$0x1], $0x80, v4, vm0, $0xb8;
	[tilespmem:$0x10600] =	vst v63  }
0x5b: {  	_ = 	snop  }
0x5c: {  	[hbm4b:s7+s3] =	stream.indirect_vreg.scatter [tilespmem:s4], [sflag:$0x1], $0x80, v4, vm0, $0xb8;
	[tilespmem:$0x10600] =	vst v63  }
0x5d: {  	_ = 	snop  }
0x5e: {  	[hbm4b:s8+s3] =	stream.indirect_vreg.scatter [tilespmem:s15], [sflag:$0x1], $0x80, v4, vm0, $0xb8;
	[tilespmem:$0x10600] =	vst v63  }
0x5f: {  	v3 =	vperm.xlane v3, v2  }
0x60: {  	[hbm4b:s9+s3] =	stream.indirect_vreg.scatter [tilespmem:s16], [sflag:$0x1], $0x80, v4, vm0, $0xb8;
	[tilespmem:$0x10600] =	vst v63  }
0x61: {  	v3 =	vadd.s32 v1, v3  }
0x62: {  	[hbm4b:s10+s3] =	stream.indirect_vreg.scatter [tilespmem:s17], [sflag:$0x1], $0x80, v4, vm0, $0xb8;
	[tilespmem:$0x10600] =	vst v63  }
0x63: {  	_ = 	snop  }
0x64: {  	[hbm4b:s11+s3] =	stream.indirect_vreg.scatter [tilespmem:s18], [sflag:$0x1], $0x80, v4, vm0, $0xb8;
	[tilespmem:$0x10600] =	vst v63  }
0x65: {  	_ = 	snop  }
0x66: {  	[hbm4b:s2+s3] =	stream.indirect_vreg.scatter [tilespmem:s19], [sflag:$0x1], $0x80, v3, vm0, $0xb8;
	[tilespmem:$0x10600] =	vst v63  }
0x67: {  	_ = 	snop  }
0x68: {  	[hbm4b:s5+s3] =	stream.indirect_vreg.scatter [tilespmem:s20], [sflag:$0x1], $0x80, v3, vm0, $0xb8;
	[tilespmem:$0x10600] =	vst v63  }
0x69: {  	_ = 	snop  }
0x6a: {  	[hbm4b:s6+s3] =	stream.indirect_vreg.scatter [tilespmem:s21], [sflag:$0x1], $0x80, v3, vm0, $0xb8;
	[tilespmem:$0x10600] =	vst v63  }
0x6b: {  	_ = 	snop  }
0x6c: {  	[hbm4b:s7+s3] =	stream.indirect_vreg.scatter [tilespmem:s22], [sflag:$0x1], $0x80, v3, vm0, $0xb8;
	[tilespmem:$0x10600] =	vst v63  }
0x6d: {  	_ = 	snop  }
0x6e: {  	[hbm4b:s8+s3] =	stream.indirect_vreg.scatter [tilespmem:s23], [sflag:$0x1], $0x80, v3, vm0, $0xb8;
	[tilespmem:$0x10600] =	vst v63  }
0x6f: {  	_ = 	snop  }
0x70: {  	[hbm4b:s9+s3] =	stream.indirect_vreg.scatter [tilespmem:s24], [sflag:$0x1], $0x80, v3, vm0, $0xb8;
	[tilespmem:$0x10600] =	vst v63  }
0x71: {  	_ = 	snop  }
0x72: {  	[hbm4b:s10+s3] =	stream.indirect_vreg.scatter [tilespmem:s25], [sflag:$0x1], $0x80, v3, vm0, $0xb8;
	[tilespmem:$0x10600] =	vst v63  }
0x73: {  	_ = 	snop  }
0x74: {  	[hbm4b:s11+s3] =	stream.indirect_vreg.scatter [tilespmem:s26], [sflag:$0x1], $0x80, v3, vm0, $0xb8;
	[tilespmem:$0x10600] =	vst v63  }
0x75: {  	s0 =	rddreg [dreg:$0x8]  }
0x76: {  	[tilespmem:s1], [sflag:$0x3] =	stream.linear.gather [hbm4b:s0+s3], $0x8000, $0x38;
	[tilespmem:$0x10600] =	vst v63  }
0x77: {  	_ =	swait.ge [sflag:s13], $0x8000  }
0x78: {  	[sflag:s13] =	ssyncset.done $0x0  }
0x79: {  	[sflag:s13] =	ssyncadd.s32 $0xFFFF8000  }
0x7a: {  	v3 =	vld [tilespmem:$0x280];
	_ =	sdelay $0x4  }
0x7b: {  	v57 =	vshll.u32 v3, $0x4  }
0x7c: {  	v3 =	vand.u32 $0x7, v3;
	v4 =	vand.u32 $0xFFFFFF80, v57  }
0x7d: {  	v3 =	vor.u32 v3, v4  }
0x7e: {  	v4 =	vperm.xlane v3, v0;
	_ =	sdelay $0x1  }
0x7f: {  	v4 =	vadd.s32 v1, v4;
	_ =	sdelay $0x4  }
0x80: {  	[hbm4b:s2+s3] =	stream.indirect_vreg.scatter [tilespmem:s1], [sflag:$0x2], $0x80, v4, vm0, $0xb8;
	[tilespmem:$0x10600] =	vst v63  }
0x81: {  	s0 =	simm.s32 $0x8E00  }
0x82: {  	[hbm4b:s5+s3] =	stream.indirect_vreg.scatter [tilespmem:s0], [sflag:$0x2], $0x80, v4, vm0, $0xb8;
	[tilespmem:$0x10600] =	vst v63  }
0x83: {  	s0 =	simm.s32 $0x9600  }
0x84: {  	[hbm4b:s6+s3] =	stream.indirect_vreg.scatter [tilespmem:s0], [sflag:$0x2], $0x80, v4, vm0, $0xb8;
	[tilespmem:$0x10600] =	vst v63  }
0x85: {  	s0 =	simm.s32 $0x9E00  }
0x86: {  	[hbm4b:s7+s3] =	stream.indirect_vreg.scatter [tilespmem:s0], [sflag:$0x2], $0x80, v4, vm0, $0xb8;
	[tilespmem:$0x10600] =	vst v63  }
0x87: {  	s0 =	simm.s32 $0xA600  }
0x88: {  	[hbm4b:s8+s3] =	stream.indirect_vreg.scatter [tilespmem:s0], [sflag:$0x2], $0x80, v4, vm0, $0xb8;
	[tilespmem:$0x10600] =	vst v63  }
0x89: {  	v3 =	vperm.xlane v3, v2;
	s0 =	simm.s32 $0xAE00  }
0x8a: {  	[hbm4b:s9+s3] =	stream.indirect_vreg.scatter [tilespmem:s0], [sflag:$0x2], $0x80, v4, vm0, $0xb8;
	[tilespmem:$0x10600] =	vst v63  }
0x8b: {  	v3 =	vadd.s32 v1, v3;
	s0 =	simm.s32 $0xB600  }
0x8c: {  	[hbm4b:s10+s3] =	stream.indirect_vreg.scatter [tilespmem:s0], [sflag:$0x2], $0x80, v4, vm0, $0xb8;
	[tilespmem:$0x10600] =	vst v63  }
0x8d: {  	s0 =	simm.s32 $0xBE00  }
0x8e: {  	[hbm4b:s11+s3] =	stream.indirect_vreg.scatter [tilespmem:s0], [sflag:$0x2], $0x80, v4, vm0, $0xb8;
	[tilespmem:$0x10600] =	vst v63  }
0x8f: {  	s0 =	simm.s32 $0xC600  }
0x90: {  	[hbm4b:s2+s3] =	stream.indirect_vreg.scatter [tilespmem:s0], [sflag:$0x2], $0x80, v3, vm0, $0xb8;
	[tilespmem:$0x10600] =	vst v63  }
0x91: {  	s0 =	simm.s32 $0xCE00  }
0x92: {  	[hbm4b:s5+s3] =	stream.indirect_vreg.scatter [tilespmem:s0], [sflag:$0x2], $0x80, v3, vm0, $0xb8;
	[tilespmem:$0x10600] =	vst v63  }
0x93: {  	s0 =	simm.s32 $0xD600  }
0x94: {  	[hbm4b:s6+s3] =	stream.indirect_vreg.scatter [tilespmem:s0], [sflag:$0x2], $0x80, v3, vm0, $0xb8;
	[tilespmem:$0x10600] =	vst v63  }
0x95: {  	s0 =	simm.s32 $0xDE00  }
0x96: {  	[hbm4b:s7+s3] =	stream.indirect_vreg.scatter [tilespmem:s0], [sflag:$0x2], $0x80, v3, vm0, $0xb8;
	[tilespmem:$0x10600] =	vst v63  }
0x97: {  	s0 =	simm.s32 $0xE600  }
0x98: {  	[hbm4b:s8+s3] =	stream.indirect_vreg.scatter [tilespmem:s0], [sflag:$0x2], $0x80, v3, vm0, $0xb8;
	[tilespmem:$0x10600] =	vst v63  }
0x99: {  	s0 =	simm.s32 $0xEE00  }
0x9a: {  	[hbm4b:s9+s3] =	stream.indirect_vreg.scatter [tilespmem:s0], [sflag:$0x2], $0x80, v3, vm0, $0xb8;
	[tilespmem:$0x10600] =	vst v63  }
0x9b: {  	s0 =	simm.s32 $0xF600  }
0x9c: {  	[hbm4b:s10+s3] =	stream.indirect_vreg.scatter [tilespmem:s0], [sflag:$0x2], $0x80, v3, vm0, $0xb8;
	[tilespmem:$0x10600] =	vst v63  }
0x9d: {  	s0 =	simm.s32 $0xFE00  }
0x9e: {  	[hbm4b:s11+s3] =	stream.indirect_vreg.scatter [tilespmem:s0], [sflag:$0x2], $0x80, v3, vm0, $0xb8;
	[tilespmem:$0x10600] =	vst v63  }
0x9f: {  	_ =	swait.ge [sflag:s28], $0x8000  }
0xa0: {  	[sflag:s28] =	ssyncset.done $0x0  }
0xa1: {  	s0 =	rddreg [dreg:$0x9];
	[sflag:s28] =	ssyncadd.s32 $0xFFFF8000  }
0xa2: {  	[tilespmem:s31], [sflag:$0x3] =	stream.linear.gather [hbm4b:s0+s3], $0x8000, $0x38;
	[tilespmem:$0x10600] =	vst v63  }
0xa3: {  	_ =	swait.ge [sflag:s13], $0x8000  }
0xa4: {  	[sflag:s13] =	ssyncset.done $0x0  }
0xa5: {  	[sflag:s13] =	ssyncadd.s32 $0xFFFF8000  }
0xa6: {  	v3 =	vld [tilespmem:$0x300];
	_ =	sdelay $0x4  }
0xa7: {  	v58 =	vshll.u32 v3, $0x4  }
0xa8: {  	v3 =	vand.u32 $0x7, v3;
	v4 =	vand.u32 $0xFFFFFF80, v58  }
0xa9: {  	v3 =	vor.u32 v3, v4  }
0xaa: {  	v4 =	vperm.xlane v3, v0;
	_ =	sdelay $0x1  }
0xab: {  	v4 =	vadd.s32 v1, v4;
	_ =	sdelay $0x4  }
0xac: {  	[hbm4b:s2+s3] =	stream.indirect_vreg.scatter [tilespmem:s31], [sflag:$0x1], $0x80, v4, vm0, $0xb8;
	[tilespmem:$0x10600] =	vst v63  }
0xad: {  	_ = 	snop  }
0xae: {  	[hbm4b:s5+s3] =	stream.indirect_vreg.scatter [tilespmem:s30], [sflag:$0x1], $0x80, v4, vm0, $0xb8;
	[tilespmem:$0x10600] =	vst v63  }
0xaf: {  	_ = 	snop  }
0xb0: {  	[hbm4b:s6+s3] =	stream.indirect_vreg.scatter [tilespmem:s14], [sflag:$0x1], $0x80, v4, vm0, $0xb8;
	[tilespmem:$0x10600] =	vst v63  }
0xb1: {  	_ = 	snop  }
0xb2: {  	[hbm4b:s7+s3] =	stream.indirect_vreg.scatter [tilespmem:s4], [sflag:$0x1], $0x80, v4, vm0, $0xb8;
	[tilespmem:$0x10600] =	vst v63  }
0xb3: {  	_ = 	snop  }
0xb4: {  	[hbm4b:s8+s3] =	stream.indirect_vreg.scatter [tilespmem:s15], [sflag:$0x1], $0x80, v4, vm0, $0xb8;
	[tilespmem:$0x10600] =	vst v63  }
0xb5: {  	v3 =	vperm.xlane v3, v2  }
0xb6: {  	[hbm4b:s9+s3] =	stream.indirect_vreg.scatter [tilespmem:s16], [sflag:$0x1], $0x80, v4, vm0, $0xb8;
	[tilespmem:$0x10600] =	vst v63  }
0xb7: {  	v3 =	vadd.s32 v1, v3  }
0xb8: {  	[hbm4b:s10+s3] =	stream.indirect_vreg.scatter [tilespmem:s17], [sflag:$0x1], $0x80, v4, vm0, $0xb8;
	[tilespmem:$0x10600] =	vst v63  }
0xb9: {  	_ = 	snop  }
0xba: {  	[hbm4b:s11+s3] =	stream.indirect_vreg.scatter [tilespmem:s18], [sflag:$0x1], $0x80, v4, vm0, $0xb8;
	[tilespmem:$0x10600] =	vst v63  }
0xbb: {  	_ = 	snop  }
0xbc: {  	[hbm4b:s2+s3] =	stream.indirect_vreg.scatter [tilespmem:s19], [sflag:$0x1], $0x80, v3, vm0, $0xb8;
	[tilespmem:$0x10600] =	vst v63  }
0xbd: {  	_ = 	snop  }
0xbe: {  	[hbm4b:s5+s3] =	stream.indirect_vreg.scatter [tilespmem:s20], [sflag:$0x1], $0x80, v3, vm0, $0xb8;
	[tilespmem:$0x10600] =	vst v63  }
0xbf: {  	_ = 	snop  }
0xc0: {  	[hbm4b:s6+s3] =	stream.indirect_vreg.scatter [tilespmem:s21], [sflag:$0x1], $0x80, v3, vm0, $0xb8;
	[tilespmem:$0x10600] =	vst v63  }
0xc1: {  	_ = 	snop  }
0xc2: {  	[hbm4b:s7+s3] =	stream.indirect_vreg.scatter [tilespmem:s22], [sflag:$0x1], $0x80, v3, vm0, $0xb8;
	[tilespmem:$0x10600] =	vst v63  }
0xc3: {  	_ = 	snop  }
0xc4: {  	[hbm4b:s8+s3] =	stream.indirect_vreg.scatter [tilespmem:s23], [sflag:$0x1], $0x80, v3, vm0, $0xb8;
	[tilespmem:$0x10600] =	vst v63  }
0xc5: {  	_ = 	snop  }
0xc6: {  	[hbm4b:s9+s3] =	stream.indirect_vreg.scatter [tilespmem:s24], [sflag:$0x1], $0x80, v3, vm0, $0xb8;
	[tilespmem:$0x10600] =	vst v63  }
0xc7: {  	_ = 	snop  }
0xc8: {  	[hbm4b:s10+s3] =	stream.indirect_vreg.scatter [tilespmem:s25], [sflag:$0x1], $0x80, v3, vm0, $0xb8;
	[tilespmem:$0x10600] =	vst v63  }
0xc9: {  	_ = 	snop  }
0xca: {  	[hbm4b:s11+s3] =	stream.indirect_vreg.scatter [tilespmem:s26], [sflag:$0x1], $0x80, v3, vm0, $0xb8;
	[tilespmem:$0x10600] =	vst v63  }
0xcb: {  	_ =	swait.ge [sflag:s29], $0x8000  }
0xcc: {  	[sflag:s29] =	ssyncset.done $0x0  }
0xcd: {  	s0 =	rddreg [dreg:$0xa];
	[sflag:s29] =	ssyncadd.s32 $0xFFFF8000  }
0xce: {  	[tilespmem:s1], [sflag:$0x3] =	stream.linear.gather [hbm4b:s0+s3], $0x8000, $0x38;
	[tilespmem:$0x10600] =	vst v63  }
0xcf: {  	_ =	swait.ge [sflag:s13], $0x8000  }
0xd0: {  	[sflag:s13] =	ssyncset.done $0x0  }
0xd1: {  	[sflag:s13] =	ssyncadd.s32 $0xFFFF8000  }
0xd2: {  	v3 =	vld [tilespmem:$0x380];
	_ =	sdelay $0x4  }
0xd3: {  	v59 =	vshll.u32 v3, $0x4  }
0xd4: {  	v3 =	vand.u32 $0x7, v3;
	v4 =	vand.u32 $0xFFFFFF80, v59  }
0xd5: {  	v3 =	vor.u32 v3, v4  }
0xd6: {  	v4 =	vperm.xlane v3, v0;
	_ =	sdelay $0x1  }
0xd7: {  	v4 =	vadd.s32 v1, v4;
	_ =	sdelay $0x4  }
0xd8: {  	[hbm4b:s2+s3] =	stream.indirect_vreg.scatter [tilespmem:s1], [sflag:$0x2], $0x80, v4, vm0, $0xb8;
	[tilespmem:$0x10600] =	vst v63  }
0xd9: {  	s0 =	simm.s32 $0x8E00  }
0xda: {  	[hbm4b:s5+s3] =	stream.indirect_vreg.scatter [tilespmem:s0], [sflag:$0x2], $0x80, v4, vm0, $0xb8;
	[tilespmem:$0x10600] =	vst v63  }
0xdb: {  	s0 =	simm.s32 $0x9600  }
0xdc: {  	[hbm4b:s6+s3] =	stream.indirect_vreg.scatter [tilespmem:s0], [sflag:$0x2], $0x80, v4, vm0, $0xb8;
	[tilespmem:$0x10600] =	vst v63  }
0xdd: {  	s0 =	simm.s32 $0x9E00  }
0xde: {  	[hbm4b:s7+s3] =	stream.indirect_vreg.scatter [tilespmem:s0], [sflag:$0x2], $0x80, v4, vm0, $0xb8;
	[tilespmem:$0x10600] =	vst v63  }
0xdf: {  	s0 =	simm.s32 $0xA600  }
0xe0: {  	[hbm4b:s8+s3] =	stream.indirect_vreg.scatter [tilespmem:s0], [sflag:$0x2], $0x80, v4, vm0, $0xb8;
	[tilespmem:$0x10600] =	vst v63  }
0xe1: {  	v3 =	vperm.xlane v3, v2;
	s0 =	simm.s32 $0xAE00  }
0xe2: {  	[hbm4b:s9+s3] =	stream.indirect_vreg.scatter [tilespmem:s0], [sflag:$0x2], $0x80, v4, vm0, $0xb8;
	[tilespmem:$0x10600] =	vst v63  }
0xe3: {  	v3 =	vadd.s32 v1, v3;
	s0 =	simm.s32 $0xB600  }
0xe4: {  	[hbm4b:s10+s3] =	stream.indirect_vreg.scatter [tilespmem:s0], [sflag:$0x2], $0x80, v4, vm0, $0xb8;
	[tilespmem:$0x10600] =	vst v63  }
0xe5: {  	s0 =	simm.s32 $0xBE00  }
0xe6: {  	[hbm4b:s11+s3] =	stream.indirect_vreg.scatter [tilespmem:s0], [sflag:$0x2], $0x80, v4, vm0, $0xb8;
	[tilespmem:$0x10600] =	vst v63  }
0xe7: {  	s0 =	simm.s32 $0xC600  }
0xe8: {  	[hbm4b:s2+s3] =	stream.indirect_vreg.scatter [tilespmem:s0], [sflag:$0x2], $0x80, v3, vm0, $0xb8;
	[tilespmem:$0x10600] =	vst v63  }
0xe9: {  	s0 =	simm.s32 $0xCE00  }
0xea: {  	[hbm4b:s5+s3] =	stream.indirect_vreg.scatter [tilespmem:s0], [sflag:$0x2], $0x80, v3, vm0, $0xb8;
	[tilespmem:$0x10600] =	vst v63  }
0xeb: {  	s0 =	simm.s32 $0xD600  }
0xec: {  	[hbm4b:s6+s3] =	stream.indirect_vreg.scatter [tilespmem:s0], [sflag:$0x2], $0x80, v3, vm0, $0xb8;
	[tilespmem:$0x10600] =	vst v63  }
0xed: {  	s0 =	simm.s32 $0xDE00  }
0xee: {  	[hbm4b:s7+s3] =	stream.indirect_vreg.scatter [tilespmem:s0], [sflag:$0x2], $0x80, v3, vm0, $0xb8;
	[tilespmem:$0x10600] =	vst v63  }
0xef: {  	s0 =	simm.s32 $0xE600  }
0xf0: {  	[hbm4b:s8+s3] =	stream.indirect_vreg.scatter [tilespmem:s0], [sflag:$0x2], $0x80, v3, vm0, $0xb8;
	[tilespmem:$0x10600] =	vst v63  }
0xf1: {  	s0 =	simm.s32 $0xEE00  }
0xf2: {  	[hbm4b:s9+s3] =	stream.indirect_vreg.scatter [tilespmem:s0], [sflag:$0x2], $0x80, v3, vm0, $0xb8;
	[tilespmem:$0x10600] =	vst v63  }
0xf3: {  	s0 =	simm.s32 $0xF600  }
0xf4: {  	[hbm4b:s10+s3] =	stream.indirect_vreg.scatter [tilespmem:s0], [sflag:$0x2], $0x80, v3, vm0, $0xb8;
	[tilespmem:$0x10600] =	vst v63  }
0xf5: {  	s0 =	simm.s32 $0xFE00  }
0xf6: {  	[hbm4b:s11+s3] =	stream.indirect_vreg.scatter [tilespmem:s0], [sflag:$0x2], $0x80, v3, vm0, $0xb8;
	[tilespmem:$0x10600] =	vst v63  }
0xf7: {  	_ =	swait.ge [sflag:s28], $0x8000  }
0xf8: {  	[sflag:s28] =	ssyncset.done $0x0  }
0xf9: {  	s0 =	rddreg [dreg:$0xb];
	[sflag:s28] =	ssyncadd.s32 $0xFFFF8000  }
0xfa: {  	[tilespmem:s31], [sflag:$0x3] =	stream.linear.gather [hbm4b:s0+s3], $0x8000, $0x38;
	[tilespmem:$0x10600] =	vst v63  }
0xfb: {  	_ =	swait.ge [sflag:s13], $0x8000  }
0xfc: {  	[sflag:s13] =	ssyncset.done $0x0  }
0xfd: {  	[sflag:s13] =	ssyncadd.s32 $0xFFFF8000  }
0xfe: {  	v3 =	vld [tilespmem:$0x400];
	_ =	sdelay $0x4  }
0xff: {  	v60 =	vshll.u32 v3, $0x4  }
0x100: {  	v3 =	vand.u32 $0x7, v3;
	v4 =	vand.u32 $0xFFFFFF80, v60  }
0x101: {  	v3 =	vor.u32 v3, v4  }
0x102: {  	v4 =	vperm.xlane v3, v0;
	_ =	sdelay $0x1  }
0x103: {  	v4 =	vadd.s32 v1, v4;
	_ =	sdelay $0x4  }
0x104: {  	[hbm4b:s2+s3] =	stream.indirect_vreg.scatter [tilespmem:s31], [sflag:$0x1], $0x80, v4, vm0, $0xb8;
	[tilespmem:$0x10600] =	vst v63  }
0x105: {  	_ = 	snop  }
0x106: {  	[hbm4b:s5+s3] =	stream.indirect_vreg.scatter [tilespmem:s30], [sflag:$0x1], $0x80, v4, vm0, $0xb8;
	[tilespmem:$0x10600] =	vst v63  }
0x107: {  	_ = 	snop  }
0x108: {  	[hbm4b:s6+s3] =	stream.indirect_vreg.scatter [tilespmem:s14], [sflag:$0x1], $0x80, v4, vm0, $0xb8;
	[tilespmem:$0x10600] =	vst v63  }
0x109: {  	_ = 	snop  }
0x10a: {  	[hbm4b:s7+s3] =	stream.indirect_vreg.scatter [tilespmem:s4], [sflag:$0x1], $0x80, v4, vm0, $0xb8;
	[tilespmem:$0x10600] =	vst v63  }
0x10b: {  	_ = 	snop  }
0x10c: {  	[hbm4b:s8+s3] =	stream.indirect_vreg.scatter [tilespmem:s15], [sflag:$0x1], $0x80, v4, vm0, $0xb8;
	[tilespmem:$0x10600] =	vst v63  }
0x10d: {  	v3 =	vperm.xlane v3, v2  }
0x10e: {  	[hbm4b:s9+s3] =	stream.indirect_vreg.scatter [tilespmem:s16], [sflag:$0x1], $0x80, v4, vm0, $0xb8;
	[tilespmem:$0x10600] =	vst v63  }
0x10f: {  	v3 =	vadd.s32 v1, v3  }
0x110: {  	[hbm4b:s10+s3] =	stream.indirect_vreg.scatter [tilespmem:s17], [sflag:$0x1], $0x80, v4, vm0, $0xb8;
	[tilespmem:$0x10600] =	vst v63  }
0x111: {  	_ = 	snop  }
0x112: {  	[hbm4b:s11+s3] =	stream.indirect_vreg.scatter [tilespmem:s18], [sflag:$0x1], $0x80, v4, vm0, $0xb8;
	[tilespmem:$0x10600] =	vst v63  }
0x113: {  	_ = 	snop  }
0x114: {  	[hbm4b:s2+s3] =	stream.indirect_vreg.scatter [tilespmem:s19], [sflag:$0x1], $0x80, v3, vm0, $0xb8;
	[tilespmem:$0x10600] =	vst v63  }
0x115: {  	_ = 	snop  }
0x116: {  	[hbm4b:s5+s3] =	stream.indirect_vreg.scatter [tilespmem:s20], [sflag:$0x1], $0x80, v3, vm0, $0xb8;
	[tilespmem:$0x10600] =	vst v63  }
0x117: {  	_ = 	snop  }
0x118: {  	[hbm4b:s6+s3] =	stream.indirect_vreg.scatter [tilespmem:s21], [sflag:$0x1], $0x80, v3, vm0, $0xb8;
	[tilespmem:$0x10600] =	vst v63  }
0x119: {  	_ = 	snop  }
0x11a: {  	[hbm4b:s7+s3] =	stream.indirect_vreg.scatter [tilespmem:s22], [sflag:$0x1], $0x80, v3, vm0, $0xb8;
	[tilespmem:$0x10600] =	vst v63  }
0x11b: {  	_ = 	snop  }
0x11c: {  	[hbm4b:s8+s3] =	stream.indirect_vreg.scatter [tilespmem:s23], [sflag:$0x1], $0x80, v3, vm0, $0xb8;
	[tilespmem:$0x10600] =	vst v63  }
0x11d: {  	_ = 	snop  }
0x11e: {  	[hbm4b:s9+s3] =	stream.indirect_vreg.scatter [tilespmem:s24], [sflag:$0x1], $0x80, v3, vm0, $0xb8;
	[tilespmem:$0x10600] =	vst v63  }
0x11f: {  	_ = 	snop  }
0x120: {  	[hbm4b:s10+s3] =	stream.indirect_vreg.scatter [tilespmem:s25], [sflag:$0x1], $0x80, v3, vm0, $0xb8;
	[tilespmem:$0x10600] =	vst v63  }
0x121: {  	_ = 	snop  }
0x122: {  	[hbm4b:s11+s3] =	stream.indirect_vreg.scatter [tilespmem:s26], [sflag:$0x1], $0x80, v3, vm0, $0xb8;
	[tilespmem:$0x10600] =	vst v63  }
0x123: {  	_ =	swait.ge [sflag:s29], $0x8000  }
0x124: {  	[sflag:s29] =	ssyncset.done $0x0  }
0x125: {  	s0 =	rddreg [dreg:$0xc];
	[sflag:s29] =	ssyncadd.s32 $0xFFFF8000  }
0x126: {  	[tilespmem:s1], [sflag:$0x3] =	stream.linear.gather [hbm4b:s0+s3], $0x8000, $0x38;
	[tilespmem:$0x10600] =	vst v63  }
0x127: {  	_ =	swait.ge [sflag:s13], $0x8000  }
0x128: {  	[sflag:s13] =	ssyncset.done $0x0  }
0x129: {  	[sflag:s13] =	ssyncadd.s32 $0xFFFF8000  }
0x12a: {  	v3 =	vld [tilespmem:$0x480];
	_ =	sdelay $0x4  }
0x12b: {  	v61 =	vshll.u32 v3, $0x4  }
0x12c: {  	v3 =	vand.u32 $0x7, v3;
	v4 =	vand.u32 $0xFFFFFF80, v61  }
0x12d: {  	v3 =	vor.u32 v3, v4  }
0x12e: {  	v4 =	vperm.xlane v3, v0;
	_ =	sdelay $0x1  }
0x12f: {  	v4 =	vadd.s32 v1, v4;
	_ =	sdelay $0x4  }
0x130: {  	[hbm4b:s2+s3] =	stream.indirect_vreg.scatter [tilespmem:s1], [sflag:$0x2], $0x80, v4, vm0, $0xb8;
	[tilespmem:$0x10600] =	vst v63  }
0x131: {  	s0 =	simm.s32 $0x8E00  }
0x132: {  	[hbm4b:s5+s3] =	stream.indirect_vreg.scatter [tilespmem:s0], [sflag:$0x2], $0x80, v4, vm0, $0xb8;
	[tilespmem:$0x10600] =	vst v63  }
0x133: {  	s0 =	simm.s32 $0x9600  }
0x134: {  	[hbm4b:s6+s3] =	stream.indirect_vreg.scatter [tilespmem:s0], [sflag:$0x2], $0x80, v4, vm0, $0xb8;
	[tilespmem:$0x10600] =	vst v63  }
0x135: {  	s0 =	simm.s32 $0x9E00  }
0x136: {  	[hbm4b:s7+s3] =	stream.indirect_vreg.scatter [tilespmem:s0], [sflag:$0x2], $0x80, v4, vm0, $0xb8;
	[tilespmem:$0x10600] =	vst v63  }
0x137: {  	s0 =	simm.s32 $0xA600  }
0x138: {  	[hbm4b:s8+s3] =	stream.indirect_vreg.scatter [tilespmem:s0], [sflag:$0x2], $0x80, v4, vm0, $0xb8;
	[tilespmem:$0x10600] =	vst v63  }
0x139: {  	v3 =	vperm.xlane v3, v2;
	s0 =	simm.s32 $0xAE00  }
0x13a: {  	[hbm4b:s9+s3] =	stream.indirect_vreg.scatter [tilespmem:s0], [sflag:$0x2], $0x80, v4, vm0, $0xb8;
	[tilespmem:$0x10600] =	vst v63  }
0x13b: {  	v3 =	vadd.s32 v1, v3;
	s0 =	simm.s32 $0xB600  }
0x13c: {  	[hbm4b:s10+s3] =	stream.indirect_vreg.scatter [tilespmem:s0], [sflag:$0x2], $0x80, v4, vm0, $0xb8;
	[tilespmem:$0x10600] =	vst v63  }
0x13d: {  	s0 =	simm.s32 $0xBE00  }
0x13e: {  	[hbm4b:s11+s3] =	stream.indirect_vreg.scatter [tilespmem:s0], [sflag:$0x2], $0x80, v4, vm0, $0xb8;
	[tilespmem:$0x10600] =	vst v63  }
0x13f: {  	s0 =	simm.s32 $0xC600  }
0x140: {  	[hbm4b:s2+s3] =	stream.indirect_vreg.scatter [tilespmem:s0], [sflag:$0x2], $0x80, v3, vm0, $0xb8;
	[tilespmem:$0x10600] =	vst v63  }
0x141: {  	s0 =	simm.s32 $0xCE00  }
0x142: {  	[hbm4b:s5+s3] =	stream.indirect_vreg.scatter [tilespmem:s0], [sflag:$0x2], $0x80, v3, vm0, $0xb8;
	[tilespmem:$0x10600] =	vst v63  }
0x143: {  	s0 =	simm.s32 $0xD600  }
0x144: {  	[hbm4b:s6+s3] =	stream.indirect_vreg.scatter [tilespmem:s0], [sflag:$0x2], $0x80, v3, vm0, $0xb8;
	[tilespmem:$0x10600] =	vst v63  }
0x145: {  	s0 =	simm.s32 $0xDE00  }
0x146: {  	[hbm4b:s7+s3] =	stream.indirect_vreg.scatter [tilespmem:s0], [sflag:$0x2], $0x80, v3, vm0, $0xb8;
	[tilespmem:$0x10600] =	vst v63  }
0x147: {  	s0 =	simm.s32 $0xE600  }
0x148: {  	[hbm4b:s8+s3] =	stream.indirect_vreg.scatter [tilespmem:s0], [sflag:$0x2], $0x80, v3, vm0, $0xb8;
	[tilespmem:$0x10600] =	vst v63  }
0x149: {  	s0 =	simm.s32 $0xEE00  }
0x14a: {  	[hbm4b:s9+s3] =	stream.indirect_vreg.scatter [tilespmem:s0], [sflag:$0x2], $0x80, v3, vm0, $0xb8;
	[tilespmem:$0x10600] =	vst v63  }
0x14b: {  	s0 =	simm.s32 $0xF600  }
0x14c: {  	[hbm4b:s10+s3] =	stream.indirect_vreg.scatter [tilespmem:s0], [sflag:$0x2], $0x80, v3, vm0, $0xb8;
	[tilespmem:$0x10600] =	vst v63  }
0x14d: {  	s0 =	simm.s32 $0xFE00  }
0x14e: {  	[hbm4b:s11+s3] =	stream.indirect_vreg.scatter [tilespmem:s0], [sflag:$0x2], $0x80, v3, vm0, $0xb8;
	[tilespmem:$0x10600] =	vst v63  }
0x14f: {  	_ =	swait.ge [sflag:s28], $0x8000  }
0x150: {  	[sflag:s28] =	ssyncset.done $0x0  }
0x151: {  	s0 =	rddreg [dreg:$0xd];
	[sflag:s28] =	ssyncadd.s32 $0xFFFF8000  }
0x152: {  	[tilespmem:s31], [sflag:$0x3] =	stream.linear.gather [hbm4b:s0+s3], $0x8000, $0x38;
	[tilespmem:$0x10600] =	vst v63  }
0x153: {  	_ =	swait.ge [sflag:s13], $0x8000  }
0x154: {  	[sflag:s13] =	ssyncset.done $0x0  }
0x155: {  	[sflag:s13] =	ssyncadd.s32 $0xFFFF8000  }
0x156: {  	v3 =	vld [tilespmem:$0x500];
	_ =	sdelay $0x4  }
0x157: {  	v62 =	vshll.u32 v3, $0x4  }
0x158: {  	v3 =	vand.u32 $0x7, v3;
	v4 =	vand.u32 $0xFFFFFF80, v62  }
0x159: {  	v3 =	vor.u32 v3, v4  }
0x15a: {  	v4 =	vperm.xlane v3, v0;
	_ =	sdelay $0x1  }
0x15b: {  	v4 =	vadd.s32 v1, v4;
	_ =	sdelay $0x4  }
0x15c: {  	[hbm4b:s2+s3] =	stream.indirect_vreg.scatter [tilespmem:s31], [sflag:$0x1], $0x80, v4, vm0, $0xb8;
	[tilespmem:$0x10600] =	vst v63  }
0x15d: {  	_ = 	snop  }
0x15e: {  	[hbm4b:s5+s3] =	stream.indirect_vreg.scatter [tilespmem:s30], [sflag:$0x1], $0x80, v4, vm0, $0xb8;
	[tilespmem:$0x10600] =	vst v63  }
0x15f: {  	_ = 	snop  }
0x160: {  	[hbm4b:s6+s3] =	stream.indirect_vreg.scatter [tilespmem:s14], [sflag:$0x1], $0x80, v4, vm0, $0xb8;
	[tilespmem:$0x10600] =	vst v63  }
0x161: {  	_ = 	snop  }
0x162: {  	[hbm4b:s7+s3] =	stream.indirect_vreg.scatter [tilespmem:s4], [sflag:$0x1], $0x80, v4, vm0, $0xb8;
	[tilespmem:$0x10600] =	vst v63  }
0x163: {  	_ = 	snop  }
0x164: {  	[hbm4b:s8+s3] =	stream.indirect_vreg.scatter [tilespmem:s15], [sflag:$0x1], $0x80, v4, vm0, $0xb8;
	[tilespmem:$0x10600] =	vst v63  }
0x165: {  	v3 =	vperm.xlane v3, v2  }
0x166: {  	[hbm4b:s9+s3] =	stream.indirect_vreg.scatter [tilespmem:s16], [sflag:$0x1], $0x80, v4, vm0, $0xb8;
	[tilespmem:$0x10600] =	vst v63  }
0x167: {  	v3 =	vadd.s32 v1, v3  }
0x168: {  	[hbm4b:s10+s3] =	stream.indirect_vreg.scatter [tilespmem:s17], [sflag:$0x1], $0x80, v4, vm0, $0xb8;
	[tilespmem:$0x10600] =	vst v63  }
0x169: {  	_ = 	snop  }
0x16a: {  	[hbm4b:s11+s3] =	stream.indirect_vreg.scatter [tilespmem:s18], [sflag:$0x1], $0x80, v4, vm0, $0xb8;
	[tilespmem:$0x10600] =	vst v63  }
0x16b: {  	_ = 	snop  }
0x16c: {  	[hbm4b:s2+s3] =	stream.indirect_vreg.scatter [tilespmem:s19], [sflag:$0x1], $0x80, v3, vm0, $0xb8;
	[tilespmem:$0x10600] =	vst v63  }
0x16d: {  	_ = 	snop  }
0x16e: {  	[hbm4b:s5+s3] =	stream.indirect_vreg.scatter [tilespmem:s20], [sflag:$0x1], $0x80, v3, vm0, $0xb8;
	[tilespmem:$0x10600] =	vst v63  }
0x16f: {  	_ = 	snop  }
0x170: {  	[hbm4b:s6+s3] =	stream.indirect_vreg.scatter [tilespmem:s21], [sflag:$0x1], $0x80, v3, vm0, $0xb8;
	[tilespmem:$0x10600] =	vst v63  }
0x171: {  	_ = 	snop  }
0x172: {  	[hbm4b:s7+s3] =	stream.indirect_vreg.scatter [tilespmem:s22], [sflag:$0x1], $0x80, v3, vm0, $0xb8;
	[tilespmem:$0x10600] =	vst v63  }
0x173: {  	_ = 	snop  }
0x174: {  	[hbm4b:s8+s3] =	stream.indirect_vreg.scatter [tilespmem:s23], [sflag:$0x1], $0x80, v3, vm0, $0xb8;
	[tilespmem:$0x10600] =	vst v63  }
0x175: {  	_ = 	snop  }
0x176: {  	[hbm4b:s9+s3] =	stream.indirect_vreg.scatter [tilespmem:s24], [sflag:$0x1], $0x80, v3, vm0, $0xb8;
	[tilespmem:$0x10600] =	vst v63  }
0x177: {  	_ = 	snop  }
0x178: {  	[hbm4b:s10+s3] =	stream.indirect_vreg.scatter [tilespmem:s25], [sflag:$0x1], $0x80, v3, vm0, $0xb8;
	[tilespmem:$0x10600] =	vst v63  }
0x179: {  	_ = 	snop  }
0x17a: {  	[hbm4b:s11+s3] =	stream.indirect_vreg.scatter [tilespmem:s26], [sflag:$0x1], $0x80, v3, vm0, $0xb8;
	[tilespmem:$0x10600] =	vst v63  }
0x17b: {  	_ =	swait.ge [sflag:s29], $0x8000  }
0x17c: {  	[sflag:s29] =	ssyncset.done $0x0  }
0x17d: {  	s30 =	rddreg [dreg:$0xe];
	[sflag:s29] =	ssyncadd.s32 $0xFFFF8000  }
0x17e: {  	[tilespmem:s1], [sflag:$0x3] =	stream.linear.gather [hbm4b:s30+s3], $0x8000, $0x38;
	[tilespmem:$0x10600] =	vst v63  }
0x17f: {  	_ =	swait.ge [sflag:s13], $0x8000  }
0x180: {  	[sflag:s13] =	ssyncset.done $0x0  }
0x181: {  	[sflag:s13] =	ssyncadd.s32 $0xFFFF8000  }
0x182: {  	v3 =	vld [tilespmem:$0x580];
	_ =	sdelay $0x4  }
0x183: {  	v63 =	vshll.u32 v3, $0x4  }
0x184: {  	v3 =	vand.u32 $0x7, v3;
	v4 =	vand.u32 $0xFFFFFF80, v63  }
0x185: {  	v3 =	vor.u32 v3, v4  }
0x186: {  	v4 =	vperm.xlane v3, v0;
	_ =	sdelay $0x1  }
0x187: {  	v4 =	vadd.s32 v1, v4;
	_ =	sdelay $0x4  }
0x188: {  	[hbm4b:s2+s3] =	stream.indirect_vreg.scatter [tilespmem:s1], [sflag:$0x2], $0x80, v4, vm0, $0xb8;
	[tilespmem:$0x10600] =	vst v63  }
0x189: {  	s30 =	simm.s32 $0x8E00  }
0x18a: {  	[hbm4b:s5+s3] =	stream.indirect_vreg.scatter [tilespmem:s30], [sflag:$0x2], $0x80, v4, vm0, $0xb8;
	[tilespmem:$0x10600] =	vst v63  }
0x18b: {  	s30 =	simm.s32 $0x9600  }
0x18c: {  	[hbm4b:s6+s3] =	stream.indirect_vreg.scatter [tilespmem:s30], [sflag:$0x2], $0x80, v4, vm0, $0xb8;
	[tilespmem:$0x10600] =	vst v63  }
0x18d: {  	s30 =	simm.s32 $0x9E00  }
0x18e: {  	[hbm4b:s7+s3] =	stream.indirect_vreg.scatter [tilespmem:s30], [sflag:$0x2], $0x80, v4, vm0, $0xb8;
	[tilespmem:$0x10600] =	vst v63  }
0x18f: {  	s30 =	simm.s32 $0xA600  }
0x190: {  	[hbm4b:s8+s3] =	stream.indirect_vreg.scatter [tilespmem:s30], [sflag:$0x2], $0x80, v4, vm0, $0xb8;
	[tilespmem:$0x10600] =	vst v63  }
0x191: {  	v3 =	vperm.xlane v3, v2;
	s30 =	simm.s32 $0xAE00  }
0x192: {  	[hbm4b:s9+s3] =	stream.indirect_vreg.scatter [tilespmem:s30], [sflag:$0x2], $0x80, v4, vm0, $0xb8;
	[tilespmem:$0x10600] =	vst v63  }
0x193: {  	v3 =	vadd.s32 v1, v3;
	s30 =	simm.s32 $0xB600  }
0x194: {  	[hbm4b:s10+s3] =	stream.indirect_vreg.scatter [tilespmem:s30], [sflag:$0x2], $0x80, v4, vm0, $0xb8;
	[tilespmem:$0x10600] =	vst v63  }
0x195: {  	s30 =	simm.s32 $0xBE00  }
0x196: {  	[hbm4b:s11+s3] =	stream.indirect_vreg.scatter [tilespmem:s30], [sflag:$0x2], $0x80, v4, vm0, $0xb8;
	[tilespmem:$0x10600] =	vst v63  }
0x197: {  	s30 =	simm.s32 $0xC600  }
0x198: {  	[hbm4b:s2+s3] =	stream.indirect_vreg.scatter [tilespmem:s30], [sflag:$0x2], $0x80, v3, vm0, $0xb8;
	[tilespmem:$0x10600] =	vst v63  }
0x199: {  	s30 =	simm.s32 $0xCE00  }
0x19a: {  	[hbm4b:s5+s3] =	stream.indirect_vreg.scatter [tilespmem:s30], [sflag:$0x2], $0x80, v3, vm0, $0xb8;
	[tilespmem:$0x10600] =	vst v63  }
0x19b: {  	s30 =	simm.s32 $0xD600  }
0x19c: {  	[hbm4b:s6+s3] =	stream.indirect_vreg.scatter [tilespmem:s30], [sflag:$0x2], $0x80, v3, vm0, $0xb8;
	[tilespmem:$0x10600] =	vst v63  }
0x19d: {  	s30 =	simm.s32 $0xDE00  }
0x19e: {  	[hbm4b:s7+s3] =	stream.indirect_vreg.scatter [tilespmem:s30], [sflag:$0x2], $0x80, v3, vm0, $0xb8;
	[tilespmem:$0x10600] =	vst v63  }
0x19f: {  	s30 =	simm.s32 $0xE600  }
0x1a0: {  	[hbm4b:s8+s3] =	stream.indirect_vreg.scatter [tilespmem:s30], [sflag:$0x2], $0x80, v3, vm0, $0xb8;
	[tilespmem:$0x10600] =	vst v63  }
0x1a1: {  	s30 =	simm.s32 $0xEE00  }
0x1a2: {  	[hbm4b:s9+s3] =	stream.indirect_vreg.scatter [tilespmem:s30], [sflag:$0x2], $0x80, v3, vm0, $0xb8;
	[tilespmem:$0x10600] =	vst v63  }
0x1a3: {  	s30 =	simm.s32 $0xF600  }
0x1a4: {  	[hbm4b:s10+s3] =	stream.indirect_vreg.scatter [tilespmem:s30], [sflag:$0x2], $0x80, v3, vm0, $0xb8;
	[tilespmem:$0x10600] =	vst v63  }
0x1a5: {  	s30 =	simm.s32 $0xFE00  }
0x1a6: {  	[hbm4b:s11+s3] =	stream.indirect_vreg.scatter [tilespmem:s30], [sflag:$0x2], $0x80, v3, vm0, $0xb8;
	[tilespmem:$0x10600] =	vst v63  }
0x1a7: {  	p0 =	sne.s32 s12, $0x1;
	_ =	swait.ge [sflag:s28], $0x8000  }
.Ltmp0:
0x1a8: {  	[sflag:s28] =	ssyncset.done $0x0;
	(pc) =	sbr.rel @p0 .LBB2_1-.Ltmp0, $4  }
0x1a9: {  	[sflag:s28] =	ssyncadd.s32 $0xFFFF8000  }
0x1aa: {  	_ =	swait.ge [sflag:s29], $0x8000  }
0x1ab: {  	[sflag:s29] =	ssyncset.done $0x0  }
0x1ac: {  	s12 =	sadd.s32 $0xFFFFFFFF, s12;
	[sflag:s29] =	ssyncadd.s32 $0xFFFF8000  }
0x1ad: {  	_ =	sfence.sel $0x180000  }
0x1ae: {  	[bflag:$0x0] =	sbarrier.arrive $0xFFFF  }
0x1af: {  	_ =	strace $0x90000047  }
0x1b0: {  	s0 =	stileid.u32;
	[bflag:$0x2] =	sbarrier.arrive $0xFFFF  }
0x1b1: {  	p0 =	sne.s32 s0, $0x0;
	s0 =	rddreg [dreg:$0x3]  }
0x1b2: {  	s0 =	sadd.s32 @!p0 $0x100000, s0  }
0x1b3: {  	[sflag:s0] =	ssyncadd.tile.s32 @!p0 $0x1;
	_ =	shalt  }
.Lfunc_end2:
_tile_overlayer_lowered:
.L_overlay_start_2:
0x1b4: {  	(tag) =	ssettag $0x2  }
0x1b5: {  	s0 =	rddreg [dreg:$0x0];
	s2 =	stileid.u32  }
0x1b6: {  	s1 =	rddreg [dreg:$0x1];
	p0 =	sne.s32 s2, $0x0  }
0x1b7: {  	s3 =	rddreg [dreg:$0x2];
	[bflag:$0x3] =	sbarrier.arrive $0xFFFF;
	s2 =	simm.s32 @!p0 $0x1C03  }
0x1b8: {  	[timem:s3], [sflag:s2] =	dma.local @!p0 [hbm:s0], s1  }
0x1b9: {  	s0 =	simm.s32 @!p0 $0x3  }
0x1ba: {  	_ =	swait.ge @!p0 [sflag:s0], s1  }
0x1bb: {  	s1 =	ssub.s32 @!p0 $0x0, s1;
	[sflag:s0] =	ssyncset.done @!p0 $0x0  }
0x1bc: {  	[sflag:s0] =	ssyncadd.s32 @!p0 s1  }
0x1bd: {  	[bflag:$0x3] =	sbarrier.arrive $0xFFFF  }
0x1be: {  	_ =	shalt  }

// kernel: kernel.9.cloned.1.call-start
scs
__scs_entry_jumppad:
0x0: {  	(pc) =	sbr.rel $0x88, $3  }
0x1: {  	(tag) =	ssettag $0x0;
	lr =	simm.s32 $0x1  }
0x2: {  	[smem:$0x3F8E] =	sst lr;
	_ =	strace $0xD0000000  }
0x3: {  	_ = 	snop  }
0x4: {  	_ = 	snop  }
0x5: {  	_ = 	snop  }
0x6: {  	_ = 	snop  }
0x7: {  	_ = 	snop  }
__scs_overlays_trampoline_lowered:
0x8: {  	[smem:$0x3F9D] =	sst s0  }
0x9: {  	[smem:$0x3F9E] =	sst s1  }
0xa: {  	[smem:$0x3F9F] =	sst s2  }
0xb: {  	[smem:$0x3FA0] =	sst s3  }
0xc: {  	[smem:$0x3FA1] =	sst s4  }
0xd: {  	[smem:$0x3FA2] =	sst s5  }
0xe: {  	[smem:$0x3FA3] =	sst s6  }
0xf: {  	[smem:$0x3FA4] =	sst s7  }
0x10: {  	[smem:$0x3FA5] =	sst s8  }
0x11: {  	[smem:$0x3FA6] =	sst s9;
	s0 =	simm.s32 @!p0 $0x0  }
0x12: {  	s1 =	sld [smem:$0x3F8C];
	s0 =	simm.s32 @p0 $0x1  }
0x13: {  	[smem:$0x3FA7] =	sst s0;
	s0 =	simm.s32 @!p1 $0x0  }
0x14: {  	s2 =	sld [smem:$0x3F8B];
	s0 =	simm.s32 @p1 $0x1  }
0x15: {  	[smem:$0x3FA8] =	sst s0;
	s0 =	simm.s32 @!p2 $0x0  }
0x16: {  	s3 =	sld [smem:$0x3FDB];
	s0 =	simm.s32 @p2 $0x1  }
0x17: {  	s4 =	simm.s32 $0x1BF5;
	[smem:$0x3FAA] =	sst s0  }
0x18: {  	s0 =	sld [smem:$0x3F8D];
	_ =	swait.ge [sflag:s4], $0x0  }
0x19: {  	s7 =	sld [smem:$0x3F8E]  }
0x1a: {  	s8 =	sadd.s32 $0xFFFFE003, lr  }
0x1b: {  	s9 =	sadd.s32 $0xFFFFFEF7, lr;
	s5 =	simm.s32 $0xFFFFFFFF;
	p2 =	slt.u32 s8, $0xFFFFF086  }
0x1c: {  	p1 =	slt.u32 s9, $0xF7A;
	s5 =	simm.s32 @!p2 $0x0  }
0x1d: {  	s5 =	simm.s32 @p1 $0x1;
	p0 =	seq.s32 s7, s2  }
0x1e: {  	s7 =	smul.u32 @!p0 $0xF7A, s2;
	p2 =	seq.s32 @!p0 s5, $0x0  }
0x1f: {  	s9 =	smul.u32 $0xF7A, s1;
	s8 =	simm.s32 @!p0 $0x1BF5;
	p2 =	por !p2, p0  }
0x20: {  	[sflag:s8] =	ssyncset.s32 @!p0 $0xFFFFF086;
	s6 =	sadd.s32 @!p0 s3, s7;
	s7 =	simm.s32 @!p0 $0x108  }
0x21: {  	s3 =	sadd.s32 s3, s9;
	s6 =	sadd.s32 @!p0 $0x88, s6;
	s7 =	simm.s32 @p2 $0x1082  }
0x22: {  	[simem:s7], [sflag:s8] =	dma.local @!p0 [hbm:s6], $0xF7A  }
0x23: {  	s9 =	sor.u32 $0xD0000000, s2;
	s6 =	simm.s32 $0x108;
	_ =	swait.ge @!p0 [sflag:s8], $0x0  }
0x24: {  	s3 =	sadd.s32 $0x88, s3;
	s6 =	simm.s32 @!p1 $0x1082;
	[sflag:s4] =	ssyncset.s32 $0xFFFFF086  }
0x25: {  	[simem:s6], [sflag:s4] =	dma.local [hbm:s3], $0xF7A  }
0x26: {  	[smem:$0x3F8E] =	sst s1;
	(tag) =	ssettag s2;
	_ =	strace s9  }
0x27: {  	s1 =	sld [smem:$0x3F9E]  }
0x28: {  	s2 =	sld [smem:$0x3F9F]  }
0x29: {  	s4 =	sld [smem:$0x3FA1]  }
0x2a: {  	p0 =	seq.s32 s5, $0x0;
	s5 =	sld [smem:$0x3FA2]  }
0x2b: {  	s6 =	sld [smem:$0x3FA3]  }
0x2c: {  	s7 =	sld [smem:$0x3FA4]  }
0x2d: {  	s3 =	simm.s32 $0x108;
	s8 =	sld [smem:$0x3FA5]  }
0x2e: {  	s3 =	simm.s32 @!p0 $0x1082;
	s9 =	sld [smem:$0x3FA6]  }
0x2f: {  	lr =	sadd.s32 s0, s3;
	s0 =	sld [smem:$0x3F9D]  }
0x30: {  	s3 =	sld [smem:$0x3FA0]  }
0x31: {  	[smem:$0x3FA9] =	sst s10  }
0x32: {  	s10 =	sld [smem:$0x3FA7];
	_ =	sdelay $0x3  }
0x33: {  	p0 =	seq.s32 s10, $0x1;
	s10 =	sld [smem:$0x3FA9];
	_ =	sdelay $0x3  }
0x34: {  	[smem:$0x3FA9] =	sst s10  }
0x35: {  	s10 =	sld [smem:$0x3FA8];
	_ =	sdelay $0x3  }
0x36: {  	p1 =	seq.s32 s10, $0x1;
	s10 =	sld [smem:$0x3FA9];
	_ =	sdelay $0x3  }
0x37: {  	[smem:$0x3FA9] =	sst s10  }
0x38: {  	s10 =	sld [smem:$0x3FAA]  }
0x39: {  	_ = 	snop;
	(pc) =	sbr.ind lr, $3  }
0x3a: {  	_ = 	snop  }
0x3b: {  	_ = 	snop  }
0x3c: {  	p2 =	seq.s32 s10, $0x1;
	s10 =	sld [smem:$0x3FA9]  }
0x3d: {  	_ =	shalt  }
0x3e: {  	_ =	shalt  }
0x3f: {  	_ =	shalt  }
0x40: {  	_ =	shalt  }
0x41: {  	_ =	shalt  }
0x42: {  	_ =	shalt  }
0x43: {  	_ =	shalt  }
0x44: {  	_ =	shalt  }
0x45: {  	_ =	shalt  }
0x46: {  	_ =	shalt  }
0x47: {  	_ =	shalt  }
0x48: {  	_ =	shalt  }
0x49: {  	_ =	shalt  }
0x4a: {  	_ =	shalt  }
0x4b: {  	_ =	shalt  }
0x4c: {  	_ =	shalt  }
0x4d: {  	_ =	shalt  }
0x4e: {  	_ =	shalt  }
0x4f: {  	_ =	shalt  }
0x50: {  	_ =	shalt  }
0x51: {  	_ =	shalt  }
0x52: {  	_ =	shalt  }
0x53: {  	_ =	shalt  }
0x54: {  	_ =	shalt  }
0x55: {  	_ =	shalt  }
0x56: {  	_ =	shalt  }
0x57: {  	_ =	shalt  }
0x58: {  	_ =	shalt  }
0x59: {  	_ =	shalt  }
0x5a: {  	_ =	shalt  }
0x5b: {  	_ =	shalt  }
0x5c: {  	_ =	shalt  }
0x5d: {  	_ =	shalt  }
0x5e: {  	_ =	shalt  }
0x5f: {  	_ =	shalt  }
0x60: {  	_ =	shalt  }
0x61: {  	_ =	shalt  }
0x62: {  	_ =	shalt  }
0x63: {  	_ =	shalt  }
0x64: {  	_ =	shalt  }
0x65: {  	_ =	shalt  }
0x66: {  	_ =	shalt  }
0x67: {  	_ =	shalt  }
0x68: {  	_ =	shalt  }
0x69: {  	_ =	shalt  }
0x6a: {  	_ =	shalt  }
0x6b: {  	_ =	shalt  }
0x6c: {  	_ =	shalt  }
0x6d: {  	_ =	shalt  }
0x6e: {  	_ =	shalt  }
0x6f: {  	_ =	shalt  }
0x70: {  	_ =	shalt  }
0x71: {  	_ =	shalt  }
0x72: {  	_ =	shalt  }
0x73: {  	_ =	shalt  }
0x74: {  	_ =	shalt  }
0x75: {  	_ =	shalt  }
0x76: {  	_ =	shalt  }
0x77: {  	_ =	shalt  }
0x78: {  	_ =	shalt  }
0x79: {  	_ =	shalt  }
0x7a: {  	_ =	shalt  }
0x7b: {  	_ =	shalt  }
0x7c: {  	_ =	shalt  }
0x7d: {  	_ =	shalt  }
0x7e: {  	_ =	shalt  }
0x7f: {  	_ =	shalt  }
0x80: {  	_ =	shalt  }
0x81: {  	_ =	shalt  }
0x82: {  	_ =	shalt  }
0x83: {  	_ =	shalt  }
0x84: {  	_ =	shalt  }
0x85: {  	_ =	shalt  }
0x86: {  	_ =	shalt  }
0x87: {  	_ =	shalt  }
.Lfunc_end0:
.L_simem_size_0:
called_computation.1_lowered:
.L_overlay_start_0:
0x88: {  	s2 =	sld [smem:$0x3FD9]  }
0x89: {  	s3 =	sld [smem:$0x3FFE];
	_ =	sdelay $0x1  }
0x8a: {  	s1 =	srdreg.scid  }
0x8b: {  	s0 =	sand.u32 $0x1, s1  }
0x8c: {  	s17 =	sshll.u32 s0, $0xA;
	s2 =	sadd.s32 s3, s2  }
0x8d: {  	s2 =	sadd.s32 s2, s17  }
0x8e: {  	[smem:$0x3FB5] =	sst s2  }
0x8f: {  	_ = 	snop  }
0x90: {  	s2 =	sld [smem:$0x3FD0];
	(tm) =	ssettm $0x1  }
0x91: {  	s18 =	sld [smem:$0x3FFB];
	_ =	sdelay $0x3  }
0x92: {  	_ =	strace s18  }
0x93: {  	s3 =	sld [smem:$0x3FFC];
	_ =	sdelay $0x3  }
0x94: {  	_ =	strace s3  }
0x95: {  	s3 =	sld [smem:$0x3FFD];
	_ =	sdelay $0x3  }
0x96: {  	_ =	strace s3  }
0x97: {  	_ =	strace $0x8FFFFFFF  }
0x98: {  	s19 =	sld [smem:$0x3FDB];
	_ =	sdelay $0x1  }
0x99: {  	s4 =	simm.s32 $_scs_section_size  }
0x9a: {  	s5 =	simm.s32 $_size__tile_overlayer_lowered;
	s6 =	simm.s32 $_tile_overlayer_lowered  }
0x9b: {  	s22 =	simm.s32 $0x1BFF;
	s21 =	sshll.u32 s6, $0x1;
	s3 =	sadd.s32 s4, s19  }
0x9c: {  	s7 =	simm.s32 $0x0;
	s20 =	sshll.u32 s5, $0x1;
	s5 =	sadd.s32 s21, s3  }
0x9d: {  	[timem:s7], [sflag:s22] =	dma.local [hbm:s5], s20  }
0x9e: {  	_ =	swait.ge [sflag:s22], s20  }
0x9f: {  	s4 =	ssub.s32 $0x0, s20;
	[sflag:s22] =	ssyncset.done $0x0  }
0xa0: {  	[sflag:s22] =	ssyncadd.s32 s4;
	_ =	sdelay $0x1  }
0xa1: {  	s23 =	simm.s32 $0x1B8B  }
0xa2: {  	_ =	swait.ge [sflag:s23], $0x1  }
0xa3: {  	[sflag:s23] =	ssyncset.done $0x0  }
0xa4: {  	s25 =	simm.s32 $0x1B8E;
	s24 =	sld [smem:$0x3FFE];
	[sflag:s23] =	ssyncadd.s32 $0xFFFFFFFF  }
0xa5: {  	s26 =	simm.s32 $execute0_lowered;
	[smem:$0x3FD2] =	sst s25  }
0xa6: {  	s5 =	sshll.u32 s26, $0x1;
	_ =	strace $0x80000049;
	[dreg:$0x1] =	wrdreg $0xFFFFFFFF  }
0xa7: {  	s28 =	simm.s32 $_size_execute0_lowered;
	s3 =	sadd.s32 s3, s5;
	[dreg:$0x0] =	wrdreg $0x0  }
0xa8: {  	s5 =	sshll.u32 s28, $0x1;
	[dreg:$0x2] =	wrdreg s3  }
0xa9: {  	[dreg:$0x3] =	wrdreg s5  }
0xaa: {  	[dreg:$0x4] =	wrdreg $0xC0  }
0xab: {  	_ =	task [dreg:s7], $0x5FFFF  }
0xac: {  	[dreg:$0x1] =	wrdreg $0xFFFFFFFF  }
0xad: {  	[dreg:$0x0] =	wrdreg $0x60  }
0xae: {  	[dreg:$0x2] =	wrdreg s24  }
0xaf: {  	[dreg:$0x3] =	wrdreg s2  }
0xb0: {  	[dreg:$0x4] =	wrdreg $0x9  }
0xb1: {  	_ =	task.clear_ibuf [dreg:s7], $0x5FFFF;
	_ =	strace $0x90000049  }
0xb2: {  	s29 =	simm.s32 $0x9;
	_ =	strace $0x8000004B  }
0xb3: {  	_ =	swait.ge [sflag:s29], $0x1  }
0xb4: {  	[sflag:s29] =	ssyncadd.s32 $0xFFFFFFFF  }
0xb5: {  	_ =	strace $0x9000004B  }
0xb6: {  	_ =	sfence  }
0xb7: {  	s30 =	sld [smem:$0x0];
	_ =	sdelay $0x2  }
0xb8: {  	s31 =	sshll.u32 s1, $0xD;
	s1 =	sshrl.u32 s1, $0x2  }
0xb9: {  	s3 =	sand.u32 $0x4000, s31;
	s1 =	sadd.s32 s1, s30  }
0xba: {  	s0 =	sor.u32 s3, s0;
	s1 =	sshll.u32 s1, $0x11  }
0xbb: {  	s0 =	sor.u32 s1, s0  }
0xbc: {  	s0 =	sadd.s32 $0x8F2B, s0  }
0xbd: {  	[sflag:s0] =	ssyncadd.remote.s32 $0x1  }
0xbe: {  	_ =	sfence.sel $0xFFFF  }
0xbf: {  	[dreg:$0x0] =	wrdreg $0xFFFFFFFF;
	(pc) =	sbr.abs _section_cstart, $3  }
0xc0: {  	[dreg:$0x1] =	wrdreg $0xFFFFFFFF  }
0xc1: {  	_ =	task.clear_ibuf [dreg:s7], $0x2FFFF;
	_ =	strace $0x9FFFFFFF  }
0xc2: {  	(tm) =	ssettm $0x7FFFFFFF  }
0xc3: {  	_ =	shalt  }
tec
execute0_lowered:
.L_overlay_start_1:
0x0: {  	(tag) =	ssettag $0x1  }
0x1: {  	s0 =	rddreg [dreg:$0x0]  }
0x2: {  	s1 =	rddreg [dreg:$0x1]  }
0x3: {  	s3 =	srdreg.scid;
	s2 =	simm.s32 $0x0;
	s5 =	stileid.u32  }
0x4: {  	s25 =	simm.s32 $0x80;
	s26 =	simm.s32 $0x100;
	s28 =	simm.s32 $0x180  }
0x5: {  	s31 =	simm.s32 $0x1;
	s29 =	simm.s32 $0x2;
	s30 =	simm.s32 $0x3  }
0x6: {  	s4 =	sand.u32 $0x1, s3;
	[smem:$0x7FF] =	sst s2;
	s12 =	sshll.u32 s5, $0x8  }
0x7: {  	s3 =	sadd.s32 $0x2800, s0;
	s7 =	sadd.s32 $0x2600, s0;
	s14 =	sadd.s32 $0x1C00, s0  }
0x8: {  	s8 =	sadd.s32 $0x2C00, s0;
	_ =	strace $0x8000004A;
	[dreg:$0x3] =	wrdreg s7  }
0x9: {  	s10 =	sadd.s32 $0x2E00, s0;
	s13 =	sshll.u32 s4, $0x7;
	[dreg:$0x4] =	wrdreg s14  }
0xa: {  	s11 =	sadd.s32 $0x2F00, s0;
	[dreg:$0xe] =	wrdreg s25;
	s5 =	sor.u32 s13, s12  }
0xb: {  	[dreg:$0xf] =	wrdreg s26;
	s6 =	sshrl.u32 s5, $0x3;
	s5 =	sshll.u32 s5, $0x8  }
0xc: {  	[dreg:$0x10] =	wrdreg s28;
	s6 =	sadd.s32 s6, s0;
	s9 =	sadd.s32 s1, s5  }
0xd: {  	s16 =	ssub.s32 $0x2, s4;
	s15 =	sadd.s32 $0x2000, s6;
	[dreg:$0x11] =	wrdreg s9  }
0xe: {  	s7 =	sadd.s32 $0x2B00, s0;
	s6 =	sadd.s32 $0x2200, s6;
	[dreg:$0x5] =	wrdreg s15  }
0xf: {  	s14 =	simm.s32 $0x5;
	s17 =	sadd.s32 $0x1000, s9;
	[dreg:$0x6] =	wrdreg s6  }
0x10: {  	s18 =	sshrl.u32 s16, $0x1;
	s19 =	sadd.s32 $0x2000, s9;
	[dreg:$0x7] =	wrdreg s17  }
0x11: {  	s13 =	simm.s32 $0x8600;
	s20 =	sadd.s32 $0x3000, s9;
	[dreg:$0x8] =	wrdreg s19  }
0x12: {  	s1 =	ssub.s32 s16, s18;
	s21 =	sadd.s32 $0x4000, s9;
	[dreg:$0x9] =	wrdreg s20  }
0x13: {  	s5 =	sadd.s32 $0x2900, s0;
	s22 =	sadd.s32 $0x5000, s9;
	[dreg:$0xa] =	wrdreg s21  }
0x14: {  	v2 =	vlaneseq.u32;
	s23 =	sadd.s32 $0x6000, s9;
	s24 =	sadd.s32 $0x7000, s9;
	[dreg:$0xb] =	wrdreg s22  }
0x15: {  	vm0 =	vmmov $0xffff;
	v1 =	vshrl.u32 v2, $0x3;
	s9 =	sadd.s32 $0x2D00, s0;
	s12 =	smax.u32 s1, $0x1;
	[dreg:$0xc] =	wrdreg s23  }
0x16: {  	v0 =	vand.u32 $0x7, v2;
	v2 =	vor.u32 $0x8, v2;
	v1 =	vmul.u32 $0x8, v1;
	s1 =	simm.s32 $0x4;
	s6 =	sadd.s32 $0x2A00, s0;
	[dreg:$0xd] =	wrdreg s24  }
.LBB2_1:
0x17: {  	s4 =	rddreg [dreg:$0x5]  }
0x18: {  	[tilespmem:s2], [sflag:$0x5] =	stream.linear.gather [hbm4b:s4+s2], $0x80, $0x38;
	[tilespmem:$0x10600] =	vst v63  }
0x19: {  	_ =	swait.ge [sflag:s14], $0x80  }
0x1a: {  	s22 =	rddreg [dreg:$0x6];
	[sflag:s14] =	ssyncset.done $0x0  }
0x1b: {  	s15 =	rddreg [dreg:$0xe];
	[sflag:s14] =	ssyncadd.s32 $0xFFFFFF80  }
0x1c: {  	[tilespmem:s15], [sflag:$0x5] =	stream.linear.gather [hbm4b:s22+s2], $0x80, $0x38;
	[tilespmem:$0x10600] =	vst v63  }
0x1d: {  	_ =	swait.ge [sflag:s14], $0x80  }
0x1e: {  	s23 =	rddreg [dreg:$0x3];
	[sflag:s14] =	ssyncset.done $0x0  }
0x1f: {  	s24 =	rddreg [dreg:$0xf];
	[sflag:s14] =	ssyncadd.s32 $0xFFFFFF80  }
0x20: {  	[tilespmem:s24], [sflag:$0x5] =	stream.linear.gather [hbm4b:s23+s2], $0x80, $0x38;
	[tilespmem:$0x10600] =	vst v63  }
0x21: {  	_ =	swait.ge [sflag:s14], $0x80  }
0x22: {  	s25 =	rddreg [dreg:$0x4];
	[sflag:s14] =	ssyncset.done $0x0  }
0x23: {  	s26 =	rddreg [dreg:$0x10];
	[sflag:s14] =	ssyncadd.s32 $0xFFFFFF80  }
0x24: {  	[tilespmem:s26], [sflag:$0x5] =	stream.linear.gather [hbm4b:s25+s2], $0x80, $0x38;
	[tilespmem:$0x10600] =	vst v63  }
0x25: {  	_ =	swait.ge [sflag:s14], $0x80  }
0x26: {  	[sflag:s14] =	ssyncset.done $0x0  }
0x27: {  	[sflag:s14] =	ssyncadd.s32 $0xFFFFFF80  }
0x28: {  	v3 =	vld [tilespmem:$0x0]  }
0x29: {  	v7 =	vld [tilespmem:$0x10]  }
0x2a: {  	v27 =	vld [tilespmem:$0x20]  }
0x2b: {  	v28 =	vld [tilespmem:$0x30]  }
0x2c: {  	v14 =	vld [tilespmem:$0x40]  }
0x2d: {  	v16 =	vld [tilespmem:$0x50]  }
0x2e: {  	v35 =	vld [tilespmem:$0x60]  }
0x2f: {  	v43 =	vld [tilespmem:$0x70]  }
0x30: {  	v5 =	vld [tilespmem:$0x180];
	v8 =	vand.u32 $0x1, v3  }
0x31: {  	v4 =	vld [tilespmem:$0x100];
	v3 =	vshra.s32 v3, $0x1;
	v29 =	vand.u32 $0x1, v7;
	v7 =	vshra.s32 v7, $0x1  }
0x32: {  	v6 =	vld [tilespmem:$0x80];
	v13 =	vand.u32 $0x1, v27;
	v15 =	vand.u32 $0x1, v28;
	v34 =	vand.u32 $0x1, v14  }
0x33: {  	v36 =	vshra.s32 v14, $0x1;
	v37 =	vand.u32 $0x1, v16;
	v42 =	vshra.s32 v16, $0x1  }
0x34: {  	v10 =	vld [tilespmem:$0x90];
	v45 =	vand.u32 $0x1, v35;
	v49 =	vand.u32 $0x1, v43;
	v50 =	vshra.s32 v43, $0x1  }
0x35: {  	v11 =	vld [tilespmem:$0xA0];
	vm1 =	veq.s32 v8, $0x1;
	v3 =	vmul.u32 v5, v3;
	v7 =	vmul.u32 v5, v7  }
0x36: {  	v8 =	vshra.s32 v27, $0x1;
	v44 =	vmul.u32 v5, v42;
	v9 =	vnsel vm1, $0x0, v4  }
0x37: {  	v30 =	vld [tilespmem:$0xB0];
	vm1 =	veq.s32 v29, $0x1;
	v8 =	vmul.u32 v5, v8;
	v6 =	vadd.s32 v9, v6  }
0x38: {  	v12 =	vnsel vm1, $0x0, v4;
	vm1 =	veq.s32 v13, $0x1;
	v3 =	vadd.s32 v3, v6  }
0x39: {  	v9 =	vshra.s32 v28, $0x1;
	v13 =	vnsel vm1, $0x0, v4;
	v3 =	vadd.s32 $0xFFFFFFFF, v3  }
0x3a: {  	v31 =	vld [tilespmem:$0xC0];
	v10 =	vadd.s32 v12, v10;
	vm1 =	veq.s32 v15, $0x1;
	v11 =	vadd.s32 v13, v11;
	[tilespmem:$0x200] =	vst v3  }
0x3b: {  	v7 =	vadd.s32 v7, v10;
	v32 =	vnsel vm1, $0x0, v4;
	vm1 =	veq.s32 v34, $0x1;
	v38 =	vld [tilespmem:$0x200]  }
0x3c: {  	v13 =	vshra.s32 v35, $0x1;
	v8 =	vadd.s32 v8, v11;
	v6 =	vadd.s32 v32, v30  }
0x3d: {  	v33 =	vld [tilespmem:$0xD0];
	v3 =	vmul.u32 v5, v9;
	v10 =	vnsel vm1, $0x0, v4;
	v9 =	vmul.u32 v5, v36  }
0x3e: {  	vm1 =	veq.s32 v37, $0x1;
	v7 =	vadd.s32 $0xFFFFFFFF, v7;
	v52 =	vmul.u32 v5, v13  }
0x3f: {  	v40 =	vld [tilespmem:$0xE0];
	v5 =	vmul.u32 v5, v50;
	v39 =	vadd.s32 v10, v31;
	v41 =	vnsel vm1, $0x0, v4  }
0x40: {  	v8 =	vadd.s32 $0xFFFFFFFF, v8;
	vm1 =	veq.s32 v45, $0x1;
	v47 =	vshll.u32 v38, $0x4  }
0x41: {  	v48 =	vld [tilespmem:$0xF0];
	v3 =	vadd.s32 v3, v6;
	v15 =	vand.u32 $0x7, v38;
	v12 =	vand.u32 $0xFFFFFF80, v47  }
0x42: {  	v6 =	vadd.s32 v9, v39;
	v9 =	vadd.s32 v41, v33;
	v12 =	vor.u32 v15, v12  }
0x43: {  	[tilespmem:$0x280] =	vst v7;
	v46 =	vnsel vm1, $0x0, v4;
	vm1 =	veq.s32 v49, $0x1;
	v51 =	vperm.xlane v12, v0  }
0x44: {  	[tilespmem:$0x300] =	vst v8;
	v9 =	vadd.s32 v44, v9;
	v10 =	vadd.s32 v46, v40;
	v3 =	vadd.s32 $0xFFFFFFFF, v3  }
0x45: {  	v53 =	vadd.s32 $0xFFFFFFFF, v6;
	[tilespmem:$0x380] =	vst v3;
	v3 =	vnsel vm1, $0x0, v4;
	v54 =	vadd.s32 v1, v51  }
0x46: {  	[tilespmem:$0x400] =	vst v53;
	v55 =	vadd.s32 v52, v10;
	v56 =	vadd.s32 $0xFFFFFFFF, v9;
	v3 =	vadd.s32 v3, v48  }
0x47: {  	[tilespmem:$0x480] =	vst v56;
	v4 =	vadd.s32 $0xFFFFFFFF, v55;
	v3 =	vadd.s32 v5, v3  }
0x48: {  	[tilespmem:$0x500] =	vst v4;
	v3 =	vadd.s32 $0xFFFFFFFF, v3  }
0x49: {  	s0 =	simm.s32 $0x600;
	[tilespmem:$0x580] =	vst v3  }
0x4a: {  	[tilespmem:s0], [sflag:$0x1] =	stream.indirect_vreg.gather [hbm4b:s3+s2], $0x80, v54, vm0, $0xb8;
	[tilespmem:$0x10600] =	vst v63  }
0x4b: {  	s28 =	simm.s32 $0xE00  }
0x4c: {  	[tilespmem:s28], [sflag:$0x1] =	stream.indirect_vreg.gather [hbm4b:s5+s2], $0x80, v54, vm0, $0xb8;
	[tilespmem:$0x10600] =	vst v63  }
0x4d: {  	s15 =	simm.s32 $0x1600  }
0x4e: {  	[tilespmem:s15], [sflag:$0x1] =	stream.indirect_vreg.gather [hbm4b:s6+s2], $0x80, v54, vm0, $0xb8;
	[tilespmem:$0x10600] =	vst v63  }
0x4f: {  	s16 =	simm.s32 $0x1E00  }
0x50: {  	[tilespmem:s16], [sflag:$0x1] =	stream.indirect_vreg.gather [hbm4b:s7+s2], $0x80, v54, vm0, $0xb8;
	[tilespmem:$0x10600] =	vst v63  }
0x51: {  	s17 =	simm.s32 $0x2600  }
0x52: {  	[tilespmem:s17], [sflag:$0x1] =	stream.indirect_vreg.gather [hbm4b:s8+s2], $0x80, v54, vm0, $0xb8;
	[tilespmem:$0x10600] =	vst v63  }
0x53: {  	s19 =	simm.s32 $0x2E00;
	v3 =	vperm.xlane v12, v2  }
0x54: {  	[tilespmem:s19], [sflag:$0x1] =	stream.indirect_vreg.gather [hbm4b:s9+s2], $0x80, v54, vm0, $0xb8;
	[tilespmem:$0x10600] =	vst v63  }
0x55: {  	s21 =	simm.s32 $0x3600;
	v3 =	vadd.s32 v1, v3  }
0x56: {  	[tilespmem:s21], [sflag:$0x1] =	stream.indirect_vreg.gather [hbm4b:s10+s2], $0x80, v54, vm0, $0xb8;
	[tilespmem:$0x10600] =	vst v63  }
0x57: {  	s22 =	simm.s32 $0x3E00  }
0x58: {  	[tilespmem:s22], [sflag:$0x1] =	stream.indirect_vreg.gather [hbm4b:s11+s2], $0x80, v54, vm0, $0xb8;
	[tilespmem:$0x10600] =	vst v63  }
0x59: {  	s23 =	simm.s32 $0x4600  }
0x5a: {  	[tilespmem:s23], [sflag:$0x1] =	stream.indirect_vreg.gather [hbm4b:s3+s2], $0x80, v3, vm0, $0xb8;
	[tilespmem:$0x10600] =	vst v63  }
0x5b: {  	s24 =	simm.s32 $0x4E00  }
0x5c: {  	[tilespmem:s24], [sflag:$0x1] =	stream.indirect_vreg.gather [hbm4b:s5+s2], $0x80, v3, vm0, $0xb8;
	[tilespmem:$0x10600] =	vst v63  }
0x5d: {  	s25 =	simm.s32 $0x5600  }
0x5e: {  	[tilespmem:s25], [sflag:$0x1] =	stream.indirect_vreg.gather [hbm4b:s6+s2], $0x80, v3, vm0, $0xb8;
	[tilespmem:$0x10600] =	vst v63  }
0x5f: {  	s26 =	simm.s32 $0x5E00  }
0x60: {  	[tilespmem:s26], [sflag:$0x1] =	stream.indirect_vreg.gather [hbm4b:s7+s2], $0x80, v3, vm0, $0xb8;
	[tilespmem:$0x10600] =	vst v63  }
0x61: {  	s28 =	simm.s32 $0x6600  }
0x62: {  	[tilespmem:s28], [sflag:$0x1] =	stream.indirect_vreg.gather [hbm4b:s8+s2], $0x80, v3, vm0, $0xb8;
	[tilespmem:$0x10600] =	vst v63  }
0x63: {  	s15 =	simm.s32 $0x6E00  }
0x64: {  	[tilespmem:s15], [sflag:$0x1] =	stream.indirect_vreg.gather [hbm4b:s9+s2], $0x80, v3, vm0, $0xb8;
	[tilespmem:$0x10600] =	vst v63  }
0x65: {  	s19 =	simm.s32 $0x7600  }
0x66: {  	[tilespmem:s19], [sflag:$0x1] =	stream.indirect_vreg.gather [hbm4b:s10+s2], $0x80, v3, vm0, $0xb8;
	[tilespmem:$0x10600] =	vst v63  }
0x67: {  	s15 =	simm.s32 $0x7E00  }
0x68: {  	[tilespmem:s15], [sflag:$0x1] =	stream.indirect_vreg.gather [hbm4b:s11+s2], $0x80, v3, vm0, $0xb8;
	[tilespmem:$0x10600] =	vst v63  }
0x69: {  	_ =	swait.ge [sflag:s31], $0x8000  }
0x6a: {  	[sflag:s31] =	ssyncset.done $0x0  }
0x6b: {  	s4 =	rddreg [dreg:$0x11];
	[sflag:s31] =	ssyncadd.s32 $0xFFFF8000  }
0x6c: {  	[hbm4b:s4+s2] =	stream.linear.scatter [tilespmem:s0], [sflag:$0x3], $0x8000, $0x38;
	[tilespmem:$0x10600] =	vst v63  }
0x6d: {  	v3 =	vld [tilespmem:$0x280];
	_ =	sdelay $0x4  }
0x6e: {  	v57 =	vshll.u32 v3, $0x4  }
0x6f: {  	v3 =	vand.u32 $0x7, v3;
	v4 =	vand.u32 $0xFFFFFF80, v57  }
0x70: {  	v3 =	vor.u32 v3, v4  }
0x71: {  	v4 =	vperm.xlane v3, v0;
	_ =	sdelay $0x1  }
0x72: {  	v4 =	vadd.s32 v1, v4;
	_ =	sdelay $0x4  }
0x73: {  	[tilespmem:s13], [sflag:$0x2] =	stream.indirect_vreg.gather [hbm4b:s3+s2], $0x80, v4, vm0, $0xb8;
	[tilespmem:$0x10600] =	vst v63  }
0x74: {  	s4 =	simm.s32 $0x8E00  }
0x75: {  	[tilespmem:s4], [sflag:$0x2] =	stream.indirect_vreg.gather [hbm4b:s5+s2], $0x80, v4, vm0, $0xb8;
	[tilespmem:$0x10600] =	vst v63  }
0x76: {  	s4 =	simm.s32 $0x9600  }
0x77: {  	[tilespmem:s4], [sflag:$0x2] =	stream.indirect_vreg.gather [hbm4b:s6+s2], $0x80, v4, vm0, $0xb8;
	[tilespmem:$0x10600] =	vst v63  }
0x78: {  	s4 =	simm.s32 $0x9E00  }
0x79: {  	[tilespmem:s4], [sflag:$0x2] =	stream.indirect_vreg.gather [hbm4b:s7+s2], $0x80, v4, vm0, $0xb8;
	[tilespmem:$0x10600] =	vst v63  }
0x7a: {  	s4 =	simm.s32 $0xA600  }
0x7b: {  	[tilespmem:s4], [sflag:$0x2] =	stream.indirect_vreg.gather [hbm4b:s8+s2], $0x80, v4, vm0, $0xb8;
	[tilespmem:$0x10600] =	vst v63  }
0x7c: {  	v3 =	vperm.xlane v3, v2;
	s4 =	simm.s32 $0xAE00  }
0x7d: {  	[tilespmem:s4], [sflag:$0x2] =	stream.indirect_vreg.gather [hbm4b:s9+s2], $0x80, v4, vm0, $0xb8;
	[tilespmem:$0x10600] =	vst v63  }
0x7e: {  	v3 =	vadd.s32 v1, v3;
	s4 =	simm.s32 $0xB600  }
0x7f: {  	[tilespmem:s4], [sflag:$0x2] =	stream.indirect_vreg.gather [hbm4b:s10+s2], $0x80, v4, vm0, $0xb8;
	[tilespmem:$0x10600] =	vst v63  }
0x80: {  	s4 =	simm.s32 $0xBE00  }
0x81: {  	[tilespmem:s4], [sflag:$0x2] =	stream.indirect_vreg.gather [hbm4b:s11+s2], $0x80, v4, vm0, $0xb8;
	[tilespmem:$0x10600] =	vst v63  }
0x82: {  	s4 =	simm.s32 $0xC600  }
0x83: {  	[tilespmem:s4], [sflag:$0x2] =	stream.indirect_vreg.gather [hbm4b:s3+s2], $0x80, v3, vm0, $0xb8;
	[tilespmem:$0x10600] =	vst v63  }
0x84: {  	s4 =	simm.s32 $0xCE00  }
0x85: {  	[tilespmem:s4], [sflag:$0x2] =	stream.indirect_vreg.gather [hbm4b:s5+s2], $0x80, v3, vm0, $0xb8;
	[tilespmem:$0x10600] =	vst v63  }
0x86: {  	s4 =	simm.s32 $0xD600  }
0x87: {  	[tilespmem:s4], [sflag:$0x2] =	stream.indirect_vreg.gather [hbm4b:s6+s2], $0x80, v3, vm0, $0xb8;
	[tilespmem:$0x10600] =	vst v63  }
0x88: {  	s4 =	simm.s32 $0xDE00  }
0x89: {  	[tilespmem:s4], [sflag:$0x2] =	stream.indirect_vreg.gather [hbm4b:s7+s2], $0x80, v3, vm0, $0xb8;
	[tilespmem:$0x10600] =	vst v63  }
0x8a: {  	s4 =	simm.s32 $0xE600  }
0x8b: {  	[tilespmem:s4], [sflag:$0x2] =	stream.indirect_vreg.gather [hbm4b:s8+s2], $0x80, v3, vm0, $0xb8;
	[tilespmem:$0x10600] =	vst v63  }
0x8c: {  	s4 =	simm.s32 $0xEE00  }
0x8d: {  	[tilespmem:s4], [sflag:$0x2] =	stream.indirect_vreg.gather [hbm4b:s9+s2], $0x80, v3, vm0, $0xb8;
	[tilespmem:$0x10600] =	vst v63  }
0x8e: {  	s4 =	simm.s32 $0xF600  }
0x8f: {  	[tilespmem:s4], [sflag:$0x2] =	stream.indirect_vreg.gather [hbm4b:s10+s2], $0x80, v3, vm0, $0xb8;
	[tilespmem:$0x10600] =	vst v63  }
0x90: {  	s4 =	simm.s32 $0xFE00  }
0x91: {  	[tilespmem:s4], [sflag:$0x2] =	stream.indirect_vreg.gather [hbm4b:s11+s2], $0x80, v3, vm0, $0xb8;
	[tilespmem:$0x10600] =	vst v63  }
0x92: {  	_ =	swait.ge [sflag:s29], $0x8000  }
0x93: {  	[sflag:s29] =	ssyncset.done $0x0  }
0x94: {  	s4 =	rddreg [dreg:$0x7];
	[sflag:s29] =	ssyncadd.s32 $0xFFFF8000  }
0x95: {  	[hbm4b:s4+s2] =	stream.linear.scatter [tilespmem:s13], [sflag:$0x4], $0x8000, $0x38;
	[tilespmem:$0x10600] =	vst v63  }
0x96: {  	_ =	swait.ge [sflag:s30], $0x8000  }
0x97: {  	[sflag:s30] =	ssyncset.done $0x0  }
0x98: {  	[sflag:s30] =	ssyncadd.s32 $0xFFFF8000  }
0x99: {  	v3 =	vld [tilespmem:$0x300];
	_ =	sdelay $0x4  }
0x9a: {  	v58 =	vshll.u32 v3, $0x4  }
0x9b: {  	v3 =	vand.u32 $0x7, v3;
	v4 =	vand.u32 $0xFFFFFF80, v58  }
0x9c: {  	v3 =	vor.u32 v3, v4  }
0x9d: {  	v4 =	vperm.xlane v3, v0;
	_ =	sdelay $0x1  }
0x9e: {  	v4 =	vadd.s32 v1, v4;
	_ =	sdelay $0x4  }
0x9f: {  	[tilespmem:s0], [sflag:$0x1] =	stream.indirect_vreg.gather [hbm4b:s3+s2], $0x80, v4, vm0, $0xb8;
	[tilespmem:$0x10600] =	vst v63  }
0xa0: {  	s20 =	simm.s32 $0xE00  }
0xa1: {  	[tilespmem:s20], [sflag:$0x1] =	stream.indirect_vreg.gather [hbm4b:s5+s2], $0x80, v4, vm0, $0xb8;
	[tilespmem:$0x10600] =	vst v63  }
0xa2: {  	s20 =	simm.s32 $0x1600  }
0xa3: {  	[tilespmem:s20], [sflag:$0x1] =	stream.indirect_vreg.gather [hbm4b:s6+s2], $0x80, v4, vm0, $0xb8;
	[tilespmem:$0x10600] =	vst v63  }
0xa4: {  	s18 =	simm.s32 $0x1E00  }
0xa5: {  	[tilespmem:s18], [sflag:$0x1] =	stream.indirect_vreg.gather [hbm4b:s7+s2], $0x80, v4, vm0, $0xb8;
	[tilespmem:$0x10600] =	vst v63  }
0xa6: {  	s16 =	simm.s32 $0x2600  }
0xa7: {  	[tilespmem:s16], [sflag:$0x1] =	stream.indirect_vreg.gather [hbm4b:s8+s2], $0x80, v4, vm0, $0xb8;
	[tilespmem:$0x10600] =	vst v63  }
0xa8: {  	s17 =	simm.s32 $0x2E00;
	v3 =	vperm.xlane v3, v2  }
0xa9: {  	[tilespmem:s17], [sflag:$0x1] =	stream.indirect_vreg.gather [hbm4b:s9+s2], $0x80, v4, vm0, $0xb8;
	[tilespmem:$0x10600] =	vst v63  }
0xaa: {  	s21 =	simm.s32 $0x3600;
	v3 =	vadd.s32 v1, v3  }
0xab: {  	[tilespmem:s21], [sflag:$0x1] =	stream.indirect_vreg.gather [hbm4b:s10+s2], $0x80, v4, vm0, $0xb8;
	[tilespmem:$0x10600] =	vst v63  }
0xac: {  	s22 =	simm.s32 $0x3E00  }
0xad: {  	[tilespmem:s22], [sflag:$0x1] =	stream.indirect_vreg.gather [hbm4b:s11+s2], $0x80, v4, vm0, $0xb8;
	[tilespmem:$0x10600] =	vst v63  }
0xae: {  	s23 =	simm.s32 $0x4600  }
0xaf: {  	[tilespmem:s23], [sflag:$0x1] =	stream.indirect_vreg.gather [hbm4b:s3+s2], $0x80, v3, vm0, $0xb8;
	[tilespmem:$0x10600] =	vst v63  }
0xb0: {  	s24 =	simm.s32 $0x4E00  }
0xb1: {  	[tilespmem:s24], [sflag:$0x1] =	stream.indirect_vreg.gather [hbm4b:s5+s2], $0x80, v3, vm0, $0xb8;
	[tilespmem:$0x10600] =	vst v63  }
0xb2: {  	s25 =	simm.s32 $0x5600  }
0xb3: {  	[tilespmem:s25], [sflag:$0x1] =	stream.indirect_vreg.gather [hbm4b:s6+s2], $0x80, v3, vm0, $0xb8;
	[tilespmem:$0x10600] =	vst v63  }
0xb4: {  	s26 =	simm.s32 $0x5E00  }
0xb5: {  	[tilespmem:s26], [sflag:$0x1] =	stream.indirect_vreg.gather [hbm4b:s7+s2], $0x80, v3, vm0, $0xb8;
	[tilespmem:$0x10600] =	vst v63  }
0xb6: {  	s28 =	simm.s32 $0x6600  }
0xb7: {  	[tilespmem:s28], [sflag:$0x1] =	stream.indirect_vreg.gather [hbm4b:s8+s2], $0x80, v3, vm0, $0xb8;
	[tilespmem:$0x10600] =	vst v63  }
0xb8: {  	s21 =	simm.s32 $0x6E00  }
0xb9: {  	[tilespmem:s21], [sflag:$0x1] =	stream.indirect_vreg.gather [hbm4b:s9+s2], $0x80, v3, vm0, $0xb8;
	[tilespmem:$0x10600] =	vst v63  }
0xba: {  	s19 =	simm.s32 $0x7600  }
0xbb: {  	[tilespmem:s19], [sflag:$0x1] =	stream.indirect_vreg.gather [hbm4b:s10+s2], $0x80, v3, vm0, $0xb8;
	[tilespmem:$0x10600] =	vst v63  }
0xbc: {  	s15 =	simm.s32 $0x7E00  }
0xbd: {  	[tilespmem:s15], [sflag:$0x1] =	stream.indirect_vreg.gather [hbm4b:s11+s2], $0x80, v3, vm0, $0xb8;
	[tilespmem:$0x10600] =	vst v63  }
0xbe: {  	_ =	swait.ge [sflag:s31], $0x8000  }
0xbf: {  	[sflag:s31] =	ssyncset.done $0x0  }
0xc0: {  	s22 =	rddreg [dreg:$0x8];
	[sflag:s31] =	ssyncadd.s32 $0xFFFF8000  }
0xc1: {  	[hbm4b:s22+s2] =	stream.linear.scatter [tilespmem:s0], [sflag:$0x3], $0x8000, $0x38;
	[tilespmem:$0x10600] =	vst v63  }
0xc2: {  	_ =	swait.ge [sflag:s1], $0x8000  }
0xc3: {  	[sflag:s1] =	ssyncset.done $0x0  }
0xc4: {  	[sflag:s1] =	ssyncadd.s32 $0xFFFF8000  }
0xc5: {  	v3 =	vld [tilespmem:$0x380];
	_ =	sdelay $0x4  }
0xc6: {  	v59 =	vshll.u32 v3, $0x4  }
0xc7: {  	v3 =	vand.u32 $0x7, v3;
	v4 =	vand.u32 $0xFFFFFF80, v59  }
0xc8: {  	v3 =	vor.u32 v3, v4  }
0xc9: {  	v4 =	vperm.xlane v3, v0;
	_ =	sdelay $0x1  }
0xca: {  	v4 =	vadd.s32 v1, v4;
	_ =	sdelay $0x4  }
0xcb: {  	[tilespmem:s13], [sflag:$0x2] =	stream.indirect_vreg.gather [hbm4b:s3+s2], $0x80, v4, vm0, $0xb8;
	[tilespmem:$0x10600] =	vst v63  }
0xcc: {  	s23 =	simm.s32 $0x8E00  }
0xcd: {  	[tilespmem:s23], [sflag:$0x2] =	stream.indirect_vreg.gather [hbm4b:s5+s2], $0x80, v4, vm0, $0xb8;
	[tilespmem:$0x10600] =	vst v63  }
0xce: {  	s24 =	simm.s32 $0x9600  }
0xcf: {  	[tilespmem:s24], [sflag:$0x2] =	stream.indirect_vreg.gather [hbm4b:s6+s2], $0x80, v4, vm0, $0xb8;
	[tilespmem:$0x10600] =	vst v63  }
0xd0: {  	s25 =	simm.s32 $0x9E00  }
0xd1: {  	[tilespmem:s25], [sflag:$0x2] =	stream.indirect_vreg.gather [hbm4b:s7+s2], $0x80, v4, vm0, $0xb8;
	[tilespmem:$0x10600] =	vst v63  }
0xd2: {  	s26 =	simm.s32 $0xA600  }
0xd3: {  	[tilespmem:s26], [sflag:$0x2] =	stream.indirect_vreg.gather [hbm4b:s8+s2], $0x80, v4, vm0, $0xb8;
	[tilespmem:$0x10600] =	vst v63  }
0xd4: {  	s28 =	simm.s32 $0xAE00;
	v3 =	vperm.xlane v3, v2  }
0xd5: {  	[tilespmem:s28], [sflag:$0x2] =	stream.indirect_vreg.gather [hbm4b:s9+s2], $0x80, v4, vm0, $0xb8;
	[tilespmem:$0x10600] =	vst v63  }
0xd6: {  	s15 =	simm.s32 $0xB600;
	v3 =	vadd.s32 v1, v3  }
0xd7: {  	[tilespmem:s15], [sflag:$0x2] =	stream.indirect_vreg.gather [hbm4b:s10+s2], $0x80, v4, vm0, $0xb8;
	[tilespmem:$0x10600] =	vst v63  }
0xd8: {  	s16 =	simm.s32 $0xBE00  }
0xd9: {  	[tilespmem:s16], [sflag:$0x2] =	stream.indirect_vreg.gather [hbm4b:s11+s2], $0x80, v4, vm0, $0xb8;
	[tilespmem:$0x10600] =	vst v63  }
0xda: {  	s17 =	simm.s32 $0xC600  }
0xdb: {  	[tilespmem:s17], [sflag:$0x2] =	stream.indirect_vreg.gather [hbm4b:s3+s2], $0x80, v3, vm0, $0xb8;
	[tilespmem:$0x10600] =	vst v63  }
0xdc: {  	s19 =	simm.s32 $0xCE00  }
0xdd: {  	[tilespmem:s19], [sflag:$0x2] =	stream.indirect_vreg.gather [hbm4b:s5+s2], $0x80, v3, vm0, $0xb8;
	[tilespmem:$0x10600] =	vst v63  }
0xde: {  	s21 =	simm.s32 $0xD600  }
0xdf: {  	[tilespmem:s21], [sflag:$0x2] =	stream.indirect_vreg.gather [hbm4b:s6+s2], $0x80, v3, vm0, $0xb8;
	[tilespmem:$0x10600] =	vst v63  }
0xe0: {  	s22 =	simm.s32 $0xDE00  }
0xe1: {  	[tilespmem:s22], [sflag:$0x2] =	stream.indirect_vreg.gather [hbm4b:s7+s2], $0x80, v3, vm0, $0xb8;
	[tilespmem:$0x10600] =	vst v63  }
0xe2: {  	s23 =	simm.s32 $0xE600  }
0xe3: {  	[tilespmem:s23], [sflag:$0x2] =	stream.indirect_vreg.gather [hbm4b:s8+s2], $0x80, v3, vm0, $0xb8;
	[tilespmem:$0x10600] =	vst v63  }
0xe4: {  	s24 =	simm.s32 $0xEE00  }
0xe5: {  	[tilespmem:s24], [sflag:$0x2] =	stream.indirect_vreg.gather [hbm4b:s9+s2], $0x80, v3, vm0, $0xb8;
	[tilespmem:$0x10600] =	vst v63  }
0xe6: {  	s25 =	simm.s32 $0xF600  }
0xe7: {  	[tilespmem:s25], [sflag:$0x2] =	stream.indirect_vreg.gather [hbm4b:s10+s2], $0x80, v3, vm0, $0xb8;
	[tilespmem:$0x10600] =	vst v63  }
0xe8: {  	s4 =	simm.s32 $0xFE00  }
0xe9: {  	[tilespmem:s4], [sflag:$0x2] =	stream.indirect_vreg.gather [hbm4b:s11+s2], $0x80, v3, vm0, $0xb8;
	[tilespmem:$0x10600] =	vst v63  }
0xea: {  	_ =	swait.ge [sflag:s29], $0x8000  }
0xeb: {  	[sflag:s29] =	ssyncset.done $0x0  }
0xec: {  	s4 =	rddreg [dreg:$0x9];
	[sflag:s29] =	ssyncadd.s32 $0xFFFF8000  }
0xed: {  	[hbm4b:s4+s2] =	stream.linear.scatter [tilespmem:s13], [sflag:$0x4], $0x8000, $0x38;
	[tilespmem:$0x10600] =	vst v63  }
0xee: {  	_ =	swait.ge [sflag:s30], $0x8000  }
0xef: {  	[sflag:s30] =	ssyncset.done $0x0  }
0xf0: {  	[sflag:s30] =	ssyncadd.s32 $0xFFFF8000  }
0xf1: {  	v3 =	vld [tilespmem:$0x400];
	_ =	sdelay $0x4  }
0xf2: {  	v60 =	vshll.u32 v3, $0x4  }
0xf3: {  	v3 =	vand.u32 $0x7, v3;
	v4 =	vand.u32 $0xFFFFFF80, v60  }
0xf4: {  	v3 =	vor.u32 v3, v4  }
0xf5: {  	v4 =	vperm.xlane v3, v0;
	_ =	sdelay $0x1  }
0xf6: {  	v4 =	vadd.s32 v1, v4;
	_ =	sdelay $0x4  }
0xf7: {  	[tilespmem:s0], [sflag:$0x1] =	stream.indirect_vreg.gather [hbm4b:s3+s2], $0x80, v4, vm0, $0xb8;
	[tilespmem:$0x10600] =	vst v63  }
0xf8: {  	s4 =	simm.s32 $0xE00  }
0xf9: {  	[tilespmem:s4], [sflag:$0x1] =	stream.indirect_vreg.gather [hbm4b:s5+s2], $0x80, v4, vm0, $0xb8;
	[tilespmem:$0x10600] =	vst v63  }
0xfa: {  	s4 =	simm.s32 $0x1600  }
0xfb: {  	[tilespmem:s4], [sflag:$0x1] =	stream.indirect_vreg.gather [hbm4b:s6+s2], $0x80, v4, vm0, $0xb8;
	[tilespmem:$0x10600] =	vst v63  }
0xfc: {  	s4 =	simm.s32 $0x1E00  }
0xfd: {  	[tilespmem:s4], [sflag:$0x1] =	stream.indirect_vreg.gather [hbm4b:s7+s2], $0x80, v4, vm0, $0xb8;
	[tilespmem:$0x10600] =	vst v63  }
0xfe: {  	s4 =	simm.s32 $0x2600  }
0xff: {  	[tilespmem:s4], [sflag:$0x1] =	stream.indirect_vreg.gather [hbm4b:s8+s2], $0x80, v4, vm0, $0xb8;
	[tilespmem:$0x10600] =	vst v63  }
0x100: {  	v3 =	vperm.xlane v3, v2;
	s4 =	simm.s32 $0x2E00  }
0x101: {  	[tilespmem:s4], [sflag:$0x1] =	stream.indirect_vreg.gather [hbm4b:s9+s2], $0x80, v4, vm0, $0xb8;
	[tilespmem:$0x10600] =	vst v63  }
0x102: {  	v3 =	vadd.s32 v1, v3;
	s4 =	simm.s32 $0x3600  }
0x103: {  	[tilespmem:s4], [sflag:$0x1] =	stream.indirect_vreg.gather [hbm4b:s10+s2], $0x80, v4, vm0, $0xb8;
	[tilespmem:$0x10600] =	vst v63  }
0x104: {  	s4 =	simm.s32 $0x3E00  }
0x105: {  	[tilespmem:s4], [sflag:$0x1] =	stream.indirect_vreg.gather [hbm4b:s11+s2], $0x80, v4, vm0, $0xb8;
	[tilespmem:$0x10600] =	vst v63  }
0x106: {  	s4 =	simm.s32 $0x4600  }
0x107: {  	[tilespmem:s4], [sflag:$0x1] =	stream.indirect_vreg.gather [hbm4b:s3+s2], $0x80, v3, vm0, $0xb8;
	[tilespmem:$0x10600] =	vst v63  }
0x108: {  	s4 =	simm.s32 $0x4E00  }
0x109: {  	[tilespmem:s4], [sflag:$0x1] =	stream.indirect_vreg.gather [hbm4b:s5+s2], $0x80, v3, vm0, $0xb8;
	[tilespmem:$0x10600] =	vst v63  }
0x10a: {  	s4 =	simm.s32 $0x5600  }
0x10b: {  	[tilespmem:s4], [sflag:$0x1] =	stream.indirect_vreg.gather [hbm4b:s6+s2], $0x80, v3, vm0, $0xb8;
	[tilespmem:$0x10600] =	vst v63  }
0x10c: {  	s4 =	simm.s32 $0x5E00  }
0x10d: {  	[tilespmem:s4], [sflag:$0x1] =	stream.indirect_vreg.gather [hbm4b:s7+s2], $0x80, v3, vm0, $0xb8;
	[tilespmem:$0x10600] =	vst v63  }
0x10e: {  	s4 =	simm.s32 $0x6600  }
0x10f: {  	[tilespmem:s4], [sflag:$0x1] =	stream.indirect_vreg.gather [hbm4b:s8+s2], $0x80, v3, vm0, $0xb8;
	[tilespmem:$0x10600] =	vst v63  }
0x110: {  	s4 =	simm.s32 $0x6E00  }
0x111: {  	[tilespmem:s4], [sflag:$0x1] =	stream.indirect_vreg.gather [hbm4b:s9+s2], $0x80, v3, vm0, $0xb8;
	[tilespmem:$0x10600] =	vst v63  }
0x112: {  	s4 =	simm.s32 $0x7600  }
0x113: {  	[tilespmem:s4], [sflag:$0x1] =	stream.indirect_vreg.gather [hbm4b:s10+s2], $0x80, v3, vm0, $0xb8;
	[tilespmem:$0x10600] =	vst v63  }
0x114: {  	s4 =	simm.s32 $0x7E00  }
0x115: {  	[tilespmem:s4], [sflag:$0x1] =	stream.indirect_vreg.gather [hbm4b:s11+s2], $0x80, v3, vm0, $0xb8;
	[tilespmem:$0x10600] =	vst v63  }
0x116: {  	_ =	swait.ge [sflag:s31], $0x8000  }
0x117: {  	[sflag:s31] =	ssyncset.done $0x0  }
0x118: {  	s4 =	rddreg [dreg:$0xa];
	[sflag:s31] =	ssyncadd.s32 $0xFFFF8000  }
0x119: {  	[hbm4b:s4+s2] =	stream.linear.scatter [tilespmem:s0], [sflag:$0x3], $0x8000, $0x38;
	[tilespmem:$0x10600] =	vst v63  }
0x11a: {  	_ =	swait.ge [sflag:s1], $0x8000  }
0x11b: {  	[sflag:s1] =	ssyncset.done $0x0  }
0x11c: {  	[sflag:s1] =	ssyncadd.s32 $0xFFFF8000  }
0x11d: {  	v3 =	vld [tilespmem:$0x480];
	_ =	sdelay $0x4  }
0x11e: {  	v61 =	vshll.u32 v3, $0x4  }
0x11f: {  	v3 =	vand.u32 $0x7, v3;
	v4 =	vand.u32 $0xFFFFFF80, v61  }
0x120: {  	v3 =	vor.u32 v3, v4  }
0x121: {  	v4 =	vperm.xlane v3, v0;
	_ =	sdelay $0x1  }
0x122: {  	v4 =	vadd.s32 v1, v4;
	_ =	sdelay $0x4  }
0x123: {  	[tilespmem:s13], [sflag:$0x2] =	stream.indirect_vreg.gather [hbm4b:s3+s2], $0x80, v4, vm0, $0xb8;
	[tilespmem:$0x10600] =	vst v63  }
0x124: {  	s18 =	simm.s32 $0x8E00  }
0x125: {  	[tilespmem:s18], [sflag:$0x2] =	stream.indirect_vreg.gather [hbm4b:s5+s2], $0x80, v4, vm0, $0xb8;
	[tilespmem:$0x10600] =	vst v63  }
0x126: {  	s20 =	simm.s32 $0x9600  }
0x127: {  	[tilespmem:s20], [sflag:$0x2] =	stream.indirect_vreg.gather [hbm4b:s6+s2], $0x80, v4, vm0, $0xb8;
	[tilespmem:$0x10600] =	vst v63  }
0x128: {  	s4 =	simm.s32 $0x9E00  }
0x129: {  	[tilespmem:s4], [sflag:$0x2] =	stream.indirect_vreg.gather [hbm4b:s7+s2], $0x80, v4, vm0, $0xb8;
	[tilespmem:$0x10600] =	vst v63  }
0x12a: {  	s26 =	simm.s32 $0xA600  }
0x12b: {  	[tilespmem:s26], [sflag:$0x2] =	stream.indirect_vreg.gather [hbm4b:s8+s2], $0x80, v4, vm0, $0xb8;
	[tilespmem:$0x10600] =	vst v63  }
0x12c: {  	s28 =	simm.s32 $0xAE00;
	v3 =	vperm.xlane v3, v2  }
0x12d: {  	[tilespmem:s28], [sflag:$0x2] =	stream.indirect_vreg.gather [hbm4b:s9+s2], $0x80, v4, vm0, $0xb8;
	[tilespmem:$0x10600] =	vst v63  }
0x12e: {  	s15 =	simm.s32 $0xB600;
	v3 =	vadd.s32 v1, v3  }
0x12f: {  	[tilespmem:s15], [sflag:$0x2] =	stream.indirect_vreg.gather [hbm4b:s10+s2], $0x80, v4, vm0, $0xb8;
	[tilespmem:$0x10600] =	vst v63  }
0x130: {  	s16 =	simm.s32 $0xBE00  }
0x131: {  	[tilespmem:s16], [sflag:$0x2] =	stream.indirect_vreg.gather [hbm4b:s11+s2], $0x80, v4, vm0, $0xb8;
	[tilespmem:$0x10600] =	vst v63  }
0x132: {  	s17 =	simm.s32 $0xC600  }
0x133: {  	[tilespmem:s17], [sflag:$0x2] =	stream.indirect_vreg.gather [hbm4b:s3+s2], $0x80, v3, vm0, $0xb8;
	[tilespmem:$0x10600] =	vst v63  }
0x134: {  	s19 =	simm.s32 $0xCE00  }
0x135: {  	[tilespmem:s19], [sflag:$0x2] =	stream.indirect_vreg.gather [hbm4b:s5+s2], $0x80, v3, vm0, $0xb8;
	[tilespmem:$0x10600] =	vst v63  }
0x136: {  	s21 =	simm.s32 $0xD600  }
0x137: {  	[tilespmem:s21], [sflag:$0x2] =	stream.indirect_vreg.gather [hbm4b:s6+s2], $0x80, v3, vm0, $0xb8;
	[tilespmem:$0x10600] =	vst v63  }
0x138: {  	s22 =	simm.s32 $0xDE00  }
0x139: {  	[tilespmem:s22], [sflag:$0x2] =	stream.indirect_vreg.gather [hbm4b:s7+s2], $0x80, v3, vm0, $0xb8;
	[tilespmem:$0x10600] =	vst v63  }
0x13a: {  	s23 =	simm.s32 $0xE600  }
0x13b: {  	[tilespmem:s23], [sflag:$0x2] =	stream.indirect_vreg.gather [hbm4b:s8+s2], $0x80, v3, vm0, $0xb8;
	[tilespmem:$0x10600] =	vst v63  }
0x13c: {  	s24 =	simm.s32 $0xEE00  }
0x13d: {  	[tilespmem:s24], [sflag:$0x2] =	stream.indirect_vreg.gather [hbm4b:s9+s2], $0x80, v3, vm0, $0xb8;
	[tilespmem:$0x10600] =	vst v63  }
0x13e: {  	s25 =	simm.s32 $0xF600  }
0x13f: {  	[tilespmem:s25], [sflag:$0x2] =	stream.indirect_vreg.gather [hbm4b:s10+s2], $0x80, v3, vm0, $0xb8;
	[tilespmem:$0x10600] =	vst v63  }
0x140: {  	s4 =	simm.s32 $0xFE00  }
0x141: {  	[tilespmem:s4], [sflag:$0x2] =	stream.indirect_vreg.gather [hbm4b:s11+s2], $0x80, v3, vm0, $0xb8;
	[tilespmem:$0x10600] =	vst v63  }
0x142: {  	_ =	swait.ge [sflag:s29], $0x8000  }
0x143: {  	[sflag:s29] =	ssyncset.done $0x0  }
0x144: {  	s4 =	rddreg [dreg:$0xb];
	[sflag:s29] =	ssyncadd.s32 $0xFFFF8000  }
0x145: {  	[hbm4b:s4+s2] =	stream.linear.scatter [tilespmem:s13], [sflag:$0x4], $0x8000, $0x38;
	[tilespmem:$0x10600] =	vst v63  }
0x146: {  	_ =	swait.ge [sflag:s30], $0x8000  }
0x147: {  	[sflag:s30] =	ssyncset.done $0x0  }
0x148: {  	[sflag:s30] =	ssyncadd.s32 $0xFFFF8000  }
0x149: {  	v3 =	vld [tilespmem:$0x500];
	_ =	sdelay $0x4  }
0x14a: {  	v62 =	vshll.u32 v3, $0x4  }
0x14b: {  	v3 =	vand.u32 $0x7, v3;
	v4 =	vand.u32 $0xFFFFFF80, v62  }
0x14c: {  	v3 =	vor.u32 v3, v4  }
0x14d: {  	v4 =	vperm.xlane v3, v0;
	_ =	sdelay $0x1  }
0x14e: {  	v4 =	vadd.s32 v1, v4;
	_ =	sdelay $0x4  }
0x14f: {  	[tilespmem:s0], [sflag:$0x1] =	stream.indirect_vreg.gather [hbm4b:s3+s2], $0x80, v4, vm0, $0xb8;
	[tilespmem:$0x10600] =	vst v63  }
0x150: {  	s4 =	simm.s32 $0xE00  }
0x151: {  	[tilespmem:s4], [sflag:$0x1] =	stream.indirect_vreg.gather [hbm4b:s5+s2], $0x80, v4, vm0, $0xb8;
	[tilespmem:$0x10600] =	vst v63  }
0x152: {  	s4 =	simm.s32 $0x1600  }
0x153: {  	[tilespmem:s4], [sflag:$0x1] =	stream.indirect_vreg.gather [hbm4b:s6+s2], $0x80, v4, vm0, $0xb8;
	[tilespmem:$0x10600] =	vst v63  }
0x154: {  	s4 =	simm.s32 $0x1E00  }
0x155: {  	[tilespmem:s4], [sflag:$0x1] =	stream.indirect_vreg.gather [hbm4b:s7+s2], $0x80, v4, vm0, $0xb8;
	[tilespmem:$0x10600] =	vst v63  }
0x156: {  	s4 =	simm.s32 $0x2600  }
0x157: {  	[tilespmem:s4], [sflag:$0x1] =	stream.indirect_vreg.gather [hbm4b:s8+s2], $0x80, v4, vm0, $0xb8;
	[tilespmem:$0x10600] =	vst v63  }
0x158: {  	v3 =	vperm.xlane v3, v2;
	s4 =	simm.s32 $0x2E00  }
0x159: {  	[tilespmem:s4], [sflag:$0x1] =	stream.indirect_vreg.gather [hbm4b:s9+s2], $0x80, v4, vm0, $0xb8;
	[tilespmem:$0x10600] =	vst v63  }
0x15a: {  	v3 =	vadd.s32 v1, v3;
	s4 =	simm.s32 $0x3600  }
0x15b: {  	[tilespmem:s4], [sflag:$0x1] =	stream.indirect_vreg.gather [hbm4b:s10+s2], $0x80, v4, vm0, $0xb8;
	[tilespmem:$0x10600] =	vst v63  }
0x15c: {  	s4 =	simm.s32 $0x3E00  }
0x15d: {  	[tilespmem:s4], [sflag:$0x1] =	stream.indirect_vreg.gather [hbm4b:s11+s2], $0x80, v4, vm0, $0xb8;
	[tilespmem:$0x10600] =	vst v63  }
0x15e: {  	s4 =	simm.s32 $0x4600  }
0x15f: {  	[tilespmem:s4], [sflag:$0x1] =	stream.indirect_vreg.gather [hbm4b:s3+s2], $0x80, v3, vm0, $0xb8;
	[tilespmem:$0x10600] =	vst v63  }
0x160: {  	s4 =	simm.s32 $0x4E00  }
0x161: {  	[tilespmem:s4], [sflag:$0x1] =	stream.indirect_vreg.gather [hbm4b:s5+s2], $0x80, v3, vm0, $0xb8;
	[tilespmem:$0x10600] =	vst v63  }
0x162: {  	s4 =	simm.s32 $0x5600  }
0x163: {  	[tilespmem:s4], [sflag:$0x1] =	stream.indirect_vreg.gather [hbm4b:s6+s2], $0x80, v3, vm0, $0xb8;
	[tilespmem:$0x10600] =	vst v63  }
0x164: {  	s4 =	simm.s32 $0x5E00  }
0x165: {  	[tilespmem:s4], [sflag:$0x1] =	stream.indirect_vreg.gather [hbm4b:s7+s2], $0x80, v3, vm0, $0xb8;
	[tilespmem:$0x10600] =	vst v63  }
0x166: {  	s4 =	simm.s32 $0x6600  }
0x167: {  	[tilespmem:s4], [sflag:$0x1] =	stream.indirect_vreg.gather [hbm4b:s8+s2], $0x80, v3, vm0, $0xb8;
	[tilespmem:$0x10600] =	vst v63  }
0x168: {  	s4 =	simm.s32 $0x6E00  }
0x169: {  	[tilespmem:s4], [sflag:$0x1] =	stream.indirect_vreg.gather [hbm4b:s9+s2], $0x80, v3, vm0, $0xb8;
	[tilespmem:$0x10600] =	vst v63  }
0x16a: {  	s4 =	simm.s32 $0x7600  }
0x16b: {  	[tilespmem:s4], [sflag:$0x1] =	stream.indirect_vreg.gather [hbm4b:s10+s2], $0x80, v3, vm0, $0xb8;
	[tilespmem:$0x10600] =	vst v63  }
0x16c: {  	s4 =	simm.s32 $0x7E00  }
0x16d: {  	[tilespmem:s4], [sflag:$0x1] =	stream.indirect_vreg.gather [hbm4b:s11+s2], $0x80, v3, vm0, $0xb8;
	[tilespmem:$0x10600] =	vst v63  }
0x16e: {  	_ =	swait.ge [sflag:s31], $0x8000  }
0x16f: {  	[sflag:s31] =	ssyncset.done $0x0  }
0x170: {  	s4 =	rddreg [dreg:$0xc];
	[sflag:s31] =	ssyncadd.s32 $0xFFFF8000  }
0x171: {  	[hbm4b:s4+s2] =	stream.linear.scatter [tilespmem:s0], [sflag:$0x3], $0x8000, $0x38;
	[tilespmem:$0x10600] =	vst v63  }
0x172: {  	_ =	swait.ge [sflag:s1], $0x8000  }
0x173: {  	[sflag:s1] =	ssyncset.done $0x0  }
0x174: {  	[sflag:s1] =	ssyncadd.s32 $0xFFFF8000  }
0x175: {  	v3 =	vld [tilespmem:$0x580];
	_ =	sdelay $0x4  }
0x176: {  	v63 =	vshll.u32 v3, $0x4  }
0x177: {  	v3 =	vand.u32 $0x7, v3;
	v4 =	vand.u32 $0xFFFFFF80, v63  }
0x178: {  	v3 =	vor.u32 v3, v4  }
0x179: {  	v4 =	vperm.xlane v3, v0;
	_ =	sdelay $0x1  }
0x17a: {  	v4 =	vadd.s32 v1, v4;
	_ =	sdelay $0x4  }
0x17b: {  	[tilespmem:s13], [sflag:$0x2] =	stream.indirect_vreg.gather [hbm4b:s3+s2], $0x80, v4, vm0, $0xb8;
	[tilespmem:$0x10600] =	vst v63  }
0x17c: {  	s18 =	simm.s32 $0x8E00  }
0x17d: {  	[tilespmem:s18], [sflag:$0x2] =	stream.indirect_vreg.gather [hbm4b:s5+s2], $0x80, v4, vm0, $0xb8;
	[tilespmem:$0x10600] =	vst v63  }
0x17e: {  	s20 =	simm.s32 $0x9600  }
0x17f: {  	[tilespmem:s20], [sflag:$0x2] =	stream.indirect_vreg.gather [hbm4b:s6+s2], $0x80, v4, vm0, $0xb8;
	[tilespmem:$0x10600] =	vst v63  }
0x180: {  	s20 =	simm.s32 $0x9E00  }
0x181: {  	[tilespmem:s20], [sflag:$0x2] =	stream.indirect_vreg.gather [hbm4b:s7+s2], $0x80, v4, vm0, $0xb8;
	[tilespmem:$0x10600] =	vst v63  }
0x182: {  	s26 =	simm.s32 $0xA600  }
0x183: {  	[tilespmem:s26], [sflag:$0x2] =	stream.indirect_vreg.gather [hbm4b:s8+s2], $0x80, v4, vm0, $0xb8;
	[tilespmem:$0x10600] =	vst v63  }
0x184: {  	s28 =	simm.s32 $0xAE00;
	v3 =	vperm.xlane v3, v2  }
0x185: {  	[tilespmem:s28], [sflag:$0x2] =	stream.indirect_vreg.gather [hbm4b:s9+s2], $0x80, v4, vm0, $0xb8;
	[tilespmem:$0x10600] =	vst v63  }
0x186: {  	s15 =	simm.s32 $0xB600;
	v3 =	vadd.s32 v1, v3  }
0x187: {  	[tilespmem:s15], [sflag:$0x2] =	stream.indirect_vreg.gather [hbm4b:s10+s2], $0x80, v4, vm0, $0xb8;
	[tilespmem:$0x10600] =	vst v63  }
0x188: {  	s16 =	simm.s32 $0xBE00  }
0x189: {  	[tilespmem:s16], [sflag:$0x2] =	stream.indirect_vreg.gather [hbm4b:s11+s2], $0x80, v4, vm0, $0xb8;
	[tilespmem:$0x10600] =	vst v63  }
0x18a: {  	s17 =	simm.s32 $0xC600  }
0x18b: {  	[tilespmem:s17], [sflag:$0x2] =	stream.indirect_vreg.gather [hbm4b:s3+s2], $0x80, v3, vm0, $0xb8;
	[tilespmem:$0x10600] =	vst v63  }
0x18c: {  	s19 =	simm.s32 $0xCE00  }
0x18d: {  	[tilespmem:s19], [sflag:$0x2] =	stream.indirect_vreg.gather [hbm4b:s5+s2], $0x80, v3, vm0, $0xb8;
	[tilespmem:$0x10600] =	vst v63  }
0x18e: {  	s21 =	simm.s32 $0xD600  }
0x18f: {  	[tilespmem:s21], [sflag:$0x2] =	stream.indirect_vreg.gather [hbm4b:s6+s2], $0x80, v3, vm0, $0xb8;
	[tilespmem:$0x10600] =	vst v63  }
0x190: {  	s22 =	simm.s32 $0xDE00  }
0x191: {  	[tilespmem:s22], [sflag:$0x2] =	stream.indirect_vreg.gather [hbm4b:s7+s2], $0x80, v3, vm0, $0xb8;
	[tilespmem:$0x10600] =	vst v63  }
0x192: {  	s23 =	simm.s32 $0xE600  }
0x193: {  	[tilespmem:s23], [sflag:$0x2] =	stream.indirect_vreg.gather [hbm4b:s8+s2], $0x80, v3, vm0, $0xb8;
	[tilespmem:$0x10600] =	vst v63  }
0x194: {  	s24 =	simm.s32 $0xEE00  }
0x195: {  	[tilespmem:s24], [sflag:$0x2] =	stream.indirect_vreg.gather [hbm4b:s9+s2], $0x80, v3, vm0, $0xb8;
	[tilespmem:$0x10600] =	vst v63  }
0x196: {  	s25 =	simm.s32 $0xF600  }
0x197: {  	[tilespmem:s25], [sflag:$0x2] =	stream.indirect_vreg.gather [hbm4b:s10+s2], $0x80, v3, vm0, $0xb8;
	[tilespmem:$0x10600] =	vst v63  }
0x198: {  	s26 =	simm.s32 $0xFE00  }
0x199: {  	[tilespmem:s26], [sflag:$0x2] =	stream.indirect_vreg.gather [hbm4b:s11+s2], $0x80, v3, vm0, $0xb8;
	[tilespmem:$0x10600] =	vst v63  }
0x19a: {  	_ =	swait.ge [sflag:s29], $0x8000  }
0x19b: {  	[sflag:s29] =	ssyncset.done $0x0  }
0x19c: {  	s28 =	rddreg [dreg:$0xd];
	[sflag:s29] =	ssyncadd.s32 $0xFFFF8000  }
0x19d: {  	[hbm4b:s28+s2] =	stream.linear.scatter [tilespmem:s13], [sflag:$0x4], $0x8000, $0x38;
	[tilespmem:$0x10600] =	vst v63  }
0x19e: {  	p0 =	sne.s32 s12, $0x1;
	_ =	swait.ge [sflag:s30], $0x8000  }
.Ltmp0:
0x19f: {  	[sflag:s30] =	ssyncset.done $0x0;
	(pc) =	sbr.rel @p0 .LBB2_1-.Ltmp0, $4  }
0x1a0: {  	[sflag:s30] =	ssyncadd.s32 $0xFFFF8000  }
0x1a1: {  	_ =	swait.ge [sflag:s1], $0x8000  }
0x1a2: {  	[sflag:s1] =	ssyncset.done $0x0  }
0x1a3: {  	s12 =	sadd.s32 $0xFFFFFFFF, s12;
	[sflag:s1] =	ssyncadd.s32 $0xFFFF8000  }
0x1a4: {  	_ =	sfence.sel $0x180000  }
0x1a5: {  	[bflag:$0x0] =	sbarrier.arrive $0xFFFF  }
0x1a6: {  	_ =	strace $0x9000004A  }
0x1a7: {  	s0 =	stileid.u32;
	[bflag:$0x2] =	sbarrier.arrive $0xFFFF  }
0x1a8: {  	p0 =	sne.s32 s0, $0x0;
	s0 =	rddreg [dreg:$0x2]  }
0x1a9: {  	s0 =	sadd.s32 @!p0 $0x100000, s0  }
0x1aa: {  	[sflag:s0] =	ssyncadd.tile.s32 @!p0 $0x1;
	_ =	shalt  }
.Lfunc_end2:
_tile_overlayer_lowered:
.L_overlay_start_2:
0x1ab: {  	(tag) =	ssettag $0x2  }
0x1ac: {  	s0 =	rddreg [dreg:$0x0];
	s2 =	stileid.u32  }
0x1ad: {  	s1 =	rddreg [dreg:$0x1];
	p0 =	sne.s32 s2, $0x0  }
0x1ae: {  	s3 =	rddreg [dreg:$0x2];
	[bflag:$0x3] =	sbarrier.arrive $0xFFFF;
	s2 =	simm.s32 @!p0 $0x1C05  }
0x1af: {  	[timem:s3], [sflag:s2] =	dma.local @!p0 [hbm:s0], s1  }
0x1b0: {  	s0 =	simm.s32 @!p0 $0x5  }
0x1b1: {  	_ =	swait.ge @!p0 [sflag:s0], s1  }
0x1b2: {  	s1 =	ssub.s32 @!p0 $0x0, s1;
	[sflag:s0] =	ssyncset.done @!p0 $0x0  }
0x1b3: {  	[sflag:s0] =	ssyncadd.s32 @!p0 s1  }
0x1b4: {  	[bflag:$0x3] =	sbarrier.arrive $0xFFFF  }
0x1b5: {  	_ =	shalt  }

</sc_bundles>
